<compile_context>
chip_gen: v7x
topology: tpu7x:2x2x1
jax: 0.10.2.dev20260603
libtpu: 0.0.44.dev20260713+nightly
codegen_flags: <defaults>
</compile_context>

<pallas_src>
import jax
import jax.numpy as jnp
from jax import lax
from jax.experimental import pallas as pl
from jax.experimental.pallas import tpu as pltpu
from jax.experimental.pallas import tpu_sc as plsc

_P = 0.5
_NNZ = 4194304
_NC = 2
_NS = 16
_NW = _NC * _NS
_L = 16
_PER_W = _NNZ // _NW
_C = 8192
_NCHUNK = _PER_W // _C
_NBUF = 4


def _body(v_hbm, m_hbm, o_hbm, *scratch):
    vbufs = scratch[0:_NBUF]
    mbufs = scratch[_NBUF:2 * _NBUF]
    obufs = scratch[2 * _NBUF:3 * _NBUF]
    in_sems = scratch[3 * _NBUF:4 * _NBUF]
    out_sems = scratch[4 * _NBUF:5 * _NBUF]

    wid = lax.axis_index("s") * _NC + lax.axis_index("c")
    base = wid * _PER_W

    def issue_in(g):
        s = g % _NBUF
        off = base + g * _C
        cv = pltpu.async_copy(v_hbm.at[pl.ds(off, _C)], vbufs[s], in_sems[s])
        cm = pltpu.async_copy(m_hbm.at[pl.ds(off, _C)], mbufs[s], in_sems[s])
        return cv, cm

    def issue_out(g):
        s = g % _NBUF
        off = base + g * _C
        return pltpu.async_copy(obufs[s], o_hbm.at[pl.ds(off, _C)], out_sems[s])

    def compute(s):
        vb, mb, ob = vbufs[s], mbufs[s], obufs[s]

        @plsc.parallel_loop(0, _C, step=_L, unroll=8)
        def _(i):
            sl = pl.ds(i, _L)
            v = vb[sl]
            m = mb[sl]
            ob[sl] = jnp.where(m >= _P, v * (1.0 / (1.0 - _P)), 0.0)

    in_copies = [None] * _NCHUNK
    out_copies = [None] * _NCHUNK

    for h in range(min(_NBUF, _NCHUNK)):
        in_copies[h] = issue_in(h)

    for g in range(_NCHUNK):
        s = g % _NBUF
        cv, cm = in_copies[g]
        cv.wait()
        cm.wait()
        if g - _NBUF >= 0:
            out_copies[g - _NBUF].wait()
        compute(s)
        out_copies[g] = issue_out(g)
        h = g + _NBUF
        if h < _NCHUNK:
            in_copies[h] = issue_in(h)

    for g in range(max(0, _NCHUNK - _NBUF), _NCHUNK):
        out_copies[g].wait()


_scratch = (
    [pltpu.VMEM((_C,), jnp.float32) for _ in range(3 * _NBUF)]
    + [pltpu.SemaphoreType.DMA for _ in range(2 * _NBUF)]
)

_dropout_sc = pl.kernel(
    _body,
    out_type=jax.ShapeDtypeStruct((_NNZ,), jnp.float32),
    mesh=plsc.VectorSubcoreMesh(
        core_axis_name="c", subcore_axis_name="s",
        num_cores=_NC, num_subcores=_NS),
    scratch_types=_scratch,
)


def kernel(indices, values, mask_u):
    del indices
    return _dropout_sc(values, mask_u)

# --- scband reference (transcript-rebuilt; emitter-appended) ---
"""Pipeline reference for scband-sparse-dropout-27565100105803 (READ-ONLY COPY).

The authoritative reference and input builder live on the scoring server;
editing this copy changes nothing except your own understanding.
"""

import jax, jax.numpy as jnp
import numpy as np

P = 0.5
N = 65536
NNZ = 4194304

def setup_inputs(seed: int = 0) -> dict:
    key = jax.random.key(seed)
    k1, k2, k3 = jax.random.split(key, 3)
    indices = jax.random.randint(k1, (2, NNZ), 0, N, dtype=jnp.int64)
    values = jax.random.normal(k2, (NNZ,), dtype=jnp.float32)
    mask_u = jax.random.uniform(k3, (NNZ,), dtype=jnp.float32)
    return {"indices": indices, "values": values, "mask_u": mask_u}

def reference(indices, values, mask_u):
    # SparseDropout.forward: coalesce (indices assumed canonical here),
    # then F.dropout on the values of the sparse tensor (training=True).
    # Dropout is realized with a deterministic uniform mask: keep where u >= p,
    # and scale kept values by 1/(1-p) (inverted dropout, matching F.dropout).
    keep = (mask_u >= P).astype(values.dtype)
    drop_val = values * keep / (1.0 - P)
    # The original returns torch.sparse.FloatTensor(indices, drop_val, shape);
    # the learned-free numerical content is drop_val (indices unchanged).
    return drop_val

if __name__ == "__main__":
    import jax
    _d = setup_inputs()
    print(jax.jit(kernel)(*tuple(_d.values())))

</pallas_src>

<mosaic_0001>
#map = affine_map<(d0, d1) -> (0)>
module attributes {stable_mosaic.version = 14 : i64} {
  func.func @_body(%arg0: i32, %arg1: i32, %arg2: memref<4194304xf32, #tpu.memory_space<hbm>>, %arg3: memref<4194304xf32, #tpu.memory_space<hbm>>, %arg4: memref<4194304xf32, #tpu.memory_space<hbm>>, %arg5: memref<8192xf32, #tpu.memory_space<vmem>>, %arg6: memref<8192xf32, #tpu.memory_space<vmem>>, %arg7: memref<8192xf32, #tpu.memory_space<vmem>>, %arg8: memref<8192xf32, #tpu.memory_space<vmem>>, %arg9: memref<8192xf32, #tpu.memory_space<vmem>>, %arg10: memref<8192xf32, #tpu.memory_space<vmem>>, %arg11: memref<8192xf32, #tpu.memory_space<vmem>>, %arg12: memref<8192xf32, #tpu.memory_space<vmem>>, %arg13: memref<8192xf32, #tpu.memory_space<vmem>>, %arg14: memref<8192xf32, #tpu.memory_space<vmem>>, %arg15: memref<8192xf32, #tpu.memory_space<vmem>>, %arg16: memref<8192xf32, #tpu.memory_space<vmem>>, %arg17: memref<!tpu.dma_semaphore, #tpu.memory_space<semaphore_mem>>, %arg18: memref<!tpu.dma_semaphore, #tpu.memory_space<semaphore_mem>>, %arg19: memref<!tpu.dma_semaphore, #tpu.memory_space<semaphore_mem>>, %arg20: memref<!tpu.dma_semaphore, #tpu.memory_space<semaphore_mem>>, %arg21: memref<!tpu.dma_semaphore, #tpu.memory_space<semaphore_mem>>, %arg22: memref<!tpu.dma_semaphore, #tpu.memory_space<semaphore_mem>>, %arg23: memref<!tpu.dma_semaphore, #tpu.memory_space<semaphore_mem>>, %arg24: memref<!tpu.dma_semaphore, #tpu.memory_space<semaphore_mem>>) attributes {dimension_semantics = [#tpu.dimension_semantics<core_parallel>, #tpu.dimension_semantics<subcore_parallel>], iteration_bounds = array<i64: 2, 16>, scalar_prefetch = 0 : i64, scratch_operands = 20 : i64, tpu.core_type = #tpu.core_type<sc_vector_subcore>, window_params = [{transform_indices = #map}, {transform_indices = #map}, {transform_indices = #map}]} {
    %mul3A = arith.constant 2 : i32
    %mul3A_0 = arith.muli %arg1, %mul3A : i32
    %add3A = arith.addi %mul3A_0, %arg0 : i32
    %mul3A_1 = arith.constant 131072 : i32
    %mul3A_2 = arith.muli %add3A, %mul3A_1 : i32
    %add3A_3 = arith.constant 0 : i32
    %add3A_4 = arith.addi %mul3A_2, %add3A_3 : i32
    %dma_start3A = tpu.memref_slice %arg2[%add3A_4] : memref<4194304xf32, #tpu.memory_space<hbm>> -> memref<8192xf32, #tpu.memory_space<hbm>>
    %dma_start3A_5 = tpu.memref_slice %arg2[%add3A_4] : memref<4194304xf32, #tpu.memory_space<hbm>> -> memref<8192xf32, #tpu.memory_space<hbm>>
    tpu.enqueue_dma source(%dma_start3A_5 : memref<8192xf32, #tpu.memory_space<hbm>>) target(%arg5 : memref<8192xf32, #tpu.memory_space<vmem>>) target_semaphore(%arg17 : memref<!tpu.dma_semaphore, #tpu.memory_space<semaphore_mem>>)
    %dma_start3A_6 = tpu.memref_slice %arg3[%add3A_4] : memref<4194304xf32, #tpu.memory_space<hbm>> -> memref<8192xf32, #tpu.memory_space<hbm>>
    %dma_start3A_7 = tpu.memref_slice %arg3[%add3A_4] : memref<4194304xf32, #tpu.memory_space<hbm>> -> memref<8192xf32, #tpu.memory_space<hbm>>
    tpu.enqueue_dma source(%dma_start3A_7 : memref<8192xf32, #tpu.memory_space<hbm>>) target(%arg9 : memref<8192xf32, #tpu.memory_space<vmem>>) target_semaphore(%arg17 : memref<!tpu.dma_semaphore, #tpu.memory_space<semaphore_mem>>)
    %add3A_8 = arith.constant 8192 : i32
    %add3A_9 = arith.addi %mul3A_2, %add3A_8 : i32
    %dma_start3A_10 = tpu.memref_slice %arg2[%add3A_9] : memref<4194304xf32, #tpu.memory_space<hbm>> -> memref<8192xf32, #tpu.memory_space<hbm>>
    %dma_start3A_11 = tpu.memref_slice %arg2[%add3A_9] : memref<4194304xf32, #tpu.memory_space<hbm>> -> memref<8192xf32, #tpu.memory_space<hbm>>
    tpu.enqueue_dma source(%dma_start3A_11 : memref<8192xf32, #tpu.memory_space<hbm>>) target(%arg6 : memref<8192xf32, #tpu.memory_space<vmem>>) target_semaphore(%arg18 : memref<!tpu.dma_semaphore, #tpu.memory_space<semaphore_mem>>)
    %dma_start3A_12 = tpu.memref_slice %arg3[%add3A_9] : memref<4194304xf32, #tpu.memory_space<hbm>> -> memref<8192xf32, #tpu.memory_space<hbm>>
    %dma_start3A_13 = tpu.memref_slice %arg3[%add3A_9] : memref<4194304xf32, #tpu.memory_space<hbm>> -> memref<8192xf32, #tpu.memory_space<hbm>>
    tpu.enqueue_dma source(%dma_start3A_13 : memref<8192xf32, #tpu.memory_space<hbm>>) target(%arg10 : memref<8192xf32, #tpu.memory_space<vmem>>) target_semaphore(%arg18 : memref<!tpu.dma_semaphore, #tpu.memory_space<semaphore_mem>>)
    %add3A_14 = arith.constant 16384 : i32
    %add3A_15 = arith.addi %mul3A_2, %add3A_14 : i32
    %dma_start3A_16 = tpu.memref_slice %arg2[%add3A_15] : memref<4194304xf32, #tpu.memory_space<hbm>> -> memref<8192xf32, #tpu.memory_space<hbm>>
    %dma_start3A_17 = tpu.memref_slice %arg2[%add3A_15] : memref<4194304xf32, #tpu.memory_space<hbm>> -> memref<8192xf32, #tpu.memory_space<hbm>>
    tpu.enqueue_dma source(%dma_start3A_17 : memref<8192xf32, #tpu.memory_space<hbm>>) target(%arg7 : memref<8192xf32, #tpu.memory_space<vmem>>) target_semaphore(%arg19 : memref<!tpu.dma_semaphore, #tpu.memory_space<semaphore_mem>>)
    %dma_start3A_18 = tpu.memref_slice %arg3[%add3A_15] : memref<4194304xf32, #tpu.memory_space<hbm>> -> memref<8192xf32, #tpu.memory_space<hbm>>
    %dma_start3A_19 = tpu.memref_slice %arg3[%add3A_15] : memref<4194304xf32, #tpu.memory_space<hbm>> -> memref<8192xf32, #tpu.memory_space<hbm>>
    tpu.enqueue_dma source(%dma_start3A_19 : memref<8192xf32, #tpu.memory_space<hbm>>) target(%arg11 : memref<8192xf32, #tpu.memory_space<vmem>>) target_semaphore(%arg19 : memref<!tpu.dma_semaphore, #tpu.memory_space<semaphore_mem>>)
    %add3A_20 = arith.constant 24576 : i32
    %add3A_21 = arith.addi %mul3A_2, %add3A_20 : i32
    %dma_start3A_22 = tpu.memref_slice %arg2[%add3A_21] : memref<4194304xf32, #tpu.memory_space<hbm>> -> memref<8192xf32, #tpu.memory_space<hbm>>
    %dma_start3A_23 = tpu.memref_slice %arg2[%add3A_21] : memref<4194304xf32, #tpu.memory_space<hbm>> -> memref<8192xf32, #tpu.memory_space<hbm>>
    tpu.enqueue_dma source(%dma_start3A_23 : memref<8192xf32, #tpu.memory_space<hbm>>) target(%arg8 : memref<8192xf32, #tpu.memory_space<vmem>>) target_semaphore(%arg20 : memref<!tpu.dma_semaphore, #tpu.memory_space<semaphore_mem>>)
    %dma_start3A_24 = tpu.memref_slice %arg3[%add3A_21] : memref<4194304xf32, #tpu.memory_space<hbm>> -> memref<8192xf32, #tpu.memory_space<hbm>>
    %dma_start3A_25 = tpu.memref_slice %arg3[%add3A_21] : memref<4194304xf32, #tpu.memory_space<hbm>> -> memref<8192xf32, #tpu.memory_space<hbm>>
    tpu.enqueue_dma source(%dma_start3A_25 : memref<8192xf32, #tpu.memory_space<hbm>>) target(%arg12 : memref<8192xf32, #tpu.memory_space<vmem>>) target_semaphore(%arg20 : memref<!tpu.dma_semaphore, #tpu.memory_space<semaphore_mem>>)
    %dma_wait3A = tpu.memref_slice %arg2[%add3A_4] : memref<4194304xf32, #tpu.memory_space<hbm>> -> memref<8192xf32, #tpu.memory_space<hbm>>
    %dma_wait3A_26 = tpu.memref_slice %arg2[%add3A_4] : memref<4194304xf32, #tpu.memory_space<hbm>> -> memref<8192xf32, #tpu.memory_space<hbm>>
    tpu.wait_dma2 semaphore(%arg17 : memref<!tpu.dma_semaphore, #tpu.memory_space<semaphore_mem>>) src(%dma_wait3A_26 : memref<8192xf32, #tpu.memory_space<hbm>>) dst(%arg5 : memref<8192xf32, #tpu.memory_space<vmem>>)
    %dma_wait3A_27 = tpu.memref_slice %arg3[%add3A_4] : memref<4194304xf32, #tpu.memory_space<hbm>> -> memref<8192xf32, #tpu.memory_space<hbm>>
    %dma_wait3A_28 = tpu.memref_slice %arg3[%add3A_4] : memref<4194304xf32, #tpu.memory_space<hbm>> -> memref<8192xf32, #tpu.memory_space<hbm>>
    tpu.wait_dma2 semaphore(%arg17 : memref<!tpu.dma_semaphore, #tpu.memory_space<semaphore_mem>>) src(%dma_wait3A_28 : memref<8192xf32, #tpu.memory_space<hbm>>) dst(%arg9 : memref<8192xf32, #tpu.memory_space<vmem>>)
    %parallel_loop3A = arith.constant 0 : i32
    %parallel_loop3A_29 = arith.constant 8192 : i32
    %parallel_loop3A_30 = arith.constant 16 : i32
    scf.for %parallel_loop3A_304 = %parallel_loop3A to %parallel_loop3A_29 step %parallel_loop3A_30  : i32 {
      %parallel_loop3A_305 = arith.index_cast %parallel_loop3A_304 : i32 to index
      %parallel_loop3A_306 = tpu.vector_load %arg5[%parallel_loop3A_305] {strides = array<i32>} : memref<8192xf32, #tpu.memory_space<vmem>>, vector<16xf32>,
      %parallel_loop3A_307 = vector.shape_cast %parallel_loop3A_306 : vector<16xf32> to vector<16xf32>
      %parallel_loop3A_308 = arith.index_cast %parallel_loop3A_304 : i32 to index
      %parallel_loop3A_309 = tpu.vector_load %arg9[%parallel_loop3A_308] {strides = array<i32>} : memref<8192xf32, #tpu.memory_space<vmem>>, vector<16xf32>,
      %parallel_loop3A_310 = vector.shape_cast %parallel_loop3A_309 : vector<16xf32> to vector<16xf32>
      %parallel_loop3A_311 = arith.constant 5.000000e-01 : f32
      %parallel_loop3A_312 = vector.broadcast %parallel_loop3A_311 : f32 to vector<16xf32>
      %parallel_loop3A_313 = arith.cmpf oge, %parallel_loop3A_310, %parallel_loop3A_312 : vector<16xf32>
      %parallel_loop3A_314 = arith.constant 2.000000e+00 : f32
      %parallel_loop3A_315 = vector.broadcast %parallel_loop3A_314 : f32 to vector<16xf32>
      %parallel_loop3A_316 = arith.mulf %parallel_loop3A_307, %parallel_loop3A_315 : vector<16xf32>
      %parallel_loop3A_317 = arith.constant 0.000000e+00 : f32
      %parallel_loop3A_318 = vector.broadcast %parallel_loop3A_317 : f32 to vector<16xf32>
      %parallel_loop3A_319 = arith.select %parallel_loop3A_313, %parallel_loop3A_316, %parallel_loop3A_318 : vector<16xi1>, vector<16xf32>
      %parallel_loop3A_320 = arith.index_cast %parallel_loop3A_304 : i32 to index
      %parallel_loop3A_321 = tpu.vector_load %arg13[%parallel_loop3A_320] {strides = array<i32>} : memref<8192xf32, #tpu.memory_space<vmem>>, vector<16xf32>,
      %parallel_loop3A_322 = vector.shape_cast %parallel_loop3A_321 : vector<16xf32> to vector<16xf32>
      %parallel_loop3A_323 = vector.shape_cast %parallel_loop3A_319 : vector<16xf32> to vector<16xf32>
      tpu.vector_store %arg13[%parallel_loop3A_320], %parallel_loop3A_323 {strides = array<i32>} : memref<8192xf32, #tpu.memory_space<vmem>>, vector<16xf32>,
    } {sc.loop_unroll_factor = 8 : i64, sc.parallel_access}
    %add3A_31 = arith.constant 0 : i32
    %add3A_32 = arith.addi %mul3A_2, %add3A_31 : i32
    %dma_start3A_33 = tpu.memref_slice %arg4[%add3A_32] : memref<4194304xf32, #tpu.memory_space<hbm>> -> memref<8192xf32, #tpu.memory_space<hbm>>
    %dma_start3A_34 = tpu.memref_slice %arg4[%add3A_32] : memref<4194304xf32, #tpu.memory_space<hbm>> -> memref<8192xf32, #tpu.memory_space<hbm>>
    tpu.enqueue_dma source(%arg13 : memref<8192xf32, #tpu.memory_space<vmem>>) target(%dma_start3A_34 : memref<8192xf32, #tpu.memory_space<hbm>>) target_semaphore(%arg21 : memref<!tpu.dma_semaphore, #tpu.memory_space<semaphore_mem>>)
    %add3A_35 = arith.constant 32768 : i32
    %add3A_36 = arith.addi %mul3A_2, %add3A_35 : i32
    %dma_start3A_37 = tpu.memref_slice %arg2[%add3A_36] : memref<4194304xf32, #tpu.memory_space<hbm>> -> memref<8192xf32, #tpu.memory_space<hbm>>
    %dma_start3A_38 = tpu.memref_slice %arg2[%add3A_36] : memref<4194304xf32, #tpu.memory_space<hbm>> -> memref<8192xf32, #tpu.memory_space<hbm>>
    tpu.enqueue_dma source(%dma_start3A_38 : memref<8192xf32, #tpu.memory_space<hbm>>) target(%arg5 : memref<8192xf32, #tpu.memory_space<vmem>>) target_semaphore(%arg17 : memref<!tpu.dma_semaphore, #tpu.memory_space<semaphore_mem>>)
    %dma_start3A_39 = tpu.memref_slice %arg3[%add3A_36] : memref<4194304xf32, #tpu.memory_space<hbm>> -> memref<8192xf32, #tpu.memory_space<hbm>>
    %dma_start3A_40 = tpu.memref_slice %arg3[%add3A_36] : memref<4194304xf32, #tpu.memory_space<hbm>> -> memref<8192xf32, #tpu.memory_space<hbm>>
    tpu.enqueue_dma source(%dma_start3A_40 : memref<8192xf32, #tpu.memory_space<hbm>>) target(%arg9 : memref<8192xf32, #tpu.memory_space<vmem>>) target_semaphore(%arg17 : memref<!tpu.dma_semaphore, #tpu.memory_space<semaphore_mem>>)
    %dma_wait3A_41 = tpu.memref_slice %arg2[%add3A_9] : memref<4194304xf32, #tpu.memory_space<hbm>> -> memref<8192xf32, #tpu.memory_space<hbm>>
    %dma_wait3A_42 = tpu.memref_slice %arg2[%add3A_9] : memref<4194304xf32, #tpu.memory_space<hbm>> -> memref<8192xf32, #tpu.memory_space<hbm>>
    tpu.wait_dma2 semaphore(%arg18 : memref<!tpu.dma_semaphore, #tpu.memory_space<semaphore_mem>>) src(%dma_wait3A_42 : memref<8192xf32, #tpu.memory_space<hbm>>) dst(%arg6 : memref<8192xf32, #tpu.memory_space<vmem>>)
    %dma_wait3A_43 = tpu.memref_slice %arg3[%add3A_9] : memref<4194304xf32, #tpu.memory_space<hbm>> -> memref<8192xf32, #tpu.memory_space<hbm>>
    %dma_wait3A_44 = tpu.memref_slice %arg3[%add3A_9] : memref<4194304xf32, #tpu.memory_space<hbm>> -> memref<8192xf32, #tpu.memory_space<hbm>>
    tpu.wait_dma2 semaphore(%arg18 : memref<!tpu.dma_semaphore, #tpu.memory_space<semaphore_mem>>) src(%dma_wait3A_44 : memref<8192xf32, #tpu.memory_space<hbm>>) dst(%arg10 : memref<8192xf32, #tpu.memory_space<vmem>>)
    %parallel_loop3A_45 = arith.constant 0 : i32
    %parallel_loop3A_46 = arith.constant 8192 : i32
    %parallel_loop3A_47 = arith.constant 16 : i32
    scf.for %parallel_loop3A_304 = %parallel_loop3A_45 to %parallel_loop3A_46 step %parallel_loop3A_47  : i32 {
      %parallel_loop3A_305 = arith.index_cast %parallel_loop3A_304 : i32 to index
      %parallel_loop3A_306 = tpu.vector_load %arg6[%parallel_loop3A_305] {strides = array<i32>} : memref<8192xf32, #tpu.memory_space<vmem>>, vector<16xf32>,
      %parallel_loop3A_307 = vector.shape_cast %parallel_loop3A_306 : vector<16xf32> to vector<16xf32>
      %parallel_loop3A_308 = arith.index_cast %parallel_loop3A_304 : i32 to index
      %parallel_loop3A_309 = tpu.vector_load %arg10[%parallel_loop3A_308] {strides = array<i32>} : memref<8192xf32, #tpu.memory_space<vmem>>, vector<16xf32>,
      %parallel_loop3A_310 = vector.shape_cast %parallel_loop3A_309 : vector<16xf32> to vector<16xf32>
      %parallel_loop3A_311 = arith.constant 5.000000e-01 : f32
      %parallel_loop3A_312 = vector.broadcast %parallel_loop3A_311 : f32 to vector<16xf32>
      %parallel_loop3A_313 = arith.cmpf oge, %parallel_loop3A_310, %parallel_loop3A_312 : vector<16xf32>
      %parallel_loop3A_314 = arith.constant 2.000000e+00 : f32
      %parallel_loop3A_315 = vector.broadcast %parallel_loop3A_314 : f32 to vector<16xf32>
      %parallel_loop3A_316 = arith.mulf %parallel_loop3A_307, %parallel_loop3A_315 : vector<16xf32>
      %parallel_loop3A_317 = arith.constant 0.000000e+00 : f32
      %parallel_loop3A_318 = vector.broadcast %parallel_loop3A_317 : f32 to vector<16xf32>
      %parallel_loop3A_319 = arith.select %parallel_loop3A_313, %parallel_loop3A_316, %parallel_loop3A_318 : vector<16xi1>, vector<16xf32>
      %parallel_loop3A_320 = arith.index_cast %parallel_loop3A_304 : i32 to index
      %parallel_loop3A_321 = tpu.vector_load %arg14[%parallel_loop3A_320] {strides = array<i32>} : memref<8192xf32, #tpu.memory_space<vmem>>, vector<16xf32>,
      %parallel_loop3A_322 = vector.shape_cast %parallel_loop3A_321 : vector<16xf32> to vector<16xf32>
      %parallel_loop3A_323 = vector.shape_cast %parallel_loop3A_319 : vector<16xf32> to vector<16xf32>
      tpu.vector_store %arg14[%parallel_loop3A_320], %parallel_loop3A_323 {strides = array<i32>} : memref<8192xf32, #tpu.memory_space<vmem>>, vector<16xf32>,
    } {sc.loop_unroll_factor = 8 : i64, sc.parallel_access}
    %add3A_48 = arith.constant 8192 : i32
    %add3A_49 = arith.addi %mul3A_2, %add3A_48 : i32
    %dma_start3A_50 = tpu.memref_slice %arg4[%add3A_49] : memref<4194304xf32, #tpu.memory_space<hbm>> -> memref<8192xf32, #tpu.memory_space<hbm>>
    %dma_start3A_51 = tpu.memref_slice %arg4[%add3A_49] : memref<4194304xf32, #tpu.memory_space<hbm>> -> memref<8192xf32, #tpu.memory_space<hbm>>
    tpu.enqueue_dma source(%arg14 : memref<8192xf32, #tpu.memory_space<vmem>>) target(%dma_start3A_51 : memref<8192xf32, #tpu.memory_space<hbm>>) target_semaphore(%arg22 : memref<!tpu.dma_semaphore, #tpu.memory_space<semaphore_mem>>)
    %add3A_52 = arith.constant 40960 : i32
    %add3A_53 = arith.addi %mul3A_2, %add3A_52 : i32
    %dma_start3A_54 = tpu.memref_slice %arg2[%add3A_53] : memref<4194304xf32, #tpu.memory_space<hbm>> -> memref<8192xf32, #tpu.memory_space<hbm>>
    %dma_start3A_55 = tpu.memref_slice %arg2[%add3A_53] : memref<4194304xf32, #tpu.memory_space<hbm>> -> memref<8192xf32, #tpu.memory_space<hbm>>
    tpu.enqueue_dma source(%dma_start3A_55 : memref<8192xf32, #tpu.memory_space<hbm>>) target(%arg6 : memref<8192xf32, #tpu.memory_space<vmem>>) target_semaphore(%arg18 : memref<!tpu.dma_semaphore, #tpu.memory_space<semaphore_mem>>)
    %dma_start3A_56 = tpu.memref_slice %arg3[%add3A_53] : memref<4194304xf32, #tpu.memory_space<hbm>> -> memref<8192xf32, #tpu.memory_space<hbm>>
    %dma_start3A_57 = tpu.memref_slice %arg3[%add3A_53] : memref<4194304xf32, #tpu.memory_space<hbm>> -> memref<8192xf32, #tpu.memory_space<hbm>>
    tpu.enqueue_dma source(%dma_start3A_57 : memref<8192xf32, #tpu.memory_space<hbm>>) target(%arg10 : memref<8192xf32, #tpu.memory_space<vmem>>) target_semaphore(%arg18 : memref<!tpu.dma_semaphore, #tpu.memory_space<semaphore_mem>>)
    %dma_wait3A_58 = tpu.memref_slice %arg2[%add3A_15] : memref<4194304xf32, #tpu.memory_space<hbm>> -> memref<8192xf32, #tpu.memory_space<hbm>>
    %dma_wait3A_59 = tpu.memref_slice %arg2[%add3A_15] : memref<4194304xf32, #tpu.memory_space<hbm>> -> memref<8192xf32, #tpu.memory_space<hbm>>
    tpu.wait_dma2 semaphore(%arg19 : memref<!tpu.dma_semaphore, #tpu.memory_space<semaphore_mem>>) src(%dma_wait3A_59 : memref<8192xf32, #tpu.memory_space<hbm>>) dst(%arg7 : memref<8192xf32, #tpu.memory_space<vmem>>)
    %dma_wait3A_60 = tpu.memref_slice %arg3[%add3A_15] : memref<4194304xf32, #tpu.memory_space<hbm>> -> memref<8192xf32, #tpu.memory_space<hbm>>
    %dma_wait3A_61 = tpu.memref_slice %arg3[%add3A_15] : memref<4194304xf32, #tpu.memory_space<hbm>> -> memref<8192xf32, #tpu.memory_space<hbm>>
    tpu.wait_dma2 semaphore(%arg19 : memref<!tpu.dma_semaphore, #tpu.memory_space<semaphore_mem>>) src(%dma_wait3A_61 : memref<8192xf32, #tpu.memory_space<hbm>>) dst(%arg11 : memref<8192xf32, #tpu.memory_space<vmem>>)
    %parallel_loop3A_62 = arith.constant 0 : i32
    %parallel_loop3A_63 = arith.constant 8192 : i32
    %parallel_loop3A_64 = arith.constant 16 : i32
    scf.for %parallel_loop3A_304 = %parallel_loop3A_62 to %parallel_loop3A_63 step %parallel_loop3A_64  : i32 {
      %parallel_loop3A_305 = arith.index_cast %parallel_loop3A_304 : i32 to index
      %parallel_loop3A_306 = tpu.vector_load %arg7[%parallel_loop3A_305] {strides = array<i32>} : memref<8192xf32, #tpu.memory_space<vmem>>, vector<16xf32>,
      %parallel_loop3A_307 = vector.shape_cast %parallel_loop3A_306 : vector<16xf32> to vector<16xf32>
      %parallel_loop3A_308 = arith.index_cast %parallel_loop3A_304 : i32 to index
      %parallel_loop3A_309 = tpu.vector_load %arg11[%parallel_loop3A_308] {strides = array<i32>} : memref<8192xf32, #tpu.memory_space<vmem>>, vector<16xf32>,
      %parallel_loop3A_310 = vector.shape_cast %parallel_loop3A_309 : vector<16xf32> to vector<16xf32>
      %parallel_loop3A_311 = arith.constant 5.000000e-01 : f32
      %parallel_loop3A_312 = vector.broadcast %parallel_loop3A_311 : f32 to vector<16xf32>
      %parallel_loop3A_313 = arith.cmpf oge, %parallel_loop3A_310, %parallel_loop3A_312 : vector<16xf32>
      %parallel_loop3A_314 = arith.constant 2.000000e+00 : f32
      %parallel_loop3A_315 = vector.broadcast %parallel_loop3A_314 : f32 to vector<16xf32>
      %parallel_loop3A_316 = arith.mulf %parallel_loop3A_307, %parallel_loop3A_315 : vector<16xf32>
      %parallel_loop3A_317 = arith.constant 0.000000e+00 : f32
      %parallel_loop3A_318 = vector.broadcast %parallel_loop3A_317 : f32 to vector<16xf32>
      %parallel_loop3A_319 = arith.select %parallel_loop3A_313, %parallel_loop3A_316, %parallel_loop3A_318 : vector<16xi1>, vector<16xf32>
      %parallel_loop3A_320 = arith.index_cast %parallel_loop3A_304 : i32 to index
      %parallel_loop3A_321 = tpu.vector_load %arg15[%parallel_loop3A_320] {strides = array<i32>} : memref<8192xf32, #tpu.memory_space<vmem>>, vector<16xf32>,
      %parallel_loop3A_322 = vector.shape_cast %parallel_loop3A_321 : vector<16xf32> to vector<16xf32>
      %parallel_loop3A_323 = vector.shape_cast %parallel_loop3A_319 : vector<16xf32> to vector<16xf32>
      tpu.vector_store %arg15[%parallel_loop3A_320], %parallel_loop3A_323 {strides = array<i32>} : memref<8192xf32, #tpu.memory_space<vmem>>, vector<16xf32>,
    } {sc.loop_unroll_factor = 8 : i64, sc.parallel_access}
    %add3A_65 = arith.constant 16384 : i32
    %add3A_66 = arith.addi %mul3A_2, %add3A_65 : i32
    %dma_start3A_67 = tpu.memref_slice %arg4[%add3A_66] : memref<4194304xf32, #tpu.memory_space<hbm>> -> memref<8192xf32, #tpu.memory_space<hbm>>
    %dma_start3A_68 = tpu.memref_slice %arg4[%add3A_66] : memref<4194304xf32, #tpu.memory_space<hbm>> -> memref<8192xf32, #tpu.memory_space<hbm>>
    tpu.enqueue_dma source(%arg15 : memref<8192xf32, #tpu.memory_space<vmem>>) target(%dma_start3A_68 : memref<8192xf32, #tpu.memory_space<hbm>>) target_semaphore(%arg23 : memref<!tpu.dma_semaphore, #tpu.memory_space<semaphore_mem>>)
    %add3A_69 = arith.constant 49152 : i32
    %add3A_70 = arith.addi %mul3A_2, %add3A_69 : i32
    %dma_start3A_71 = tpu.memref_slice %arg2[%add3A_70] : memref<4194304xf32, #tpu.memory_space<hbm>> -> memref<8192xf32, #tpu.memory_space<hbm>>
    %dma_start3A_72 = tpu.memref_slice %arg2[%add3A_70] : memref<4194304xf32, #tpu.memory_space<hbm>> -> memref<8192xf32, #tpu.memory_space<hbm>>
    tpu.enqueue_dma source(%dma_start3A_72 : memref<8192xf32, #tpu.memory_space<hbm>>) target(%arg7 : memref<8192xf32, #tpu.memory_space<vmem>>) target_semaphore(%arg19 : memref<!tpu.dma_semaphore, #tpu.memory_space<semaphore_mem>>)
    %dma_start3A_73 = tpu.memref_slice %arg3[%add3A_70] : memref<4194304xf32, #tpu.memory_space<hbm>> -> memref<8192xf32, #tpu.memory_space<hbm>>
    %dma_start3A_74 = tpu.memref_slice %arg3[%add3A_70] : memref<4194304xf32, #tpu.memory_space<hbm>> -> memref<8192xf32, #tpu.memory_space<hbm>>
    tpu.enqueue_dma source(%dma_start3A_74 : memref<8192xf32, #tpu.memory_space<hbm>>) target(%arg11 : memref<8192xf32, #tpu.memory_space<vmem>>) target_semaphore(%arg19 : memref<!tpu.dma_semaphore, #tpu.memory_space<semaphore_mem>>)
    %dma_wait3A_75 = tpu.memref_slice %arg2[%add3A_21] : memref<4194304xf32, #tpu.memory_space<hbm>> -> memref<8192xf32, #tpu.memory_space<hbm>>
    %dma_wait3A_76 = tpu.memref_slice %arg2[%add3A_21] : memref<4194304xf32, #tpu.memory_space<hbm>> -> memref<8192xf32, #tpu.memory_space<hbm>>
    tpu.wait_dma2 semaphore(%arg20 : memref<!tpu.dma_semaphore, #tpu.memory_space<semaphore_mem>>) src(%dma_wait3A_76 : memref<8192xf32, #tpu.memory_space<hbm>>) dst(%arg8 : memref<8192xf32, #tpu.memory_space<vmem>>)
    %dma_wait3A_77 = tpu.memref_slice %arg3[%add3A_21] : memref<4194304xf32, #tpu.memory_space<hbm>> -> memref<8192xf32, #tpu.memory_space<hbm>>
    %dma_wait3A_78 = tpu.memref_slice %arg3[%add3A_21] : memref<4194304xf32, #tpu.memory_space<hbm>> -> memref<8192xf32, #tpu.memory_space<hbm>>
    tpu.wait_dma2 semaphore(%arg20 : memref<!tpu.dma_semaphore, #tpu.memory_space<semaphore_mem>>) src(%dma_wait3A_78 : memref<8192xf32, #tpu.memory_space<hbm>>) dst(%arg12 : memref<8192xf32, #tpu.memory_space<vmem>>)
    %parallel_loop3A_79 = arith.constant 0 : i32
    %parallel_loop3A_80 = arith.constant 8192 : i32
    %parallel_loop3A_81 = arith.constant 16 : i32
    scf.for %parallel_loop3A_304 = %parallel_loop3A_79 to %parallel_loop3A_80 step %parallel_loop3A_81  : i32 {
      %parallel_loop3A_305 = arith.index_cast %parallel_loop3A_304 : i32 to index
      %parallel_loop3A_306 = tpu.vector_load %arg8[%parallel_loop3A_305] {strides = array<i32>} : memref<8192xf32, #tpu.memory_space<vmem>>, vector<16xf32>,
      %parallel_loop3A_307 = vector.shape_cast %parallel_loop3A_306 : vector<16xf32> to vector<16xf32>
      %parallel_loop3A_308 = arith.index_cast %parallel_loop3A_304 : i32 to index
      %parallel_loop3A_309 = tpu.vector_load %arg12[%parallel_loop3A_308] {strides = array<i32>} : memref<8192xf32, #tpu.memory_space<vmem>>, vector<16xf32>,
      %parallel_loop3A_310 = vector.shape_cast %parallel_loop3A_309 : vector<16xf32> to vector<16xf32>
      %parallel_loop3A_311 = arith.constant 5.000000e-01 : f32
      %parallel_loop3A_312 = vector.broadcast %parallel_loop3A_311 : f32 to vector<16xf32>
      %parallel_loop3A_313 = arith.cmpf oge, %parallel_loop3A_310, %parallel_loop3A_312 : vector<16xf32>
      %parallel_loop3A_314 = arith.constant 2.000000e+00 : f32
      %parallel_loop3A_315 = vector.broadcast %parallel_loop3A_314 : f32 to vector<16xf32>
      %parallel_loop3A_316 = arith.mulf %parallel_loop3A_307, %parallel_loop3A_315 : vector<16xf32>
      %parallel_loop3A_317 = arith.constant 0.000000e+00 : f32
      %parallel_loop3A_318 = vector.broadcast %parallel_loop3A_317 : f32 to vector<16xf32>
      %parallel_loop3A_319 = arith.select %parallel_loop3A_313, %parallel_loop3A_316, %parallel_loop3A_318 : vector<16xi1>, vector<16xf32>
      %parallel_loop3A_320 = arith.index_cast %parallel_loop3A_304 : i32 to index
      %parallel_loop3A_321 = tpu.vector_load %arg16[%parallel_loop3A_320] {strides = array<i32>} : memref<8192xf32, #tpu.memory_space<vmem>>, vector<16xf32>,
      %parallel_loop3A_322 = vector.shape_cast %parallel_loop3A_321 : vector<16xf32> to vector<16xf32>
      %parallel_loop3A_323 = vector.shape_cast %parallel_loop3A_319 : vector<16xf32> to vector<16xf32>
      tpu.vector_store %arg16[%parallel_loop3A_320], %parallel_loop3A_323 {strides = array<i32>} : memref<8192xf32, #tpu.memory_space<vmem>>, vector<16xf32>,
    } {sc.loop_unroll_factor = 8 : i64, sc.parallel_access}
    %add3A_82 = arith.constant 24576 : i32
    %add3A_83 = arith.addi %mul3A_2, %add3A_82 : i32
    %dma_start3A_84 = tpu.memref_slice %arg4[%add3A_83] : memref<4194304xf32, #tpu.memory_space<hbm>> -> memref<8192xf32, #tpu.memory_space<hbm>>
    %dma_start3A_85 = tpu.memref_slice %arg4[%add3A_83] : memref<4194304xf32, #tpu.memory_space<hbm>> -> memref<8192xf32, #tpu.memory_space<hbm>>
    tpu.enqueue_dma source(%arg16 : memref<8192xf32, #tpu.memory_space<vmem>>) target(%dma_start3A_85 : memref<8192xf32, #tpu.memory_space<hbm>>) target_semaphore(%arg24 : memref<!tpu.dma_semaphore, #tpu.memory_space<semaphore_mem>>)
    %add3A_86 = arith.constant 57344 : i32
    %add3A_87 = arith.addi %mul3A_2, %add3A_86 : i32
    %dma_start3A_88 = tpu.memref_slice %arg2[%add3A_87] : memref<4194304xf32, #tpu.memory_space<hbm>> -> memref<8192xf32, #tpu.memory_space<hbm>>
    %dma_start3A_89 = tpu.memref_slice %arg2[%add3A_87] : memref<4194304xf32, #tpu.memory_space<hbm>> -> memref<8192xf32, #tpu.memory_space<hbm>>
    tpu.enqueue_dma source(%dma_start3A_89 : memref<8192xf32, #tpu.memory_space<hbm>>) target(%arg8 : memref<8192xf32, #tpu.memory_space<vmem>>) target_semaphore(%arg20 : memref<!tpu.dma_semaphore, #tpu.memory_space<semaphore_mem>>)
    %dma_start3A_90 = tpu.memref_slice %arg3[%add3A_87] : memref<4194304xf32, #tpu.memory_space<hbm>> -> memref<8192xf32, #tpu.memory_space<hbm>>
    %dma_start3A_91 = tpu.memref_slice %arg3[%add3A_87] : memref<4194304xf32, #tpu.memory_space<hbm>> -> memref<8192xf32, #tpu.memory_space<hbm>>
    tpu.enqueue_dma source(%dma_start3A_91 : memref<8192xf32, #tpu.memory_space<hbm>>) target(%arg12 : memref<8192xf32, #tpu.memory_space<vmem>>) target_semaphore(%arg20 : memref<!tpu.dma_semaphore, #tpu.memory_space<semaphore_mem>>)
    %dma_wait3A_92 = tpu.memref_slice %arg2[%add3A_36] : memref<4194304xf32, #tpu.memory_space<hbm>> -> memref<8192xf32, #tpu.memory_space<hbm>>
    %dma_wait3A_93 = tpu.memref_slice %arg2[%add3A_36] : memref<4194304xf32, #tpu.memory_space<hbm>> -> memref<8192xf32, #tpu.memory_space<hbm>>
    tpu.wait_dma2 semaphore(%arg17 : memref<!tpu.dma_semaphore, #tpu.memory_space<semaphore_mem>>) src(%dma_wait3A_93 : memref<8192xf32, #tpu.memory_space<hbm>>) dst(%arg5 : memref<8192xf32, #tpu.memory_space<vmem>>)
    %dma_wait3A_94 = tpu.memref_slice %arg3[%add3A_36] : memref<4194304xf32, #tpu.memory_space<hbm>> -> memref<8192xf32, #tpu.memory_space<hbm>>
    %dma_wait3A_95 = tpu.memref_slice %arg3[%add3A_36] : memref<4194304xf32, #tpu.memory_space<hbm>> -> memref<8192xf32, #tpu.memory_space<hbm>>
    tpu.wait_dma2 semaphore(%arg17 : memref<!tpu.dma_semaphore, #tpu.memory_space<semaphore_mem>>) src(%dma_wait3A_95 : memref<8192xf32, #tpu.memory_space<hbm>>) dst(%arg9 : memref<8192xf32, #tpu.memory_space<vmem>>)
    %dma_wait3A_96 = tpu.memref_slice %arg4[%add3A_32] : memref<4194304xf32, #tpu.memory_space<hbm>> -> memref<8192xf32, #tpu.memory_space<hbm>>
    %dma_wait3A_97 = tpu.memref_slice %arg4[%add3A_32] : memref<4194304xf32, #tpu.memory_space<hbm>> -> memref<8192xf32, #tpu.memory_space<hbm>>
    tpu.wait_dma2 semaphore(%arg21 : memref<!tpu.dma_semaphore, #tpu.memory_space<semaphore_mem>>) src(%arg13 : memref<8192xf32, #tpu.memory_space<vmem>>) dst(%dma_wait3A_97 : memref<8192xf32, #tpu.memory_space<hbm>>)
    %parallel_loop3A_98 = arith.constant 0 : i32
    %parallel_loop3A_99 = arith.constant 8192 : i32
    %parallel_loop3A_100 = arith.constant 16 : i32
    scf.for %parallel_loop3A_304 = %parallel_loop3A_98 to %parallel_loop3A_99 step %parallel_loop3A_100  : i32 {
      %parallel_loop3A_305 = arith.index_cast %parallel_loop3A_304 : i32 to index
      %parallel_loop3A_306 = tpu.vector_load %arg5[%parallel_loop3A_305] {strides = array<i32>} : memref<8192xf32, #tpu.memory_space<vmem>>, vector<16xf32>,
      %parallel_loop3A_307 = vector.shape_cast %parallel_loop3A_306 : vector<16xf32> to vector<16xf32>
      %parallel_loop3A_308 = arith.index_cast %parallel_loop3A_304 : i32 to index
      %parallel_loop3A_309 = tpu.vector_load %arg9[%parallel_loop3A_308] {strides = array<i32>} : memref<8192xf32, #tpu.memory_space<vmem>>, vector<16xf32>,
      %parallel_loop3A_310 = vector.shape_cast %parallel_loop3A_309 : vector<16xf32> to vector<16xf32>
      %parallel_loop3A_311 = arith.constant 5.000000e-01 : f32
      %parallel_loop3A_312 = vector.broadcast %parallel_loop3A_311 : f32 to vector<16xf32>
      %parallel_loop3A_313 = arith.cmpf oge, %parallel_loop3A_310, %parallel_loop3A_312 : vector<16xf32>
      %parallel_loop3A_314 = arith.constant 2.000000e+00 : f32
      %parallel_loop3A_315 = vector.broadcast %parallel_loop3A_314 : f32 to vector<16xf32>
      %parallel_loop3A_316 = arith.mulf %parallel_loop3A_307, %parallel_loop3A_315 : vector<16xf32>
      %parallel_loop3A_317 = arith.constant 0.000000e+00 : f32
      %parallel_loop3A_318 = vector.broadcast %parallel_loop3A_317 : f32 to vector<16xf32>
      %parallel_loop3A_319 = arith.select %parallel_loop3A_313, %parallel_loop3A_316, %parallel_loop3A_318 : vector<16xi1>, vector<16xf32>
      %parallel_loop3A_320 = arith.index_cast %parallel_loop3A_304 : i32 to index
      %parallel_loop3A_321 = tpu.vector_load %arg13[%parallel_loop3A_320] {strides = array<i32>} : memref<8192xf32, #tpu.memory_space<vmem>>, vector<16xf32>,
      %parallel_loop3A_322 = vector.shape_cast %parallel_loop3A_321 : vector<16xf32> to vector<16xf32>
      %parallel_loop3A_323 = vector.shape_cast %parallel_loop3A_319 : vector<16xf32> to vector<16xf32>
      tpu.vector_store %arg13[%parallel_loop3A_320], %parallel_loop3A_323 {strides = array<i32>} : memref<8192xf32, #tpu.memory_space<vmem>>, vector<16xf32>,
    } {sc.loop_unroll_factor = 8 : i64, sc.parallel_access}
    %add3A_101 = arith.constant 32768 : i32
    %add3A_102 = arith.addi %mul3A_2, %add3A_101 : i32
    %dma_start3A_103 = tpu.memref_slice %arg4[%add3A_102] : memref<4194304xf32, #tpu.memory_space<hbm>> -> memref<8192xf32, #tpu.memory_space<hbm>>
    %dma_start3A_104 = tpu.memref_slice %arg4[%add3A_102] : memref<4194304xf32, #tpu.memory_space<hbm>> -> memref<8192xf32, #tpu.memory_space<hbm>>
    tpu.enqueue_dma source(%arg13 : memref<8192xf32, #tpu.memory_space<vmem>>) target(%dma_start3A_104 : memref<8192xf32, #tpu.memory_space<hbm>>) target_semaphore(%arg21 : memref<!tpu.dma_semaphore, #tpu.memory_space<semaphore_mem>>)
    %add3A_105 = arith.constant 65536 : i32
    %add3A_106 = arith.addi %mul3A_2, %add3A_105 : i32
    %dma_start3A_107 = tpu.memref_slice %arg2[%add3A_106] : memref<4194304xf32, #tpu.memory_space<hbm>> -> memref<8192xf32, #tpu.memory_space<hbm>>
    %dma_start3A_108 = tpu.memref_slice %arg2[%add3A_106] : memref<4194304xf32, #tpu.memory_space<hbm>> -> memref<8192xf32, #tpu.memory_space<hbm>>
    tpu.enqueue_dma source(%dma_start3A_108 : memref<8192xf32, #tpu.memory_space<hbm>>) target(%arg5 : memref<8192xf32, #tpu.memory_space<vmem>>) target_semaphore(%arg17 : memref<!tpu.dma_semaphore, #tpu.memory_space<semaphore_mem>>)
    %dma_start3A_109 = tpu.memref_slice %arg3[%add3A_106] : memref<4194304xf32, #tpu.memory_space<hbm>> -> memref<8192xf32, #tpu.memory_space<hbm>>
    %dma_start3A_110 = tpu.memref_slice %arg3[%add3A_106] : memref<4194304xf32, #tpu.memory_space<hbm>> -> memref<8192xf32, #tpu.memory_space<hbm>>
    tpu.enqueue_dma source(%dma_start3A_110 : memref<8192xf32, #tpu.memory_space<hbm>>) target(%arg9 : memref<8192xf32, #tpu.memory_space<vmem>>) target_semaphore(%arg17 : memref<!tpu.dma_semaphore, #tpu.memory_space<semaphore_mem>>)
    %dma_wait3A_111 = tpu.memref_slice %arg2[%add3A_53] : memref<4194304xf32, #tpu.memory_space<hbm>> -> memref<8192xf32, #tpu.memory_space<hbm>>
    %dma_wait3A_112 = tpu.memref_slice %arg2[%add3A_53] : memref<4194304xf32, #tpu.memory_space<hbm>> -> memref<8192xf32, #tpu.memory_space<hbm>>
    tpu.wait_dma2 semaphore(%arg18 : memref<!tpu.dma_semaphore, #tpu.memory_space<semaphore_mem>>) src(%dma_wait3A_112 : memref<8192xf32, #tpu.memory_space<hbm>>) dst(%arg6 : memref<8192xf32, #tpu.memory_space<vmem>>)
    %dma_wait3A_113 = tpu.memref_slice %arg3[%add3A_53] : memref<4194304xf32, #tpu.memory_space<hbm>> -> memref<8192xf32, #tpu.memory_space<hbm>>
    %dma_wait3A_114 = tpu.memref_slice %arg3[%add3A_53] : memref<4194304xf32, #tpu.memory_space<hbm>> -> memref<8192xf32, #tpu.memory_space<hbm>>
    tpu.wait_dma2 semaphore(%arg18 : memref<!tpu.dma_semaphore, #tpu.memory_space<semaphore_mem>>) src(%dma_wait3A_114 : memref<8192xf32, #tpu.memory_space<hbm>>) dst(%arg10 : memref<8192xf32, #tpu.memory_space<vmem>>)
    %dma_wait3A_115 = tpu.memref_slice %arg4[%add3A_49] : memref<4194304xf32, #tpu.memory_space<hbm>> -> memref<8192xf32, #tpu.memory_space<hbm>>
    %dma_wait3A_116 = tpu.memref_slice %arg4[%add3A_49] : memref<4194304xf32, #tpu.memory_space<hbm>> -> memref<8192xf32, #tpu.memory_space<hbm>>
    tpu.wait_dma2 semaphore(%arg22 : memref<!tpu.dma_semaphore, #tpu.memory_space<semaphore_mem>>) src(%arg14 : memref<8192xf32, #tpu.memory_space<vmem>>) dst(%dma_wait3A_116 : memref<8192xf32, #tpu.memory_space<hbm>>)
    %parallel_loop3A_117 = arith.constant 0 : i32
    %parallel_loop3A_118 = arith.constant 8192 : i32
    %parallel_loop3A_119 = arith.constant 16 : i32
    scf.for %parallel_loop3A_304 = %parallel_loop3A_117 to %parallel_loop3A_118 step %parallel_loop3A_119  : i32 {
      %parallel_loop3A_305 = arith.index_cast %parallel_loop3A_304 : i32 to index
      %parallel_loop3A_306 = tpu.vector_load %arg6[%parallel_loop3A_305] {strides = array<i32>} : memref<8192xf32, #tpu.memory_space<vmem>>, vector<16xf32>,
      %parallel_loop3A_307 = vector.shape_cast %parallel_loop3A_306 : vector<16xf32> to vector<16xf32>
      %parallel_loop3A_308 = arith.index_cast %parallel_loop3A_304 : i32 to index
      %parallel_loop3A_309 = tpu.vector_load %arg10[%parallel_loop3A_308] {strides = array<i32>} : memref<8192xf32, #tpu.memory_space<vmem>>, vector<16xf32>,
      %parallel_loop3A_310 = vector.shape_cast %parallel_loop3A_309 : vector<16xf32> to vector<16xf32>
      %parallel_loop3A_311 = arith.constant 5.000000e-01 : f32
      %parallel_loop3A_312 = vector.broadcast %parallel_loop3A_311 : f32 to vector<16xf32>
      %parallel_loop3A_313 = arith.cmpf oge, %parallel_loop3A_310, %parallel_loop3A_312 : vector<16xf32>
      %parallel_loop3A_314 = arith.constant 2.000000e+00 : f32
      %parallel_loop3A_315 = vector.broadcast %parallel_loop3A_314 : f32 to vector<16xf32>
      %parallel_loop3A_316 = arith.mulf %parallel_loop3A_307, %parallel_loop3A_315 : vector<16xf32>
      %parallel_loop3A_317 = arith.constant 0.000000e+00 : f32
      %parallel_loop3A_318 = vector.broadcast %parallel_loop3A_317 : f32 to vector<16xf32>
      %parallel_loop3A_319 = arith.select %parallel_loop3A_313, %parallel_loop3A_316, %parallel_loop3A_318 : vector<16xi1>, vector<16xf32>
      %parallel_loop3A_320 = arith.index_cast %parallel_loop3A_304 : i32 to index
      %parallel_loop3A_321 = tpu.vector_load %arg14[%parallel_loop3A_320] {strides = array<i32>} : memref<8192xf32, #tpu.memory_space<vmem>>, vector<16xf32>,
      %parallel_loop3A_322 = vector.shape_cast %parallel_loop3A_321 : vector<16xf32> to vector<16xf32>
      %parallel_loop3A_323 = vector.shape_cast %parallel_loop3A_319 : vector<16xf32> to vector<16xf32>
      tpu.vector_store %arg14[%parallel_loop3A_320], %parallel_loop3A_323 {strides = array<i32>} : memref<8192xf32, #tpu.memory_space<vmem>>, vector<16xf32>,
    } {sc.loop_unroll_factor = 8 : i64, sc.parallel_access}
    %add3A_120 = arith.constant 40960 : i32
    %add3A_121 = arith.addi %mul3A_2, %add3A_120 : i32
    %dma_start3A_122 = tpu.memref_slice %arg4[%add3A_121] : memref<4194304xf32, #tpu.memory_space<hbm>> -> memref<8192xf32, #tpu.memory_space<hbm>>
    %dma_start3A_123 = tpu.memref_slice %arg4[%add3A_121] : memref<4194304xf32, #tpu.memory_space<hbm>> -> memref<8192xf32, #tpu.memory_space<hbm>>
    tpu.enqueue_dma source(%arg14 : memref<8192xf32, #tpu.memory_space<vmem>>) target(%dma_start3A_123 : memref<8192xf32, #tpu.memory_space<hbm>>) target_semaphore(%arg22 : memref<!tpu.dma_semaphore, #tpu.memory_space<semaphore_mem>>)
    %add3A_124 = arith.constant 73728 : i32
    %add3A_125 = arith.addi %mul3A_2, %add3A_124 : i32
    %dma_start3A_126 = tpu.memref_slice %arg2[%add3A_125] : memref<4194304xf32, #tpu.memory_space<hbm>> -> memref<8192xf32, #tpu.memory_space<hbm>>
    %dma_start3A_127 = tpu.memref_slice %arg2[%add3A_125] : memref<4194304xf32, #tpu.memory_space<hbm>> -> memref<8192xf32, #tpu.memory_space<hbm>>
    tpu.enqueue_dma source(%dma_start3A_127 : memref<8192xf32, #tpu.memory_space<hbm>>) target(%arg6 : memref<8192xf32, #tpu.memory_space<vmem>>) target_semaphore(%arg18 : memref<!tpu.dma_semaphore, #tpu.memory_space<semaphore_mem>>)
    %dma_start3A_128 = tpu.memref_slice %arg3[%add3A_125] : memref<4194304xf32, #tpu.memory_space<hbm>> -> memref<8192xf32, #tpu.memory_space<hbm>>
    %dma_start3A_129 = tpu.memref_slice %arg3[%add3A_125] : memref<4194304xf32, #tpu.memory_space<hbm>> -> memref<8192xf32, #tpu.memory_space<hbm>>
    tpu.enqueue_dma source(%dma_start3A_129 : memref<8192xf32, #tpu.memory_space<hbm>>) target(%arg10 : memref<8192xf32, #tpu.memory_space<vmem>>) target_semaphore(%arg18 : memref<!tpu.dma_semaphore, #tpu.memory_space<semaphore_mem>>)
    %dma_wait3A_130 = tpu.memref_slice %arg2[%add3A_70] : memref<4194304xf32, #tpu.memory_space<hbm>> -> memref<8192xf32, #tpu.memory_space<hbm>>
    %dma_wait3A_131 = tpu.memref_slice %arg2[%add3A_70] : memref<4194304xf32, #tpu.memory_space<hbm>> -> memref<8192xf32, #tpu.memory_space<hbm>>
    tpu.wait_dma2 semaphore(%arg19 : memref<!tpu.dma_semaphore, #tpu.memory_space<semaphore_mem>>) src(%dma_wait3A_131 : memref<8192xf32, #tpu.memory_space<hbm>>) dst(%arg7 : memref<8192xf32, #tpu.memory_space<vmem>>)
    %dma_wait3A_132 = tpu.memref_slice %arg3[%add3A_70] : memref<4194304xf32, #tpu.memory_space<hbm>> -> memref<8192xf32, #tpu.memory_space<hbm>>
    %dma_wait3A_133 = tpu.memref_slice %arg3[%add3A_70] : memref<4194304xf32, #tpu.memory_space<hbm>> -> memref<8192xf32, #tpu.memory_space<hbm>>
    tpu.wait_dma2 semaphore(%arg19 : memref<!tpu.dma_semaphore, #tpu.memory_space<semaphore_mem>>) src(%dma_wait3A_133 : memref<8192xf32, #tpu.memory_space<hbm>>) dst(%arg11 : memref<8192xf32, #tpu.memory_space<vmem>>)
    %dma_wait3A_134 = tpu.memref_slice %arg4[%add3A_66] : memref<4194304xf32, #tpu.memory_space<hbm>> -> memref<8192xf32, #tpu.memory_space<hbm>>
    %dma_wait3A_135 = tpu.memref_slice %arg4[%add3A_66] : memref<4194304xf32, #tpu.memory_space<hbm>> -> memref<8192xf32, #tpu.memory_space<hbm>>
    tpu.wait_dma2 semaphore(%arg23 : memref<!tpu.dma_semaphore, #tpu.memory_space<semaphore_mem>>) src(%arg15 : memref<8192xf32, #tpu.memory_space<vmem>>) dst(%dma_wait3A_135 : memref<8192xf32, #tpu.memory_space<hbm>>)
    %parallel_loop3A_136 = arith.constant 0 : i32
    %parallel_loop3A_137 = arith.constant 8192 : i32
    %parallel_loop3A_138 = arith.constant 16 : i32
    scf.for %parallel_loop3A_304 = %parallel_loop3A_136 to %parallel_loop3A_137 step %parallel_loop3A_138  : i32 {
      %parallel_loop3A_305 = arith.index_cast %parallel_loop3A_304 : i32 to index
      %parallel_loop3A_306 = tpu.vector_load %arg7[%parallel_loop3A_305] {strides = array<i32>} : memref<8192xf32, #tpu.memory_space<vmem>>, vector<16xf32>,
      %parallel_loop3A_307 = vector.shape_cast %parallel_loop3A_306 : vector<16xf32> to vector<16xf32>
      %parallel_loop3A_308 = arith.index_cast %parallel_loop3A_304 : i32 to index
      %parallel_loop3A_309 = tpu.vector_load %arg11[%parallel_loop3A_308] {strides = array<i32>} : memref<8192xf32, #tpu.memory_space<vmem>>, vector<16xf32>,
      %parallel_loop3A_310 = vector.shape_cast %parallel_loop3A_309 : vector<16xf32> to vector<16xf32>
      %parallel_loop3A_311 = arith.constant 5.000000e-01 : f32
      %parallel_loop3A_312 = vector.broadcast %parallel_loop3A_311 : f32 to vector<16xf32>
      %parallel_loop3A_313 = arith.cmpf oge, %parallel_loop3A_310, %parallel_loop3A_312 : vector<16xf32>
      %parallel_loop3A_314 = arith.constant 2.000000e+00 : f32
      %parallel_loop3A_315 = vector.broadcast %parallel_loop3A_314 : f32 to vector<16xf32>
      %parallel_loop3A_316 = arith.mulf %parallel_loop3A_307, %parallel_loop3A_315 : vector<16xf32>
      %parallel_loop3A_317 = arith.constant 0.000000e+00 : f32
      %parallel_loop3A_318 = vector.broadcast %parallel_loop3A_317 : f32 to vector<16xf32>
      %parallel_loop3A_319 = arith.select %parallel_loop3A_313, %parallel_loop3A_316, %parallel_loop3A_318 : vector<16xi1>, vector<16xf32>
      %parallel_loop3A_320 = arith.index_cast %parallel_loop3A_304 : i32 to index
      %parallel_loop3A_321 = tpu.vector_load %arg15[%parallel_loop3A_320] {strides = array<i32>} : memref<8192xf32, #tpu.memory_space<vmem>>, vector<16xf32>,
      %parallel_loop3A_322 = vector.shape_cast %parallel_loop3A_321 : vector<16xf32> to vector<16xf32>
      %parallel_loop3A_323 = vector.shape_cast %parallel_loop3A_319 : vector<16xf32> to vector<16xf32>
      tpu.vector_store %arg15[%parallel_loop3A_320], %parallel_loop3A_323 {strides = array<i32>} : memref<8192xf32, #tpu.memory_space<vmem>>, vector<16xf32>,
    } {sc.loop_unroll_factor = 8 : i64, sc.parallel_access}
    %add3A_139 = arith.constant 49152 : i32
    %add3A_140 = arith.addi %mul3A_2, %add3A_139 : i32
    %dma_start3A_141 = tpu.memref_slice %arg4[%add3A_140] : memref<4194304xf32, #tpu.memory_space<hbm>> -> memref<8192xf32, #tpu.memory_space<hbm>>
    %dma_start3A_142 = tpu.memref_slice %arg4[%add3A_140] : memref<4194304xf32, #tpu.memory_space<hbm>> -> memref<8192xf32, #tpu.memory_space<hbm>>
    tpu.enqueue_dma source(%arg15 : memref<8192xf32, #tpu.memory_space<vmem>>) target(%dma_start3A_142 : memref<8192xf32, #tpu.memory_space<hbm>>) target_semaphore(%arg23 : memref<!tpu.dma_semaphore, #tpu.memory_space<semaphore_mem>>)
    %add3A_143 = arith.constant 81920 : i32
    %add3A_144 = arith.addi %mul3A_2, %add3A_143 : i32
    %dma_start3A_145 = tpu.memref_slice %arg2[%add3A_144] : memref<4194304xf32, #tpu.memory_space<hbm>> -> memref<8192xf32, #tpu.memory_space<hbm>>
    %dma_start3A_146 = tpu.memref_slice %arg2[%add3A_144] : memref<4194304xf32, #tpu.memory_space<hbm>> -> memref<8192xf32, #tpu.memory_space<hbm>>
    tpu.enqueue_dma source(%dma_start3A_146 : memref<8192xf32, #tpu.memory_space<hbm>>) target(%arg7 : memref<8192xf32, #tpu.memory_space<vmem>>) target_semaphore(%arg19 : memref<!tpu.dma_semaphore, #tpu.memory_space<semaphore_mem>>)
    %dma_start3A_147 = tpu.memref_slice %arg3[%add3A_144] : memref<4194304xf32, #tpu.memory_space<hbm>> -> memref<8192xf32, #tpu.memory_space<hbm>>
    %dma_start3A_148 = tpu.memref_slice %arg3[%add3A_144] : memref<4194304xf32, #tpu.memory_space<hbm>> -> memref<8192xf32, #tpu.memory_space<hbm>>
    tpu.enqueue_dma source(%dma_start3A_148 : memref<8192xf32, #tpu.memory_space<hbm>>) target(%arg11 : memref<8192xf32, #tpu.memory_space<vmem>>) target_semaphore(%arg19 : memref<!tpu.dma_semaphore, #tpu.memory_space<semaphore_mem>>)
    %dma_wait3A_149 = tpu.memref_slice %arg2[%add3A_87] : memref<4194304xf32, #tpu.memory_space<hbm>> -> memref<8192xf32, #tpu.memory_space<hbm>>
    %dma_wait3A_150 = tpu.memref_slice %arg2[%add3A_87] : memref<4194304xf32, #tpu.memory_space<hbm>> -> memref<8192xf32, #tpu.memory_space<hbm>>
    tpu.wait_dma2 semaphore(%arg20 : memref<!tpu.dma_semaphore, #tpu.memory_space<semaphore_mem>>) src(%dma_wait3A_150 : memref<8192xf32, #tpu.memory_space<hbm>>) dst(%arg8 : memref<8192xf32, #tpu.memory_space<vmem>>)
    %dma_wait3A_151 = tpu.memref_slice %arg3[%add3A_87] : memref<4194304xf32, #tpu.memory_space<hbm>> -> memref<8192xf32, #tpu.memory_space<hbm>>
    %dma_wait3A_152 = tpu.memref_slice %arg3[%add3A_87] : memref<4194304xf32, #tpu.memory_space<hbm>> -> memref<8192xf32, #tpu.memory_space<hbm>>
    tpu.wait_dma2 semaphore(%arg20 : memref<!tpu.dma_semaphore, #tpu.memory_space<semaphore_mem>>) src(%dma_wait3A_152 : memref<8192xf32, #tpu.memory_space<hbm>>) dst(%arg12 : memref<8192xf32, #tpu.memory_space<vmem>>)
    %dma_wait3A_153 = tpu.memref_slice %arg4[%add3A_83] : memref<4194304xf32, #tpu.memory_space<hbm>> -> memref<8192xf32, #tpu.memory_space<hbm>>
    %dma_wait3A_154 = tpu.memref_slice %arg4[%add3A_83] : memref<4194304xf32, #tpu.memory_space<hbm>> -> memref<8192xf32, #tpu.memory_space<hbm>>
    tpu.wait_dma2 semaphore(%arg24 : memref<!tpu.dma_semaphore, #tpu.memory_space<semaphore_mem>>) src(%arg16 : memref<8192xf32, #tpu.memory_space<vmem>>) dst(%dma_wait3A_154 : memref<8192xf32, #tpu.memory_space<hbm>>)
    %parallel_loop3A_155 = arith.constant 0 : i32
    %parallel_loop3A_156 = arith.constant 8192 : i32
    %parallel_loop3A_157 = arith.constant 16 : i32
    scf.for %parallel_loop3A_304 = %parallel_loop3A_155 to %parallel_loop3A_156 step %parallel_loop3A_157  : i32 {
      %parallel_loop3A_305 = arith.index_cast %parallel_loop3A_304 : i32 to index
      %parallel_loop3A_306 = tpu.vector_load %arg8[%parallel_loop3A_305] {strides = array<i32>} : memref<8192xf32, #tpu.memory_space<vmem>>, vector<16xf32>,
      %parallel_loop3A_307 = vector.shape_cast %parallel_loop3A_306 : vector<16xf32> to vector<16xf32>
      %parallel_loop3A_308 = arith.index_cast %parallel_loop3A_304 : i32 to index
      %parallel_loop3A_309 = tpu.vector_load %arg12[%parallel_loop3A_308] {strides = array<i32>} : memref<8192xf32, #tpu.memory_space<vmem>>, vector<16xf32>,
      %parallel_loop3A_310 = vector.shape_cast %parallel_loop3A_309 : vector<16xf32> to vector<16xf32>
      %parallel_loop3A_311 = arith.constant 5.000000e-01 : f32
      %parallel_loop3A_312 = vector.broadcast %parallel_loop3A_311 : f32 to vector<16xf32>
      %parallel_loop3A_313 = arith.cmpf oge, %parallel_loop3A_310, %parallel_loop3A_312 : vector<16xf32>
      %parallel_loop3A_314 = arith.constant 2.000000e+00 : f32
      %parallel_loop3A_315 = vector.broadcast %parallel_loop3A_314 : f32 to vector<16xf32>
      %parallel_loop3A_316 = arith.mulf %parallel_loop3A_307, %parallel_loop3A_315 : vector<16xf32>
      %parallel_loop3A_317 = arith.constant 0.000000e+00 : f32
      %parallel_loop3A_318 = vector.broadcast %parallel_loop3A_317 : f32 to vector<16xf32>
      %parallel_loop3A_319 = arith.select %parallel_loop3A_313, %parallel_loop3A_316, %parallel_loop3A_318 : vector<16xi1>, vector<16xf32>
      %parallel_loop3A_320 = arith.index_cast %parallel_loop3A_304 : i32 to index
      %parallel_loop3A_321 = tpu.vector_load %arg16[%parallel_loop3A_320] {strides = array<i32>} : memref<8192xf32, #tpu.memory_space<vmem>>, vector<16xf32>,
      %parallel_loop3A_322 = vector.shape_cast %parallel_loop3A_321 : vector<16xf32> to vector<16xf32>
      %parallel_loop3A_323 = vector.shape_cast %parallel_loop3A_319 : vector<16xf32> to vector<16xf32>
      tpu.vector_store %arg16[%parallel_loop3A_320], %parallel_loop3A_323 {strides = array<i32>} : memref<8192xf32, #tpu.memory_space<vmem>>, vector<16xf32>,
    } {sc.loop_unroll_factor = 8 : i64, sc.parallel_access}
    %add3A_158 = arith.constant 57344 : i32
    %add3A_159 = arith.addi %mul3A_2, %add3A_158 : i32
    %dma_start3A_160 = tpu.memref_slice %arg4[%add3A_159] : memref<4194304xf32, #tpu.memory_space<hbm>> -> memref<8192xf32, #tpu.memory_space<hbm>>
    %dma_start3A_161 = tpu.memref_slice %arg4[%add3A_159] : memref<4194304xf32, #tpu.memory_space<hbm>> -> memref<8192xf32, #tpu.memory_space<hbm>>
    tpu.enqueue_dma source(%arg16 : memref<8192xf32, #tpu.memory_space<vmem>>) target(%dma_start3A_161 : memref<8192xf32, #tpu.memory_space<hbm>>) target_semaphore(%arg24 : memref<!tpu.dma_semaphore, #tpu.memory_space<semaphore_mem>>)
    %add3A_162 = arith.constant 90112 : i32
    %add3A_163 = arith.addi %mul3A_2, %add3A_162 : i32
    %dma_start3A_164 = tpu.memref_slice %arg2[%add3A_163] : memref<4194304xf32, #tpu.memory_space<hbm>> -> memref<8192xf32, #tpu.memory_space<hbm>>
    %dma_start3A_165 = tpu.memref_slice %arg2[%add3A_163] : memref<4194304xf32, #tpu.memory_space<hbm>> -> memref<8192xf32, #tpu.memory_space<hbm>>
    tpu.enqueue_dma source(%dma_start3A_165 : memref<8192xf32, #tpu.memory_space<hbm>>) target(%arg8 : memref<8192xf32, #tpu.memory_space<vmem>>) target_semaphore(%arg20 : memref<!tpu.dma_semaphore, #tpu.memory_space<semaphore_mem>>)
    %dma_start3A_166 = tpu.memref_slice %arg3[%add3A_163] : memref<4194304xf32, #tpu.memory_space<hbm>> -> memref<8192xf32, #tpu.memory_space<hbm>>
    %dma_start3A_167 = tpu.memref_slice %arg3[%add3A_163] : memref<4194304xf32, #tpu.memory_space<hbm>> -> memref<8192xf32, #tpu.memory_space<hbm>>
    tpu.enqueue_dma source(%dma_start3A_167 : memref<8192xf32, #tpu.memory_space<hbm>>) target(%arg12 : memref<8192xf32, #tpu.memory_space<vmem>>) target_semaphore(%arg20 : memref<!tpu.dma_semaphore, #tpu.memory_space<semaphore_mem>>)
    %dma_wait3A_168 = tpu.memref_slice %arg2[%add3A_106] : memref<4194304xf32, #tpu.memory_space<hbm>> -> memref<8192xf32, #tpu.memory_space<hbm>>
    %dma_wait3A_169 = tpu.memref_slice %arg2[%add3A_106] : memref<4194304xf32, #tpu.memory_space<hbm>> -> memref<8192xf32, #tpu.memory_space<hbm>>
    tpu.wait_dma2 semaphore(%arg17 : memref<!tpu.dma_semaphore, #tpu.memory_space<semaphore_mem>>) src(%dma_wait3A_169 : memref<8192xf32, #tpu.memory_space<hbm>>) dst(%arg5 : memref<8192xf32, #tpu.memory_space<vmem>>)
    %dma_wait3A_170 = tpu.memref_slice %arg3[%add3A_106] : memref<4194304xf32, #tpu.memory_space<hbm>> -> memref<8192xf32, #tpu.memory_space<hbm>>
    %dma_wait3A_171 = tpu.memref_slice %arg3[%add3A_106] : memref<4194304xf32, #tpu.memory_space<hbm>> -> memref<8192xf32, #tpu.memory_space<hbm>>
    tpu.wait_dma2 semaphore(%arg17 : memref<!tpu.dma_semaphore, #tpu.memory_space<semaphore_mem>>) src(%dma_wait3A_171 : memref<8192xf32, #tpu.memory_space<hbm>>) dst(%arg9 : memref<8192xf32, #tpu.memory_space<vmem>>)
    %dma_wait3A_172 = tpu.memref_slice %arg4[%add3A_102] : memref<4194304xf32, #tpu.memory_space<hbm>> -> memref<8192xf32, #tpu.memory_space<hbm>>
    %dma_wait3A_173 = tpu.memref_slice %arg4[%add3A_102] : memref<4194304xf32, #tpu.memory_space<hbm>> -> memref<8192xf32, #tpu.memory_space<hbm>>
    tpu.wait_dma2 semaphore(%arg21 : memref<!tpu.dma_semaphore, #tpu.memory_space<semaphore_mem>>) src(%arg13 : memref<8192xf32, #tpu.memory_space<vmem>>) dst(%dma_wait3A_173 : memref<8192xf32, #tpu.memory_space<hbm>>)
    %parallel_loop3A_174 = arith.constant 0 : i32
    %parallel_loop3A_175 = arith.constant 8192 : i32
    %parallel_loop3A_176 = arith.constant 16 : i32
    scf.for %parallel_loop3A_304 = %parallel_loop3A_174 to %parallel_loop3A_175 step %parallel_loop3A_176  : i32 {
      %parallel_loop3A_305 = arith.index_cast %parallel_loop3A_304 : i32 to index
      %parallel_loop3A_306 = tpu.vector_load %arg5[%parallel_loop3A_305] {strides = array<i32>} : memref<8192xf32, #tpu.memory_space<vmem>>, vector<16xf32>,
      %parallel_loop3A_307 = vector.shape_cast %parallel_loop3A_306 : vector<16xf32> to vector<16xf32>
      %parallel_loop3A_308 = arith.index_cast %parallel_loop3A_304 : i32 to index
      %parallel_loop3A_309 = tpu.vector_load %arg9[%parallel_loop3A_308] {strides = array<i32>} : memref<8192xf32, #tpu.memory_space<vmem>>, vector<16xf32>,
      %parallel_loop3A_310 = vector.shape_cast %parallel_loop3A_309 : vector<16xf32> to vector<16xf32>
      %parallel_loop3A_311 = arith.constant 5.000000e-01 : f32
      %parallel_loop3A_312 = vector.broadcast %parallel_loop3A_311 : f32 to vector<16xf32>
      %parallel_loop3A_313 = arith.cmpf oge, %parallel_loop3A_310, %parallel_loop3A_312 : vector<16xf32>
      %parallel_loop3A_314 = arith.constant 2.000000e+00 : f32
      %parallel_loop3A_315 = vector.broadcast %parallel_loop3A_314 : f32 to vector<16xf32>
      %parallel_loop3A_316 = arith.mulf %parallel_loop3A_307, %parallel_loop3A_315 : vector<16xf32>
      %parallel_loop3A_317 = arith.constant 0.000000e+00 : f32
      %parallel_loop3A_318 = vector.broadcast %parallel_loop3A_317 : f32 to vector<16xf32>
      %parallel_loop3A_319 = arith.select %parallel_loop3A_313, %parallel_loop3A_316, %parallel_loop3A_318 : vector<16xi1>, vector<16xf32>
      %parallel_loop3A_320 = arith.index_cast %parallel_loop3A_304 : i32 to index
      %parallel_loop3A_321 = tpu.vector_load %arg13[%parallel_loop3A_320] {strides = array<i32>} : memref<8192xf32, #tpu.memory_space<vmem>>, vector<16xf32>,
      %parallel_loop3A_322 = vector.shape_cast %parallel_loop3A_321 : vector<16xf32> to vector<16xf32>
      %parallel_loop3A_323 = vector.shape_cast %parallel_loop3A_319 : vector<16xf32> to vector<16xf32>
      tpu.vector_store %arg13[%parallel_loop3A_320], %parallel_loop3A_323 {strides = array<i32>} : memref<8192xf32, #tpu.memory_space<vmem>>, vector<16xf32>,
    } {sc.loop_unroll_factor = 8 : i64, sc.parallel_access}
    %add3A_177 = arith.constant 65536 : i32
    %add3A_178 = arith.addi %mul3A_2, %add3A_177 : i32
    %dma_start3A_179 = tpu.memref_slice %arg4[%add3A_178] : memref<4194304xf32, #tpu.memory_space<hbm>> -> memref<8192xf32, #tpu.memory_space<hbm>>
    %dma_start3A_180 = tpu.memref_slice %arg4[%add3A_178] : memref<4194304xf32, #tpu.memory_space<hbm>> -> memref<8192xf32, #tpu.memory_space<hbm>>
    tpu.enqueue_dma source(%arg13 : memref<8192xf32, #tpu.memory_space<vmem>>) target(%dma_start3A_180 : memref<8192xf32, #tpu.memory_space<hbm>>) target_semaphore(%arg21 : memref<!tpu.dma_semaphore, #tpu.memory_space<semaphore_mem>>)
    %add3A_181 = arith.constant 98304 : i32
    %add3A_182 = arith.addi %mul3A_2, %add3A_181 : i32
    %dma_start3A_183 = tpu.memref_slice %arg2[%add3A_182] : memref<4194304xf32, #tpu.memory_space<hbm>> -> memref<8192xf32, #tpu.memory_space<hbm>>
    %dma_start3A_184 = tpu.memref_slice %arg2[%add3A_182] : memref<4194304xf32, #tpu.memory_space<hbm>> -> memref<8192xf32, #tpu.memory_space<hbm>>
    tpu.enqueue_dma source(%dma_start3A_184 : memref<8192xf32, #tpu.memory_space<hbm>>) target(%arg5 : memref<8192xf32, #tpu.memory_space<vmem>>) target_semaphore(%arg17 : memref<!tpu.dma_semaphore, #tpu.memory_space<semaphore_mem>>)
    %dma_start3A_185 = tpu.memref_slice %arg3[%add3A_182] : memref<4194304xf32, #tpu.memory_space<hbm>> -> memref<8192xf32, #tpu.memory_space<hbm>>
    %dma_start3A_186 = tpu.memref_slice %arg3[%add3A_182] : memref<4194304xf32, #tpu.memory_space<hbm>> -> memref<8192xf32, #tpu.memory_space<hbm>>
    tpu.enqueue_dma source(%dma_start3A_186 : memref<8192xf32, #tpu.memory_space<hbm>>) target(%arg9 : memref<8192xf32, #tpu.memory_space<vmem>>) target_semaphore(%arg17 : memref<!tpu.dma_semaphore, #tpu.memory_space<semaphore_mem>>)
    %dma_wait3A_187 = tpu.memref_slice %arg2[%add3A_125] : memref<4194304xf32, #tpu.memory_space<hbm>> -> memref<8192xf32, #tpu.memory_space<hbm>>
    %dma_wait3A_188 = tpu.memref_slice %arg2[%add3A_125] : memref<4194304xf32, #tpu.memory_space<hbm>> -> memref<8192xf32, #tpu.memory_space<hbm>>
    tpu.wait_dma2 semaphore(%arg18 : memref<!tpu.dma_semaphore, #tpu.memory_space<semaphore_mem>>) src(%dma_wait3A_188 : memref<8192xf32, #tpu.memory_space<hbm>>) dst(%arg6 : memref<8192xf32, #tpu.memory_space<vmem>>)
    %dma_wait3A_189 = tpu.memref_slice %arg3[%add3A_125] : memref<4194304xf32, #tpu.memory_space<hbm>> -> memref<8192xf32, #tpu.memory_space<hbm>>
    %dma_wait3A_190 = tpu.memref_slice %arg3[%add3A_125] : memref<4194304xf32, #tpu.memory_space<hbm>> -> memref<8192xf32, #tpu.memory_space<hbm>>
    tpu.wait_dma2 semaphore(%arg18 : memref<!tpu.dma_semaphore, #tpu.memory_space<semaphore_mem>>) src(%dma_wait3A_190 : memref<8192xf32, #tpu.memory_space<hbm>>) dst(%arg10 : memref<8192xf32, #tpu.memory_space<vmem>>)
    %dma_wait3A_191 = tpu.memref_slice %arg4[%add3A_121] : memref<4194304xf32, #tpu.memory_space<hbm>> -> memref<8192xf32, #tpu.memory_space<hbm>>
    %dma_wait3A_192 = tpu.memref_slice %arg4[%add3A_121] : memref<4194304xf32, #tpu.memory_space<hbm>> -> memref<8192xf32, #tpu.memory_space<hbm>>
    tpu.wait_dma2 semaphore(%arg22 : memref<!tpu.dma_semaphore, #tpu.memory_space<semaphore_mem>>) src(%arg14 : memref<8192xf32, #tpu.memory_space<vmem>>) dst(%dma_wait3A_192 : memref<8192xf32, #tpu.memory_space<hbm>>)
    %parallel_loop3A_193 = arith.constant 0 : i32
    %parallel_loop3A_194 = arith.constant 8192 : i32
    %parallel_loop3A_195 = arith.constant 16 : i32
    scf.for %parallel_loop3A_304 = %parallel_loop3A_193 to %parallel_loop3A_194 step %parallel_loop3A_195  : i32 {
      %parallel_loop3A_305 = arith.index_cast %parallel_loop3A_304 : i32 to index
      %parallel_loop3A_306 = tpu.vector_load %arg6[%parallel_loop3A_305] {strides = array<i32>} : memref<8192xf32, #tpu.memory_space<vmem>>, vector<16xf32>,
      %parallel_loop3A_307 = vector.shape_cast %parallel_loop3A_306 : vector<16xf32> to vector<16xf32>
      %parallel_loop3A_308 = arith.index_cast %parallel_loop3A_304 : i32 to index
      %parallel_loop3A_309 = tpu.vector_load %arg10[%parallel_loop3A_308] {strides = array<i32>} : memref<8192xf32, #tpu.memory_space<vmem>>, vector<16xf32>,
      %parallel_loop3A_310 = vector.shape_cast %parallel_loop3A_309 : vector<16xf32> to vector<16xf32>
      %parallel_loop3A_311 = arith.constant 5.000000e-01 : f32
      %parallel_loop3A_312 = vector.broadcast %parallel_loop3A_311 : f32 to vector<16xf32>
      %parallel_loop3A_313 = arith.cmpf oge, %parallel_loop3A_310, %parallel_loop3A_312 : vector<16xf32>
      %parallel_loop3A_314 = arith.constant 2.000000e+00 : f32
      %parallel_loop3A_315 = vector.broadcast %parallel_loop3A_314 : f32 to vector<16xf32>
      %parallel_loop3A_316 = arith.mulf %parallel_loop3A_307, %parallel_loop3A_315 : vector<16xf32>
      %parallel_loop3A_317 = arith.constant 0.000000e+00 : f32
      %parallel_loop3A_318 = vector.broadcast %parallel_loop3A_317 : f32 to vector<16xf32>
      %parallel_loop3A_319 = arith.select %parallel_loop3A_313, %parallel_loop3A_316, %parallel_loop3A_318 : vector<16xi1>, vector<16xf32>
      %parallel_loop3A_320 = arith.index_cast %parallel_loop3A_304 : i32 to index
      %parallel_loop3A_321 = tpu.vector_load %arg14[%parallel_loop3A_320] {strides = array<i32>} : memref<8192xf32, #tpu.memory_space<vmem>>, vector<16xf32>,
      %parallel_loop3A_322 = vector.shape_cast %parallel_loop3A_321 : vector<16xf32> to vector<16xf32>
      %parallel_loop3A_323 = vector.shape_cast %parallel_loop3A_319 : vector<16xf32> to vector<16xf32>
      tpu.vector_store %arg14[%parallel_loop3A_320], %parallel_loop3A_323 {strides = array<i32>} : memref<8192xf32, #tpu.memory_space<vmem>>, vector<16xf32>,
    } {sc.loop_unroll_factor = 8 : i64, sc.parallel_access}
    %add3A_196 = arith.constant 73728 : i32
    %add3A_197 = arith.addi %mul3A_2, %add3A_196 : i32
    %dma_start3A_198 = tpu.memref_slice %arg4[%add3A_197] : memref<4194304xf32, #tpu.memory_space<hbm>> -> memref<8192xf32, #tpu.memory_space<hbm>>
    %dma_start3A_199 = tpu.memref_slice %arg4[%add3A_197] : memref<4194304xf32, #tpu.memory_space<hbm>> -> memref<8192xf32, #tpu.memory_space<hbm>>
    tpu.enqueue_dma source(%arg14 : memref<8192xf32, #tpu.memory_space<vmem>>) target(%dma_start3A_199 : memref<8192xf32, #tpu.memory_space<hbm>>) target_semaphore(%arg22 : memref<!tpu.dma_semaphore, #tpu.memory_space<semaphore_mem>>)
    %add3A_200 = arith.constant 106496 : i32
    %add3A_201 = arith.addi %mul3A_2, %add3A_200 : i32
    %dma_start3A_202 = tpu.memref_slice %arg2[%add3A_201] : memref<4194304xf32, #tpu.memory_space<hbm>> -> memref<8192xf32, #tpu.memory_space<hbm>>
    %dma_start3A_203 = tpu.memref_slice %arg2[%add3A_201] : memref<4194304xf32, #tpu.memory_space<hbm>> -> memref<8192xf32, #tpu.memory_space<hbm>>
    tpu.enqueue_dma source(%dma_start3A_203 : memref<8192xf32, #tpu.memory_space<hbm>>) target(%arg6 : memref<8192xf32, #tpu.memory_space<vmem>>) target_semaphore(%arg18 : memref<!tpu.dma_semaphore, #tpu.memory_space<semaphore_mem>>)
    %dma_start3A_204 = tpu.memref_slice %arg3[%add3A_201] : memref<4194304xf32, #tpu.memory_space<hbm>> -> memref<8192xf32, #tpu.memory_space<hbm>>
    %dma_start3A_205 = tpu.memref_slice %arg3[%add3A_201] : memref<4194304xf32, #tpu.memory_space<hbm>> -> memref<8192xf32, #tpu.memory_space<hbm>>
    tpu.enqueue_dma source(%dma_start3A_205 : memref<8192xf32, #tpu.memory_space<hbm>>) target(%arg10 : memref<8192xf32, #tpu.memory_space<vmem>>) target_semaphore(%arg18 : memref<!tpu.dma_semaphore, #tpu.memory_space<semaphore_mem>>)
    %dma_wait3A_206 = tpu.memref_slice %arg2[%add3A_144] : memref<4194304xf32, #tpu.memory_space<hbm>> -> memref<8192xf32, #tpu.memory_space<hbm>>
    %dma_wait3A_207 = tpu.memref_slice %arg2[%add3A_144] : memref<4194304xf32, #tpu.memory_space<hbm>> -> memref<8192xf32, #tpu.memory_space<hbm>>
    tpu.wait_dma2 semaphore(%arg19 : memref<!tpu.dma_semaphore, #tpu.memory_space<semaphore_mem>>) src(%dma_wait3A_207 : memref<8192xf32, #tpu.memory_space<hbm>>) dst(%arg7 : memref<8192xf32, #tpu.memory_space<vmem>>)
    %dma_wait3A_208 = tpu.memref_slice %arg3[%add3A_144] : memref<4194304xf32, #tpu.memory_space<hbm>> -> memref<8192xf32, #tpu.memory_space<hbm>>
    %dma_wait3A_209 = tpu.memref_slice %arg3[%add3A_144] : memref<4194304xf32, #tpu.memory_space<hbm>> -> memref<8192xf32, #tpu.memory_space<hbm>>
    tpu.wait_dma2 semaphore(%arg19 : memref<!tpu.dma_semaphore, #tpu.memory_space<semaphore_mem>>) src(%dma_wait3A_209 : memref<8192xf32, #tpu.memory_space<hbm>>) dst(%arg11 : memref<8192xf32, #tpu.memory_space<vmem>>)
    %dma_wait3A_210 = tpu.memref_slice %arg4[%add3A_140] : memref<4194304xf32, #tpu.memory_space<hbm>> -> memref<8192xf32, #tpu.memory_space<hbm>>
    %dma_wait3A_211 = tpu.memref_slice %arg4[%add3A_140] : memref<4194304xf32, #tpu.memory_space<hbm>> -> memref<8192xf32, #tpu.memory_space<hbm>>
    tpu.wait_dma2 semaphore(%arg23 : memref<!tpu.dma_semaphore, #tpu.memory_space<semaphore_mem>>) src(%arg15 : memref<8192xf32, #tpu.memory_space<vmem>>) dst(%dma_wait3A_211 : memref<8192xf32, #tpu.memory_space<hbm>>)
    %parallel_loop3A_212 = arith.constant 0 : i32
    %parallel_loop3A_213 = arith.constant 8192 : i32
    %parallel_loop3A_214 = arith.constant 16 : i32
    scf.for %parallel_loop3A_304 = %parallel_loop3A_212 to %parallel_loop3A_213 step %parallel_loop3A_214  : i32 {
      %parallel_loop3A_305 = arith.index_cast %parallel_loop3A_304 : i32 to index
      %parallel_loop3A_306 = tpu.vector_load %arg7[%parallel_loop3A_305] {strides = array<i32>} : memref<8192xf32, #tpu.memory_space<vmem>>, vector<16xf32>,
      %parallel_loop3A_307 = vector.shape_cast %parallel_loop3A_306 : vector<16xf32> to vector<16xf32>
      %parallel_loop3A_308 = arith.index_cast %parallel_loop3A_304 : i32 to index
      %parallel_loop3A_309 = tpu.vector_load %arg11[%parallel_loop3A_308] {strides = array<i32>} : memref<8192xf32, #tpu.memory_space<vmem>>, vector<16xf32>,
      %parallel_loop3A_310 = vector.shape_cast %parallel_loop3A_309 : vector<16xf32> to vector<16xf32>
      %parallel_loop3A_311 = arith.constant 5.000000e-01 : f32
      %parallel_loop3A_312 = vector.broadcast %parallel_loop3A_311 : f32 to vector<16xf32>
      %parallel_loop3A_313 = arith.cmpf oge, %parallel_loop3A_310, %parallel_loop3A_312 : vector<16xf32>
      %parallel_loop3A_314 = arith.constant 2.000000e+00 : f32
      %parallel_loop3A_315 = vector.broadcast %parallel_loop3A_314 : f32 to vector<16xf32>
      %parallel_loop3A_316 = arith.mulf %parallel_loop3A_307, %parallel_loop3A_315 : vector<16xf32>
      %parallel_loop3A_317 = arith.constant 0.000000e+00 : f32
      %parallel_loop3A_318 = vector.broadcast %parallel_loop3A_317 : f32 to vector<16xf32>
      %parallel_loop3A_319 = arith.select %parallel_loop3A_313, %parallel_loop3A_316, %parallel_loop3A_318 : vector<16xi1>, vector<16xf32>
      %parallel_loop3A_320 = arith.index_cast %parallel_loop3A_304 : i32 to index
      %parallel_loop3A_321 = tpu.vector_load %arg15[%parallel_loop3A_320] {strides = array<i32>} : memref<8192xf32, #tpu.memory_space<vmem>>, vector<16xf32>,
      %parallel_loop3A_322 = vector.shape_cast %parallel_loop3A_321 : vector<16xf32> to vector<16xf32>
      %parallel_loop3A_323 = vector.shape_cast %parallel_loop3A_319 : vector<16xf32> to vector<16xf32>
      tpu.vector_store %arg15[%parallel_loop3A_320], %parallel_loop3A_323 {strides = array<i32>} : memref<8192xf32, #tpu.memory_space<vmem>>, vector<16xf32>,
    } {sc.loop_unroll_factor = 8 : i64, sc.parallel_access}
    %add3A_215 = arith.constant 81920 : i32
    %add3A_216 = arith.addi %mul3A_2, %add3A_215 : i32
    %dma_start3A_217 = tpu.memref_slice %arg4[%add3A_216] : memref<4194304xf32, #tpu.memory_space<hbm>> -> memref<8192xf32, #tpu.memory_space<hbm>>
    %dma_start3A_218 = tpu.memref_slice %arg4[%add3A_216] : memref<4194304xf32, #tpu.memory_space<hbm>> -> memref<8192xf32, #tpu.memory_space<hbm>>
    tpu.enqueue_dma source(%arg15 : memref<8192xf32, #tpu.memory_space<vmem>>) target(%dma_start3A_218 : memref<8192xf32, #tpu.memory_space<hbm>>) target_semaphore(%arg23 : memref<!tpu.dma_semaphore, #tpu.memory_space<semaphore_mem>>)
    %add3A_219 = arith.constant 114688 : i32
    %add3A_220 = arith.addi %mul3A_2, %add3A_219 : i32
    %dma_start3A_221 = tpu.memref_slice %arg2[%add3A_220] : memref<4194304xf32, #tpu.memory_space<hbm>> -> memref<8192xf32, #tpu.memory_space<hbm>>
    %dma_start3A_222 = tpu.memref_slice %arg2[%add3A_220] : memref<4194304xf32, #tpu.memory_space<hbm>> -> memref<8192xf32, #tpu.memory_space<hbm>>
    tpu.enqueue_dma source(%dma_start3A_222 : memref<8192xf32, #tpu.memory_space<hbm>>) target(%arg7 : memref<8192xf32, #tpu.memory_space<vmem>>) target_semaphore(%arg19 : memref<!tpu.dma_semaphore, #tpu.memory_space<semaphore_mem>>)
    %dma_start3A_223 = tpu.memref_slice %arg3[%add3A_220] : memref<4194304xf32, #tpu.memory_space<hbm>> -> memref<8192xf32, #tpu.memory_space<hbm>>
    %dma_start3A_224 = tpu.memref_slice %arg3[%add3A_220] : memref<4194304xf32, #tpu.memory_space<hbm>> -> memref<8192xf32, #tpu.memory_space<hbm>>
    tpu.enqueue_dma source(%dma_start3A_224 : memref<8192xf32, #tpu.memory_space<hbm>>) target(%arg11 : memref<8192xf32, #tpu.memory_space<vmem>>) target_semaphore(%arg19 : memref<!tpu.dma_semaphore, #tpu.memory_space<semaphore_mem>>)
    %dma_wait3A_225 = tpu.memref_slice %arg2[%add3A_163] : memref<4194304xf32, #tpu.memory_space<hbm>> -> memref<8192xf32, #tpu.memory_space<hbm>>
    %dma_wait3A_226 = tpu.memref_slice %arg2[%add3A_163] : memref<4194304xf32, #tpu.memory_space<hbm>> -> memref<8192xf32, #tpu.memory_space<hbm>>
    tpu.wait_dma2 semaphore(%arg20 : memref<!tpu.dma_semaphore, #tpu.memory_space<semaphore_mem>>) src(%dma_wait3A_226 : memref<8192xf32, #tpu.memory_space<hbm>>) dst(%arg8 : memref<8192xf32, #tpu.memory_space<vmem>>)
    %dma_wait3A_227 = tpu.memref_slice %arg3[%add3A_163] : memref<4194304xf32, #tpu.memory_space<hbm>> -> memref<8192xf32, #tpu.memory_space<hbm>>
    %dma_wait3A_228 = tpu.memref_slice %arg3[%add3A_163] : memref<4194304xf32, #tpu.memory_space<hbm>> -> memref<8192xf32, #tpu.memory_space<hbm>>
    tpu.wait_dma2 semaphore(%arg20 : memref<!tpu.dma_semaphore, #tpu.memory_space<semaphore_mem>>) src(%dma_wait3A_228 : memref<8192xf32, #tpu.memory_space<hbm>>) dst(%arg12 : memref<8192xf32, #tpu.memory_space<vmem>>)
    %dma_wait3A_229 = tpu.memref_slice %arg4[%add3A_159] : memref<4194304xf32, #tpu.memory_space<hbm>> -> memref<8192xf32, #tpu.memory_space<hbm>>
    %dma_wait3A_230 = tpu.memref_slice %arg4[%add3A_159] : memref<4194304xf32, #tpu.memory_space<hbm>> -> memref<8192xf32, #tpu.memory_space<hbm>>
    tpu.wait_dma2 semaphore(%arg24 : memref<!tpu.dma_semaphore, #tpu.memory_space<semaphore_mem>>) src(%arg16 : memref<8192xf32, #tpu.memory_space<vmem>>) dst(%dma_wait3A_230 : memref<8192xf32, #tpu.memory_space<hbm>>)
    %parallel_loop3A_231 = arith.constant 0 : i32
    %parallel_loop3A_232 = arith.constant 8192 : i32
    %parallel_loop3A_233 = arith.constant 16 : i32
    scf.for %parallel_loop3A_304 = %parallel_loop3A_231 to %parallel_loop3A_232 step %parallel_loop3A_233  : i32 {
      %parallel_loop3A_305 = arith.index_cast %parallel_loop3A_304 : i32 to index
      %parallel_loop3A_306 = tpu.vector_load %arg8[%parallel_loop3A_305] {strides = array<i32>} : memref<8192xf32, #tpu.memory_space<vmem>>, vector<16xf32>,
      %parallel_loop3A_307 = vector.shape_cast %parallel_loop3A_306 : vector<16xf32> to vector<16xf32>
      %parallel_loop3A_308 = arith.index_cast %parallel_loop3A_304 : i32 to index
      %parallel_loop3A_309 = tpu.vector_load %arg12[%parallel_loop3A_308] {strides = array<i32>} : memref<8192xf32, #tpu.memory_space<vmem>>, vector<16xf32>,
      %parallel_loop3A_310 = vector.shape_cast %parallel_loop3A_309 : vector<16xf32> to vector<16xf32>
      %parallel_loop3A_311 = arith.constant 5.000000e-01 : f32
      %parallel_loop3A_312 = vector.broadcast %parallel_loop3A_311 : f32 to vector<16xf32>
      %parallel_loop3A_313 = arith.cmpf oge, %parallel_loop3A_310, %parallel_loop3A_312 : vector<16xf32>
      %parallel_loop3A_314 = arith.constant 2.000000e+00 : f32
      %parallel_loop3A_315 = vector.broadcast %parallel_loop3A_314 : f32 to vector<16xf32>
      %parallel_loop3A_316 = arith.mulf %parallel_loop3A_307, %parallel_loop3A_315 : vector<16xf32>
      %parallel_loop3A_317 = arith.constant 0.000000e+00 : f32
      %parallel_loop3A_318 = vector.broadcast %parallel_loop3A_317 : f32 to vector<16xf32>
      %parallel_loop3A_319 = arith.select %parallel_loop3A_313, %parallel_loop3A_316, %parallel_loop3A_318 : vector<16xi1>, vector<16xf32>
      %parallel_loop3A_320 = arith.index_cast %parallel_loop3A_304 : i32 to index
      %parallel_loop3A_321 = tpu.vector_load %arg16[%parallel_loop3A_320] {strides = array<i32>} : memref<8192xf32, #tpu.memory_space<vmem>>, vector<16xf32>,
      %parallel_loop3A_322 = vector.shape_cast %parallel_loop3A_321 : vector<16xf32> to vector<16xf32>
      %parallel_loop3A_323 = vector.shape_cast %parallel_loop3A_319 : vector<16xf32> to vector<16xf32>
      tpu.vector_store %arg16[%parallel_loop3A_320], %parallel_loop3A_323 {strides = array<i32>} : memref<8192xf32, #tpu.memory_space<vmem>>, vector<16xf32>,
    } {sc.loop_unroll_factor = 8 : i64, sc.parallel_access}
    %add3A_234 = arith.constant 90112 : i32
    %add3A_235 = arith.addi %mul3A_2, %add3A_234 : i32
    %dma_start3A_236 = tpu.memref_slice %arg4[%add3A_235] : memref<4194304xf32, #tpu.memory_space<hbm>> -> memref<8192xf32, #tpu.memory_space<hbm>>
    %dma_start3A_237 = tpu.memref_slice %arg4[%add3A_235] : memref<4194304xf32, #tpu.memory_space<hbm>> -> memref<8192xf32, #tpu.memory_space<hbm>>
    tpu.enqueue_dma source(%arg16 : memref<8192xf32, #tpu.memory_space<vmem>>) target(%dma_start3A_237 : memref<8192xf32, #tpu.memory_space<hbm>>) target_semaphore(%arg24 : memref<!tpu.dma_semaphore, #tpu.memory_space<semaphore_mem>>)
    %add3A_238 = arith.constant 122880 : i32
    %add3A_239 = arith.addi %mul3A_2, %add3A_238 : i32
    %dma_start3A_240 = tpu.memref_slice %arg2[%add3A_239] : memref<4194304xf32, #tpu.memory_space<hbm>> -> memref<8192xf32, #tpu.memory_space<hbm>>
    %dma_start3A_241 = tpu.memref_slice %arg2[%add3A_239] : memref<4194304xf32, #tpu.memory_space<hbm>> -> memref<8192xf32, #tpu.memory_space<hbm>>
    tpu.enqueue_dma source(%dma_start3A_241 : memref<8192xf32, #tpu.memory_space<hbm>>) target(%arg8 : memref<8192xf32, #tpu.memory_space<vmem>>) target_semaphore(%arg20 : memref<!tpu.dma_semaphore, #tpu.memory_space<semaphore_mem>>)
    %dma_start3A_242 = tpu.memref_slice %arg3[%add3A_239] : memref<4194304xf32, #tpu.memory_space<hbm>> -> memref<8192xf32, #tpu.memory_space<hbm>>
    %dma_start3A_243 = tpu.memref_slice %arg3[%add3A_239] : memref<4194304xf32, #tpu.memory_space<hbm>> -> memref<8192xf32, #tpu.memory_space<hbm>>
    tpu.enqueue_dma source(%dma_start3A_243 : memref<8192xf32, #tpu.memory_space<hbm>>) target(%arg12 : memref<8192xf32, #tpu.memory_space<vmem>>) target_semaphore(%arg20 : memref<!tpu.dma_semaphore, #tpu.memory_space<semaphore_mem>>)
    %dma_wait3A_244 = tpu.memref_slice %arg2[%add3A_182] : memref<4194304xf32, #tpu.memory_space<hbm>> -> memref<8192xf32, #tpu.memory_space<hbm>>
    %dma_wait3A_245 = tpu.memref_slice %arg2[%add3A_182] : memref<4194304xf32, #tpu.memory_space<hbm>> -> memref<8192xf32, #tpu.memory_space<hbm>>
    tpu.wait_dma2 semaphore(%arg17 : memref<!tpu.dma_semaphore, #tpu.memory_space<semaphore_mem>>) src(%dma_wait3A_245 : memref<8192xf32, #tpu.memory_space<hbm>>) dst(%arg5 : memref<8192xf32, #tpu.memory_space<vmem>>)
    %dma_wait3A_246 = tpu.memref_slice %arg3[%add3A_182] : memref<4194304xf32, #tpu.memory_space<hbm>> -> memref<8192xf32, #tpu.memory_space<hbm>>
    %dma_wait3A_247 = tpu.memref_slice %arg3[%add3A_182] : memref<4194304xf32, #tpu.memory_space<hbm>> -> memref<8192xf32, #tpu.memory_space<hbm>>
    tpu.wait_dma2 semaphore(%arg17 : memref<!tpu.dma_semaphore, #tpu.memory_space<semaphore_mem>>) src(%dma_wait3A_247 : memref<8192xf32, #tpu.memory_space<hbm>>) dst(%arg9 : memref<8192xf32, #tpu.memory_space<vmem>>)
    %dma_wait3A_248 = tpu.memref_slice %arg4[%add3A_178] : memref<4194304xf32, #tpu.memory_space<hbm>> -> memref<8192xf32, #tpu.memory_space<hbm>>
    %dma_wait3A_249 = tpu.memref_slice %arg4[%add3A_178] : memref<4194304xf32, #tpu.memory_space<hbm>> -> memref<8192xf32, #tpu.memory_space<hbm>>
    tpu.wait_dma2 semaphore(%arg21 : memref<!tpu.dma_semaphore, #tpu.memory_space<semaphore_mem>>) src(%arg13 : memref<8192xf32, #tpu.memory_space<vmem>>) dst(%dma_wait3A_249 : memref<8192xf32, #tpu.memory_space<hbm>>)
    %parallel_loop3A_250 = arith.constant 0 : i32
    %parallel_loop3A_251 = arith.constant 8192 : i32
    %parallel_loop3A_252 = arith.constant 16 : i32
    scf.for %parallel_loop3A_304 = %parallel_loop3A_250 to %parallel_loop3A_251 step %parallel_loop3A_252  : i32 {
      %parallel_loop3A_305 = arith.index_cast %parallel_loop3A_304 : i32 to index
      %parallel_loop3A_306 = tpu.vector_load %arg5[%parallel_loop3A_305] {strides = array<i32>} : memref<8192xf32, #tpu.memory_space<vmem>>, vector<16xf32>,
      %parallel_loop3A_307 = vector.shape_cast %parallel_loop3A_306 : vector<16xf32> to vector<16xf32>
      %parallel_loop3A_308 = arith.index_cast %parallel_loop3A_304 : i32 to index
      %parallel_loop3A_309 = tpu.vector_load %arg9[%parallel_loop3A_308] {strides = array<i32>} : memref<8192xf32, #tpu.memory_space<vmem>>, vector<16xf32>,
      %parallel_loop3A_310 = vector.shape_cast %parallel_loop3A_309 : vector<16xf32> to vector<16xf32>
      %parallel_loop3A_311 = arith.constant 5.000000e-01 : f32
      %parallel_loop3A_312 = vector.broadcast %parallel_loop3A_311 : f32 to vector<16xf32>
      %parallel_loop3A_313 = arith.cmpf oge, %parallel_loop3A_310, %parallel_loop3A_312 : vector<16xf32>
      %parallel_loop3A_314 = arith.constant 2.000000e+00 : f32
      %parallel_loop3A_315 = vector.broadcast %parallel_loop3A_314 : f32 to vector<16xf32>
      %parallel_loop3A_316 = arith.mulf %parallel_loop3A_307, %parallel_loop3A_315 : vector<16xf32>
      %parallel_loop3A_317 = arith.constant 0.000000e+00 : f32
      %parallel_loop3A_318 = vector.broadcast %parallel_loop3A_317 : f32 to vector<16xf32>
      %parallel_loop3A_319 = arith.select %parallel_loop3A_313, %parallel_loop3A_316, %parallel_loop3A_318 : vector<16xi1>, vector<16xf32>
      %parallel_loop3A_320 = arith.index_cast %parallel_loop3A_304 : i32 to index
      %parallel_loop3A_321 = tpu.vector_load %arg13[%parallel_loop3A_320] {strides = array<i32>} : memref<8192xf32, #tpu.memory_space<vmem>>, vector<16xf32>,
      %parallel_loop3A_322 = vector.shape_cast %parallel_loop3A_321 : vector<16xf32> to vector<16xf32>
      %parallel_loop3A_323 = vector.shape_cast %parallel_loop3A_319 : vector<16xf32> to vector<16xf32>
      tpu.vector_store %arg13[%parallel_loop3A_320], %parallel_loop3A_323 {strides = array<i32>} : memref<8192xf32, #tpu.memory_space<vmem>>, vector<16xf32>,
    } {sc.loop_unroll_factor = 8 : i64, sc.parallel_access}
    %add3A_253 = arith.constant 98304 : i32
    %add3A_254 = arith.addi %mul3A_2, %add3A_253 : i32
    %dma_start3A_255 = tpu.memref_slice %arg4[%add3A_254] : memref<4194304xf32, #tpu.memory_space<hbm>> -> memref<8192xf32, #tpu.memory_space<hbm>>
    %dma_start3A_256 = tpu.memref_slice %arg4[%add3A_254] : memref<4194304xf32, #tpu.memory_space<hbm>> -> memref<8192xf32, #tpu.memory_space<hbm>>
    tpu.enqueue_dma source(%arg13 : memref<8192xf32, #tpu.memory_space<vmem>>) target(%dma_start3A_256 : memref<8192xf32, #tpu.memory_space<hbm>>) target_semaphore(%arg21 : memref<!tpu.dma_semaphore, #tpu.memory_space<semaphore_mem>>)
    %dma_wait3A_257 = tpu.memref_slice %arg2[%add3A_201] : memref<4194304xf32, #tpu.memory_space<hbm>> -> memref<8192xf32, #tpu.memory_space<hbm>>
    %dma_wait3A_258 = tpu.memref_slice %arg2[%add3A_201] : memref<4194304xf32, #tpu.memory_space<hbm>> -> memref<8192xf32, #tpu.memory_space<hbm>>
    tpu.wait_dma2 semaphore(%arg18 : memref<!tpu.dma_semaphore, #tpu.memory_space<semaphore_mem>>) src(%dma_wait3A_258 : memref<8192xf32, #tpu.memory_space<hbm>>) dst(%arg6 : memref<8192xf32, #tpu.memory_space<vmem>>)
    %dma_wait3A_259 = tpu.memref_slice %arg3[%add3A_201] : memref<4194304xf32, #tpu.memory_space<hbm>> -> memref<8192xf32, #tpu.memory_space<hbm>>
    %dma_wait3A_260 = tpu.memref_slice %arg3[%add3A_201] : memref<4194304xf32, #tpu.memory_space<hbm>> -> memref<8192xf32, #tpu.memory_space<hbm>>
    tpu.wait_dma2 semaphore(%arg18 : memref<!tpu.dma_semaphore, #tpu.memory_space<semaphore_mem>>) src(%dma_wait3A_260 : memref<8192xf32, #tpu.memory_space<hbm>>) dst(%arg10 : memref<8192xf32, #tpu.memory_space<vmem>>)
    %dma_wait3A_261 = tpu.memref_slice %arg4[%add3A_197] : memref<4194304xf32, #tpu.memory_space<hbm>> -> memref<8192xf32, #tpu.memory_space<hbm>>
    %dma_wait3A_262 = tpu.memref_slice %arg4[%add3A_197] : memref<4194304xf32, #tpu.memory_space<hbm>> -> memref<8192xf32, #tpu.memory_space<hbm>>
    tpu.wait_dma2 semaphore(%arg22 : memref<!tpu.dma_semaphore, #tpu.memory_space<semaphore_mem>>) src(%arg14 : memref<8192xf32, #tpu.memory_space<vmem>>) dst(%dma_wait3A_262 : memref<8192xf32, #tpu.memory_space<hbm>>)
    %parallel_loop3A_263 = arith.constant 0 : i32
    %parallel_loop3A_264 = arith.constant 8192 : i32
    %parallel_loop3A_265 = arith.constant 16 : i32
    scf.for %parallel_loop3A_304 = %parallel_loop3A_263 to %parallel_loop3A_264 step %parallel_loop3A_265  : i32 {
      %parallel_loop3A_305 = arith.index_cast %parallel_loop3A_304 : i32 to index
      %parallel_loop3A_306 = tpu.vector_load %arg6[%parallel_loop3A_305] {strides = array<i32>} : memref<8192xf32, #tpu.memory_space<vmem>>, vector<16xf32>,
      %parallel_loop3A_307 = vector.shape_cast %parallel_loop3A_306 : vector<16xf32> to vector<16xf32>
      %parallel_loop3A_308 = arith.index_cast %parallel_loop3A_304 : i32 to index
      %parallel_loop3A_309 = tpu.vector_load %arg10[%parallel_loop3A_308] {strides = array<i32>} : memref<8192xf32, #tpu.memory_space<vmem>>, vector<16xf32>,
      %parallel_loop3A_310 = vector.shape_cast %parallel_loop3A_309 : vector<16xf32> to vector<16xf32>
      %parallel_loop3A_311 = arith.constant 5.000000e-01 : f32
      %parallel_loop3A_312 = vector.broadcast %parallel_loop3A_311 : f32 to vector<16xf32>
      %parallel_loop3A_313 = arith.cmpf oge, %parallel_loop3A_310, %parallel_loop3A_312 : vector<16xf32>
      %parallel_loop3A_314 = arith.constant 2.000000e+00 : f32
      %parallel_loop3A_315 = vector.broadcast %parallel_loop3A_314 : f32 to vector<16xf32>
      %parallel_loop3A_316 = arith.mulf %parallel_loop3A_307, %parallel_loop3A_315 : vector<16xf32>
      %parallel_loop3A_317 = arith.constant 0.000000e+00 : f32
      %parallel_loop3A_318 = vector.broadcast %parallel_loop3A_317 : f32 to vector<16xf32>
      %parallel_loop3A_319 = arith.select %parallel_loop3A_313, %parallel_loop3A_316, %parallel_loop3A_318 : vector<16xi1>, vector<16xf32>
      %parallel_loop3A_320 = arith.index_cast %parallel_loop3A_304 : i32 to index
      %parallel_loop3A_321 = tpu.vector_load %arg14[%parallel_loop3A_320] {strides = array<i32>} : memref<8192xf32, #tpu.memory_space<vmem>>, vector<16xf32>,
      %parallel_loop3A_322 = vector.shape_cast %parallel_loop3A_321 : vector<16xf32> to vector<16xf32>
      %parallel_loop3A_323 = vector.shape_cast %parallel_loop3A_319 : vector<16xf32> to vector<16xf32>
      tpu.vector_store %arg14[%parallel_loop3A_320], %parallel_loop3A_323 {strides = array<i32>} : memref<8192xf32, #tpu.memory_space<vmem>>, vector<16xf32>,
    } {sc.loop_unroll_factor = 8 : i64, sc.parallel_access}
    %add3A_266 = arith.constant 106496 : i32
    %add3A_267 = arith.addi %mul3A_2, %add3A_266 : i32
    %dma_start3A_268 = tpu.memref_slice %arg4[%add3A_267] : memref<4194304xf32, #tpu.memory_space<hbm>> -> memref<8192xf32, #tpu.memory_space<hbm>>
    %dma_start3A_269 = tpu.memref_slice %arg4[%add3A_267] : memref<4194304xf32, #tpu.memory_space<hbm>> -> memref<8192xf32, #tpu.memory_space<hbm>>
    tpu.enqueue_dma source(%arg14 : memref<8192xf32, #tpu.memory_space<vmem>>) target(%dma_start3A_269 : memref<8192xf32, #tpu.memory_space<hbm>>) target_semaphore(%arg22 : memref<!tpu.dma_semaphore, #tpu.memory_space<semaphore_mem>>)
    %dma_wait3A_270 = tpu.memref_slice %arg2[%add3A_220] : memref<4194304xf32, #tpu.memory_space<hbm>> -> memref<8192xf32, #tpu.memory_space<hbm>>
    %dma_wait3A_271 = tpu.memref_slice %arg2[%add3A_220] : memref<4194304xf32, #tpu.memory_space<hbm>> -> memref<8192xf32, #tpu.memory_space<hbm>>
    tpu.wait_dma2 semaphore(%arg19 : memref<!tpu.dma_semaphore, #tpu.memory_space<semaphore_mem>>) src(%dma_wait3A_271 : memref<8192xf32, #tpu.memory_space<hbm>>) dst(%arg7 : memref<8192xf32, #tpu.memory_space<vmem>>)
    %dma_wait3A_272 = tpu.memref_slice %arg3[%add3A_220] : memref<4194304xf32, #tpu.memory_space<hbm>> -> memref<8192xf32, #tpu.memory_space<hbm>>
    %dma_wait3A_273 = tpu.memref_slice %arg3[%add3A_220] : memref<4194304xf32, #tpu.memory_space<hbm>> -> memref<8192xf32, #tpu.memory_space<hbm>>
    tpu.wait_dma2 semaphore(%arg19 : memref<!tpu.dma_semaphore, #tpu.memory_space<semaphore_mem>>) src(%dma_wait3A_273 : memref<8192xf32, #tpu.memory_space<hbm>>) dst(%arg11 : memref<8192xf32, #tpu.memory_space<vmem>>)
    %dma_wait3A_274 = tpu.memref_slice %arg4[%add3A_216] : memref<4194304xf32, #tpu.memory_space<hbm>> -> memref<8192xf32, #tpu.memory_space<hbm>>
    %dma_wait3A_275 = tpu.memref_slice %arg4[%add3A_216] : memref<4194304xf32, #tpu.memory_space<hbm>> -> memref<8192xf32, #tpu.memory_space<hbm>>
    tpu.wait_dma2 semaphore(%arg23 : memref<!tpu.dma_semaphore, #tpu.memory_space<semaphore_mem>>) src(%arg15 : memref<8192xf32, #tpu.memory_space<vmem>>) dst(%dma_wait3A_275 : memref<8192xf32, #tpu.memory_space<hbm>>)
    %parallel_loop3A_276 = arith.constant 0 : i32
    %parallel_loop3A_277 = arith.constant 8192 : i32
    %parallel_loop3A_278 = arith.constant 16 : i32
    scf.for %parallel_loop3A_304 = %parallel_loop3A_276 to %parallel_loop3A_277 step %parallel_loop3A_278  : i32 {
      %parallel_loop3A_305 = arith.index_cast %parallel_loop3A_304 : i32 to index
      %parallel_loop3A_306 = tpu.vector_load %arg7[%parallel_loop3A_305] {strides = array<i32>} : memref<8192xf32, #tpu.memory_space<vmem>>, vector<16xf32>,
      %parallel_loop3A_307 = vector.shape_cast %parallel_loop3A_306 : vector<16xf32> to vector<16xf32>
      %parallel_loop3A_308 = arith.index_cast %parallel_loop3A_304 : i32 to index
      %parallel_loop3A_309 = tpu.vector_load %arg11[%parallel_loop3A_308] {strides = array<i32>} : memref<8192xf32, #tpu.memory_space<vmem>>, vector<16xf32>,
      %parallel_loop3A_310 = vector.shape_cast %parallel_loop3A_309 : vector<16xf32> to vector<16xf32>
      %parallel_loop3A_311 = arith.constant 5.000000e-01 : f32
      %parallel_loop3A_312 = vector.broadcast %parallel_loop3A_311 : f32 to vector<16xf32>
      %parallel_loop3A_313 = arith.cmpf oge, %parallel_loop3A_310, %parallel_loop3A_312 : vector<16xf32>
      %parallel_loop3A_314 = arith.constant 2.000000e+00 : f32
      %parallel_loop3A_315 = vector.broadcast %parallel_loop3A_314 : f32 to vector<16xf32>
      %parallel_loop3A_316 = arith.mulf %parallel_loop3A_307, %parallel_loop3A_315 : vector<16xf32>
      %parallel_loop3A_317 = arith.constant 0.000000e+00 : f32
      %parallel_loop3A_318 = vector.broadcast %parallel_loop3A_317 : f32 to vector<16xf32>
      %parallel_loop3A_319 = arith.select %parallel_loop3A_313, %parallel_loop3A_316, %parallel_loop3A_318 : vector<16xi1>, vector<16xf32>
      %parallel_loop3A_320 = arith.index_cast %parallel_loop3A_304 : i32 to index
      %parallel_loop3A_321 = tpu.vector_load %arg15[%parallel_loop3A_320] {strides = array<i32>} : memref<8192xf32, #tpu.memory_space<vmem>>, vector<16xf32>,
      %parallel_loop3A_322 = vector.shape_cast %parallel_loop3A_321 : vector<16xf32> to vector<16xf32>
      %parallel_loop3A_323 = vector.shape_cast %parallel_loop3A_319 : vector<16xf32> to vector<16xf32>
      tpu.vector_store %arg15[%parallel_loop3A_320], %parallel_loop3A_323 {strides = array<i32>} : memref<8192xf32, #tpu.memory_space<vmem>>, vector<16xf32>,
    } {sc.loop_unroll_factor = 8 : i64, sc.parallel_access}
    %add3A_279 = arith.constant 114688 : i32
    %add3A_280 = arith.addi %mul3A_2, %add3A_279 : i32
    %dma_start3A_281 = tpu.memref_slice %arg4[%add3A_280] : memref<4194304xf32, #tpu.memory_space<hbm>> -> memref<8192xf32, #tpu.memory_space<hbm>>
    %dma_start3A_282 = tpu.memref_slice %arg4[%add3A_280] : memref<4194304xf32, #tpu.memory_space<hbm>> -> memref<8192xf32, #tpu.memory_space<hbm>>
    tpu.enqueue_dma source(%arg15 : memref<8192xf32, #tpu.memory_space<vmem>>) target(%dma_start3A_282 : memref<8192xf32, #tpu.memory_space<hbm>>) target_semaphore(%arg23 : memref<!tpu.dma_semaphore, #tpu.memory_space<semaphore_mem>>)
    %dma_wait3A_283 = tpu.memref_slice %arg2[%add3A_239] : memref<4194304xf32, #tpu.memory_space<hbm>> -> memref<8192xf32, #tpu.memory_space<hbm>>
    %dma_wait3A_284 = tpu.memref_slice %arg2[%add3A_239] : memref<4194304xf32, #tpu.memory_space<hbm>> -> memref<8192xf32, #tpu.memory_space<hbm>>
    tpu.wait_dma2 semaphore(%arg20 : memref<!tpu.dma_semaphore, #tpu.memory_space<semaphore_mem>>) src(%dma_wait3A_284 : memref<8192xf32, #tpu.memory_space<hbm>>) dst(%arg8 : memref<8192xf32, #tpu.memory_space<vmem>>)
    %dma_wait3A_285 = tpu.memref_slice %arg3[%add3A_239] : memref<4194304xf32, #tpu.memory_space<hbm>> -> memref<8192xf32, #tpu.memory_space<hbm>>
    %dma_wait3A_286 = tpu.memref_slice %arg3[%add3A_239] : memref<4194304xf32, #tpu.memory_space<hbm>> -> memref<8192xf32, #tpu.memory_space<hbm>>
    tpu.wait_dma2 semaphore(%arg20 : memref<!tpu.dma_semaphore, #tpu.memory_space<semaphore_mem>>) src(%dma_wait3A_286 : memref<8192xf32, #tpu.memory_space<hbm>>) dst(%arg12 : memref<8192xf32, #tpu.memory_space<vmem>>)
    %dma_wait3A_287 = tpu.memref_slice %arg4[%add3A_235] : memref<4194304xf32, #tpu.memory_space<hbm>> -> memref<8192xf32, #tpu.memory_space<hbm>>
    %dma_wait3A_288 = tpu.memref_slice %arg4[%add3A_235] : memref<4194304xf32, #tpu.memory_space<hbm>> -> memref<8192xf32, #tpu.memory_space<hbm>>
    tpu.wait_dma2 semaphore(%arg24 : memref<!tpu.dma_semaphore, #tpu.memory_space<semaphore_mem>>) src(%arg16 : memref<8192xf32, #tpu.memory_space<vmem>>) dst(%dma_wait3A_288 : memref<8192xf32, #tpu.memory_space<hbm>>)
    %parallel_loop3A_289 = arith.constant 0 : i32
    %parallel_loop3A_290 = arith.constant 8192 : i32
    %parallel_loop3A_291 = arith.constant 16 : i32
    scf.for %parallel_loop3A_304 = %parallel_loop3A_289 to %parallel_loop3A_290 step %parallel_loop3A_291  : i32 {
      %parallel_loop3A_305 = arith.index_cast %parallel_loop3A_304 : i32 to index
      %parallel_loop3A_306 = tpu.vector_load %arg8[%parallel_loop3A_305] {strides = array<i32>} : memref<8192xf32, #tpu.memory_space<vmem>>, vector<16xf32>,
      %parallel_loop3A_307 = vector.shape_cast %parallel_loop3A_306 : vector<16xf32> to vector<16xf32>
      %parallel_loop3A_308 = arith.index_cast %parallel_loop3A_304 : i32 to index
      %parallel_loop3A_309 = tpu.vector_load %arg12[%parallel_loop3A_308] {strides = array<i32>} : memref<8192xf32, #tpu.memory_space<vmem>>, vector<16xf32>,
      %parallel_loop3A_310 = vector.shape_cast %parallel_loop3A_309 : vector<16xf32> to vector<16xf32>
      %parallel_loop3A_311 = arith.constant 5.000000e-01 : f32
      %parallel_loop3A_312 = vector.broadcast %parallel_loop3A_311 : f32 to vector<16xf32>
      %parallel_loop3A_313 = arith.cmpf oge, %parallel_loop3A_310, %parallel_loop3A_312 : vector<16xf32>
      %parallel_loop3A_314 = arith.constant 2.000000e+00 : f32
      %parallel_loop3A_315 = vector.broadcast %parallel_loop3A_314 : f32 to vector<16xf32>
      %parallel_loop3A_316 = arith.mulf %parallel_loop3A_307, %parallel_loop3A_315 : vector<16xf32>
      %parallel_loop3A_317 = arith.constant 0.000000e+00 : f32
      %parallel_loop3A_318 = vector.broadcast %parallel_loop3A_317 : f32 to vector<16xf32>
      %parallel_loop3A_319 = arith.select %parallel_loop3A_313, %parallel_loop3A_316, %parallel_loop3A_318 : vector<16xi1>, vector<16xf32>
      %parallel_loop3A_320 = arith.index_cast %parallel_loop3A_304 : i32 to index
      %parallel_loop3A_321 = tpu.vector_load %arg16[%parallel_loop3A_320] {strides = array<i32>} : memref<8192xf32, #tpu.memory_space<vmem>>, vector<16xf32>,
      %parallel_loop3A_322 = vector.shape_cast %parallel_loop3A_321 : vector<16xf32> to vector<16xf32>
      %parallel_loop3A_323 = vector.shape_cast %parallel_loop3A_319 : vector<16xf32> to vector<16xf32>
      tpu.vector_store %arg16[%parallel_loop3A_320], %parallel_loop3A_323 {strides = array<i32>} : memref<8192xf32, #tpu.memory_space<vmem>>, vector<16xf32>,
    } {sc.loop_unroll_factor = 8 : i64, sc.parallel_access}
    %add3A_292 = arith.constant 122880 : i32
    %add3A_293 = arith.addi %mul3A_2, %add3A_292 : i32
    %dma_start3A_294 = tpu.memref_slice %arg4[%add3A_293] : memref<4194304xf32, #tpu.memory_space<hbm>> -> memref<8192xf32, #tpu.memory_space<hbm>>
    %dma_start3A_295 = tpu.memref_slice %arg4[%add3A_293] : memref<4194304xf32, #tpu.memory_space<hbm>> -> memref<8192xf32, #tpu.memory_space<hbm>>
    tpu.enqueue_dma source(%arg16 : memref<8192xf32, #tpu.memory_space<vmem>>) target(%dma_start3A_295 : memref<8192xf32, #tpu.memory_space<hbm>>) target_semaphore(%arg24 : memref<!tpu.dma_semaphore, #tpu.memory_space<semaphore_mem>>)
    %dma_wait3A_296 = tpu.memref_slice %arg4[%add3A_254] : memref<4194304xf32, #tpu.memory_space<hbm>> -> memref<8192xf32, #tpu.memory_space<hbm>>
    %dma_wait3A_297 = tpu.memref_slice %arg4[%add3A_254] : memref<4194304xf32, #tpu.memory_space<hbm>> -> memref<8192xf32, #tpu.memory_space<hbm>>
    tpu.wait_dma2 semaphore(%arg21 : memref<!tpu.dma_semaphore, #tpu.memory_space<semaphore_mem>>) src(%arg13 : memref<8192xf32, #tpu.memory_space<vmem>>) dst(%dma_wait3A_297 : memref<8192xf32, #tpu.memory_space<hbm>>)
    %dma_wait3A_298 = tpu.memref_slice %arg4[%add3A_267] : memref<4194304xf32, #tpu.memory_space<hbm>> -> memref<8192xf32, #tpu.memory_space<hbm>>
    %dma_wait3A_299 = tpu.memref_slice %arg4[%add3A_267] : memref<4194304xf32, #tpu.memory_space<hbm>> -> memref<8192xf32, #tpu.memory_space<hbm>>
    tpu.wait_dma2 semaphore(%arg22 : memref<!tpu.dma_semaphore, #tpu.memory_space<semaphore_mem>>) src(%arg14 : memref<8192xf32, #tpu.memory_space<vmem>>) dst(%dma_wait3A_299 : memref<8192xf32, #tpu.memory_space<hbm>>)
    %dma_wait3A_300 = tpu.memref_slice %arg4[%add3A_280] : memref<4194304xf32, #tpu.memory_space<hbm>> -> memref<8192xf32, #tpu.memory_space<hbm>>
    %dma_wait3A_301 = tpu.memref_slice %arg4[%add3A_280] : memref<4194304xf32, #tpu.memory_space<hbm>> -> memref<8192xf32, #tpu.memory_space<hbm>>
    tpu.wait_dma2 semaphore(%arg23 : memref<!tpu.dma_semaphore, #tpu.memory_space<semaphore_mem>>) src(%arg15 : memref<8192xf32, #tpu.memory_space<vmem>>) dst(%dma_wait3A_301 : memref<8192xf32, #tpu.memory_space<hbm>>)
    %dma_wait3A_302 = tpu.memref_slice %arg4[%add3A_293] : memref<4194304xf32, #tpu.memory_space<hbm>> -> memref<8192xf32, #tpu.memory_space<hbm>>
    %dma_wait3A_303 = tpu.memref_slice %arg4[%add3A_293] : memref<4194304xf32, #tpu.memory_space<hbm>> -> memref<8192xf32, #tpu.memory_space<hbm>>
    tpu.wait_dma2 semaphore(%arg24 : memref<!tpu.dma_semaphore, #tpu.memory_space<semaphore_mem>>) src(%arg16 : memref<8192xf32, #tpu.memory_space<vmem>>) dst(%dma_wait3A_303 : memref<8192xf32, #tpu.memory_space<hbm>>)
    return
  }
}

</mosaic_0001>

<sc_bundles>
// kernel: kernel.3.cloned.1.call-start
scs
__scs_entry_jumppad:
0x0: {  	(pc) =	sbr.rel $0x88, $3  }
0x1: {  	(tag) =	ssettag $0x0;
	lr =	simm.s32 $0x1  }
0x2: {  	[smem:$0x3F9F] =	sst lr;
	_ =	strace $0xD0000000  }
0x3: {  	_ = 	snop  }
0x4: {  	_ = 	snop  }
0x5: {  	_ = 	snop  }
0x6: {  	_ = 	snop  }
0x7: {  	_ = 	snop  }
__scs_overlays_trampoline_lowered:
0x8: {  	[smem:$0x3FAE] =	sst s0  }
0x9: {  	[smem:$0x3FAF] =	sst s1  }
0xa: {  	[smem:$0x3FB0] =	sst s2  }
0xb: {  	[smem:$0x3FB1] =	sst s3  }
0xc: {  	[smem:$0x3FB2] =	sst s4  }
0xd: {  	[smem:$0x3FB3] =	sst s5  }
0xe: {  	[smem:$0x3FB4] =	sst s6  }
0xf: {  	[smem:$0x3FB5] =	sst s7  }
0x10: {  	[smem:$0x3FB6] =	sst s8  }
0x11: {  	[smem:$0x3FB7] =	sst s9;
	s0 =	simm.s32 @!p0 $0x0  }
0x12: {  	s1 =	sld [smem:$0x3F9D];
	s0 =	simm.s32 @p0 $0x1  }
0x13: {  	[smem:$0x3FB8] =	sst s0;
	s0 =	simm.s32 @!p1 $0x0  }
0x14: {  	s2 =	sld [smem:$0x3F9C];
	s0 =	simm.s32 @p1 $0x1  }
0x15: {  	[smem:$0x3FB9] =	sst s0;
	s0 =	simm.s32 @!p2 $0x0  }
0x16: {  	s3 =	sld [smem:$0x3FDB];
	s0 =	simm.s32 @p2 $0x1  }
0x17: {  	s4 =	simm.s32 $0x1BF5;
	[smem:$0x3FBB] =	sst s0  }
0x18: {  	s0 =	sld [smem:$0x3F9E];
	_ =	swait.ge [sflag:s4], $0x0  }
0x19: {  	s7 =	sld [smem:$0x3F9F]  }
0x1a: {  	s8 =	sadd.s32 $0xFFFFE003, lr  }
0x1b: {  	s9 =	sadd.s32 $0xFFFFFEF7, lr;
	s5 =	simm.s32 $0xFFFFFFFF;
	p2 =	slt.u32 s8, $0xFFFFF086  }
0x1c: {  	p1 =	slt.u32 s9, $0xF7A;
	s5 =	simm.s32 @!p2 $0x0  }
0x1d: {  	s5 =	simm.s32 @p1 $0x1;
	p0 =	seq.s32 s7, s2  }
0x1e: {  	s7 =	smul.u32 @!p0 $0xF7A, s2;
	p2 =	seq.s32 @!p0 s5, $0x0  }
0x1f: {  	s9 =	smul.u32 $0xF7A, s1;
	s8 =	simm.s32 @!p0 $0x1BF5;
	p2 =	por !p2, p0  }
0x20: {  	[sflag:s8] =	ssyncset.s32 @!p0 $0xFFFFF086;
	s6 =	sadd.s32 @!p0 s3, s7;
	s7 =	simm.s32 @!p0 $0x108  }
0x21: {  	s3 =	sadd.s32 s3, s9;
	s6 =	sadd.s32 @!p0 $0x88, s6;
	s7 =	simm.s32 @p2 $0x1082  }
0x22: {  	[simem:s7], [sflag:s8] =	dma.local @!p0 [hbm:s6], $0xF7A  }
0x23: {  	s9 =	sor.u32 $0xD0000000, s2;
	s6 =	simm.s32 $0x108;
	_ =	swait.ge @!p0 [sflag:s8], $0x0  }
0x24: {  	s3 =	sadd.s32 $0x88, s3;
	s6 =	simm.s32 @!p1 $0x1082;
	[sflag:s4] =	ssyncset.s32 $0xFFFFF086  }
0x25: {  	[simem:s6], [sflag:s4] =	dma.local [hbm:s3], $0xF7A  }
0x26: {  	[smem:$0x3F9F] =	sst s1;
	(tag) =	ssettag s2;
	_ =	strace s9  }
0x27: {  	s1 =	sld [smem:$0x3FAF]  }
0x28: {  	s2 =	sld [smem:$0x3FB0]  }
0x29: {  	s4 =	sld [smem:$0x3FB2]  }
0x2a: {  	p0 =	seq.s32 s5, $0x0;
	s5 =	sld [smem:$0x3FB3]  }
0x2b: {  	s6 =	sld [smem:$0x3FB4]  }
0x2c: {  	s7 =	sld [smem:$0x3FB5]  }
0x2d: {  	s3 =	simm.s32 $0x108;
	s8 =	sld [smem:$0x3FB6]  }
0x2e: {  	s3 =	simm.s32 @!p0 $0x1082;
	s9 =	sld [smem:$0x3FB7]  }
0x2f: {  	lr =	sadd.s32 s0, s3;
	s0 =	sld [smem:$0x3FAE]  }
0x30: {  	s3 =	sld [smem:$0x3FB1]  }
0x31: {  	[smem:$0x3FBA] =	sst s10  }
0x32: {  	s10 =	sld [smem:$0x3FB8];
	_ =	sdelay $0x3  }
0x33: {  	p0 =	seq.s32 s10, $0x1;
	s10 =	sld [smem:$0x3FBA];
	_ =	sdelay $0x3  }
0x34: {  	[smem:$0x3FBA] =	sst s10  }
0x35: {  	s10 =	sld [smem:$0x3FB9];
	_ =	sdelay $0x3  }
0x36: {  	p1 =	seq.s32 s10, $0x1;
	s10 =	sld [smem:$0x3FBA];
	_ =	sdelay $0x3  }
0x37: {  	[smem:$0x3FBA] =	sst s10  }
0x38: {  	s10 =	sld [smem:$0x3FBB]  }
0x39: {  	_ = 	snop;
	(pc) =	sbr.ind lr, $3  }
0x3a: {  	_ = 	snop  }
0x3b: {  	_ = 	snop  }
0x3c: {  	p2 =	seq.s32 s10, $0x1;
	s10 =	sld [smem:$0x3FBA]  }
0x3d: {  	_ =	shalt  }
0x3e: {  	_ =	shalt  }
0x3f: {  	_ =	shalt  }
0x40: {  	_ =	shalt  }
0x41: {  	_ =	shalt  }
0x42: {  	_ =	shalt  }
0x43: {  	_ =	shalt  }
0x44: {  	_ =	shalt  }
0x45: {  	_ =	shalt  }
0x46: {  	_ =	shalt  }
0x47: {  	_ =	shalt  }
0x48: {  	_ =	shalt  }
0x49: {  	_ =	shalt  }
0x4a: {  	_ =	shalt  }
0x4b: {  	_ =	shalt  }
0x4c: {  	_ =	shalt  }
0x4d: {  	_ =	shalt  }
0x4e: {  	_ =	shalt  }
0x4f: {  	_ =	shalt  }
0x50: {  	_ =	shalt  }
0x51: {  	_ =	shalt  }
0x52: {  	_ =	shalt  }
0x53: {  	_ =	shalt  }
0x54: {  	_ =	shalt  }
0x55: {  	_ =	shalt  }
0x56: {  	_ =	shalt  }
0x57: {  	_ =	shalt  }
0x58: {  	_ =	shalt  }
0x59: {  	_ =	shalt  }
0x5a: {  	_ =	shalt  }
0x5b: {  	_ =	shalt  }
0x5c: {  	_ =	shalt  }
0x5d: {  	_ =	shalt  }
0x5e: {  	_ =	shalt  }
0x5f: {  	_ =	shalt  }
0x60: {  	_ =	shalt  }
0x61: {  	_ =	shalt  }
0x62: {  	_ =	shalt  }
0x63: {  	_ =	shalt  }
0x64: {  	_ =	shalt  }
0x65: {  	_ =	shalt  }
0x66: {  	_ =	shalt  }
0x67: {  	_ =	shalt  }
0x68: {  	_ =	shalt  }
0x69: {  	_ =	shalt  }
0x6a: {  	_ =	shalt  }
0x6b: {  	_ =	shalt  }
0x6c: {  	_ =	shalt  }
0x6d: {  	_ =	shalt  }
0x6e: {  	_ =	shalt  }
0x6f: {  	_ =	shalt  }
0x70: {  	_ =	shalt  }
0x71: {  	_ =	shalt  }
0x72: {  	_ =	shalt  }
0x73: {  	_ =	shalt  }
0x74: {  	_ =	shalt  }
0x75: {  	_ =	shalt  }
0x76: {  	_ =	shalt  }
0x77: {  	_ =	shalt  }
0x78: {  	_ =	shalt  }
0x79: {  	_ =	shalt  }
0x7a: {  	_ =	shalt  }
0x7b: {  	_ =	shalt  }
0x7c: {  	_ =	shalt  }
0x7d: {  	_ =	shalt  }
0x7e: {  	_ =	shalt  }
0x7f: {  	_ =	shalt  }
0x80: {  	_ =	shalt  }
0x81: {  	_ =	shalt  }
0x82: {  	_ =	shalt  }
0x83: {  	_ =	shalt  }
0x84: {  	_ =	shalt  }
0x85: {  	_ =	shalt  }
0x86: {  	_ =	shalt  }
0x87: {  	_ =	shalt  }
.Lfunc_end0:
.L_simem_size_0:
called_computation_lowered:
.L_overlay_start_0:
0x88: {  	s2 =	sld [smem:$0x3FD9]  }
0x89: {  	s3 =	sld [smem:$0x3FFE];
	_ =	sdelay $0x1  }
0x8a: {  	s1 =	srdreg.scid  }
0x8b: {  	s0 =	sand.u32 $0x1, s1  }
0x8c: {  	s18 =	sshll.u32 s0, $0xA;
	s2 =	sadd.s32 s3, s2  }
0x8d: {  	s2 =	sadd.s32 s2, s18  }
0x8e: {  	[smem:$0x3FC6] =	sst s2  }
0x8f: {  	_ = 	snop  }
0x90: {  	s2 =	sld [smem:$0x3FC9]  }
0x91: {  	s19 =	sld [smem:$0x3FC8]  }
0x92: {  	s4 =	sld [smem:$0x3FD0];
	(tm) =	ssettm $0x1  }
0x93: {  	s5 =	sld [smem:$0x3FFB];
	_ =	sdelay $0x3  }
0x94: {  	_ =	strace s5  }
0x95: {  	s5 =	sld [smem:$0x3FFC];
	_ =	sdelay $0x3  }
0x96: {  	_ =	strace s5  }
0x97: {  	s5 =	sld [smem:$0x3FFD];
	_ =	sdelay $0x3  }
0x98: {  	_ =	strace s5  }
0x99: {  	_ =	strace $0x8FFFFFFF  }
0x9a: {  	s20 =	sld [smem:$0x3FDB];
	_ =	sdelay $0x1  }
0x9b: {  	s6 =	simm.s32 $_scs_section_size  }
0x9c: {  	s7 =	simm.s32 $_size__tile_overlayer_lowered;
	s8 =	simm.s32 $_tile_overlayer_lowered  }
0x9d: {  	s23 =	simm.s32 $0x1BFF;
	s22 =	sshll.u32 s8, $0x1;
	s5 =	sadd.s32 s6, s20  }
0x9e: {  	s9 =	simm.s32 $0x0;
	s21 =	sshll.u32 s7, $0x1;
	s7 =	sadd.s32 s22, s5  }
0x9f: {  	[timem:s9], [sflag:s23] =	dma.local [hbm:s7], s21  }
0xa0: {  	_ =	swait.ge [sflag:s23], s21  }
0xa1: {  	s6 =	ssub.s32 $0x0, s21;
	[sflag:s23] =	ssyncset.done $0x0  }
0xa2: {  	[sflag:s23] =	ssyncadd.s32 s6;
	_ =	sdelay $0x1  }
0xa3: {  	s24 =	simm.s32 $0x1B8B  }
0xa4: {  	_ =	swait.ge [sflag:s24], $0x1  }
0xa5: {  	[sflag:s24] =	ssyncset.done $0x0  }
0xa6: {  	s25 =	simm.s32 $0x1B8E;
	[sflag:s24] =	ssyncadd.s32 $0xFFFFFFFF  }
0xa7: {  	s26 =	simm.s32 $execute0_lowered;
	[smem:$0x3FD2] =	sst s25  }
0xa8: {  	s6 =	sshll.u32 s26, $0x1;
	_ =	strace $0x80000046;
	[dreg:$0x1] =	wrdreg $0xFFFFFFFF  }
0xa9: {  	s28 =	simm.s32 $_size_execute0_lowered;
	s5 =	sadd.s32 s5, s6;
	[dreg:$0x0] =	wrdreg $0x0  }
0xaa: {  	s6 =	sshll.u32 s28, $0x1;
	[dreg:$0x2] =	wrdreg s5  }
0xab: {  	[dreg:$0x3] =	wrdreg s6  }
0xac: {  	[dreg:$0x4] =	wrdreg $0xC0  }
0xad: {  	_ =	task [dreg:s9], $0x5FFFF  }
0xae: {  	[dreg:$0x1] =	wrdreg $0xFFFFFFFF  }
0xaf: {  	[dreg:$0x0] =	wrdreg $0x60  }
0xb0: {  	[dreg:$0x2] =	wrdreg s2  }
0xb1: {  	[dreg:$0x3] =	wrdreg s19  }
0xb2: {  	[dreg:$0x4] =	wrdreg s4  }
0xb3: {  	[dreg:$0x5] =	wrdreg $0x9  }
0xb4: {  	_ =	task.clear_ibuf [dreg:s9], $0x6FFFF;
	_ =	strace $0x90000046  }
0xb5: {  	s29 =	simm.s32 $0x9;
	_ =	strace $0x80000048  }
0xb6: {  	_ =	swait.ge [sflag:s29], $0x1  }
0xb7: {  	[sflag:s29] =	ssyncadd.s32 $0xFFFFFFFF  }
0xb8: {  	_ =	strace $0x90000048  }
0xb9: {  	_ =	sfence  }
0xba: {  	s30 =	sld [smem:$0x0];
	_ =	sdelay $0x2  }
0xbb: {  	s31 =	sshll.u32 s1, $0xD;
	s1 =	sshrl.u32 s1, $0x2  }
0xbc: {  	s3 =	sand.u32 $0x4000, s31;
	s1 =	sadd.s32 s1, s30  }
0xbd: {  	s0 =	sor.u32 s3, s0;
	s1 =	sshll.u32 s1, $0x11  }
0xbe: {  	s0 =	sor.u32 s1, s0  }
0xbf: {  	s0 =	sadd.s32 $0x8F2B, s0  }
0xc0: {  	[sflag:s0] =	ssyncadd.remote.s32 $0x1  }
0xc1: {  	_ =	sfence.sel $0xFFFF  }
0xc2: {  	[dreg:$0x0] =	wrdreg $0xFFFFFFFF;
	(pc) =	sbr.abs _section_cstart, $3  }
0xc3: {  	[dreg:$0x1] =	wrdreg $0xFFFFFFFF  }
0xc4: {  	_ =	task.clear_ibuf [dreg:s9], $0x2FFFF;
	_ =	strace $0x9FFFFFFF  }
0xc5: {  	(tm) =	ssettm $0x7FFFFFFF  }
tec
execute0_lowered:
.L_overlay_start_1:
0x0: {  	(tag) =	ssettag $0x1  }
0x1: {  	s4 =	srdreg.scid  }
0x2: {  	s3 =	rddreg [dreg:$0x0];
	s6 =	stileid.u32;
	s4 =	sand.u32 $0x1, s4  }
0x3: {  	s6 =	sshll.u32 s6, $0xF;
	s5 =	ssub.s32 $0x2, s4;
	s4 =	sshll.u32 s4, $0xE  }
0x4: {  	s2 =	rddreg [dreg:$0x1];
	s6 =	sor.u32 s4, s6  }
0x5: {  	s0 =	rddreg [dreg:$0x2];
	s1 =	simm.s32 $0x0;
	s15 =	sor.u32 $0x400, s6  }
0x6: {  	[smem:$0x7FF] =	sst s1;
	s8 =	sadd.s32 s3, s15  }
0x7: {  	s16 =	sor.u32 $0x800, s6;
	s17 =	sadd.s32 s2, s15;
	[dreg:$0x4] =	wrdreg s8  }
0x8: {  	s18 =	sadd.s32 s3, s16;
	[dreg:$0x5] =	wrdreg s17  }
0x9: {  	s20 =	sor.u32 $0xC00, s6;
	s19 =	sadd.s32 s2, s16;
	[dreg:$0x6] =	wrdreg s18  }
0xa: {  	s10 =	sadd.s32 s3, s20;
	[dreg:$0x7] =	wrdreg s19  }
0xb: {  	s9 =	sor.u32 $0x1000, s6;
	s21 =	sadd.s32 s2, s20;
	[dreg:$0x8] =	wrdreg s10  }
0xc: {  	s7 =	sshrl.u32 s5, $0x1;
	s22 =	sadd.s32 s3, s9;
	[dreg:$0x9] =	wrdreg s21  }
0xd: {  	s4 =	ssub.s32 s5, s7;
	s23 =	sadd.s32 s2, s9;
	[dreg:$0xa] =	wrdreg s22  }
0xe: {  	s24 =	sor.u32 $0x1400, s6;
	s5 =	sadd.s32 s0, s15;
	[dreg:$0xb] =	wrdreg s23  }
0xf: {  	s25 =	sadd.s32 s3, s24;
	[dreg:$0xc] =	wrdreg s5  }
0x10: {  	s26 =	sadd.s32 s2, s24;
	[dreg:$0xd] =	wrdreg s25  }
0x11: {  	s11 =	sor.u32 $0x1800, s6;
	s7 =	sadd.s32 s0, s16;
	[dreg:$0xe] =	wrdreg s26  }
0x12: {  	s12 =	sadd.s32 s3, s11;
	[dreg:$0xf] =	wrdreg s7  }
0x13: {  	s13 =	sadd.s32 s2, s11;
	[dreg:$0x10] =	wrdreg s12  }
0x14: {  	s14 =	sadd.s32 s0, s20;
	[dreg:$0x11] =	wrdreg s13  }
0x15: {  	s16 =	sadd.s32 s0, s9;
	[dreg:$0x12] =	wrdreg s14  }
0x16: {  	[dreg:$0x13] =	wrdreg s16;
	s5 =	sadd.s32 s0, s24  }
0x17: {  	s15 =	sor.u32 $0x1C00, s6;
	s17 =	sadd.s32 s0, s11;
	[dreg:$0x14] =	wrdreg s5  }
0x18: {  	s18 =	sadd.s32 s3, s15;
	[dreg:$0x15] =	wrdreg s17  }
0x19: {  	s19 =	sadd.s32 s2, s15;
	[dreg:$0x16] =	wrdreg s18  }
0x1a: {  	s20 =	sadd.s32 s0, s15;
	[dreg:$0x17] =	wrdreg s19  }
0x1b: {  	s15 =	sadd.s32 s3, s6;
	[dreg:$0x18] =	wrdreg s20  }
0x1c: {  	s21 =	sor.u32 $0x2000, s6;
	s16 =	sadd.s32 s2, s6;
	[smem:$0x7F4] =	sst s15  }
0x1d: {  	s28 =	simm.s32 $0xE000;
	s22 =	sadd.s32 s3, s21;
	[smem:$0x7F5] =	sst s16  }
0x1e: {  	s29 =	simm.s32 $0x1;
	s23 =	sadd.s32 s2, s21;
	[dreg:$0x19] =	wrdreg s22  }
0x1f: {  	s24 =	sor.u32 $0x2400, s6;
	s5 =	sadd.s32 s0, s21;
	[dreg:$0x1a] =	wrdreg s23  }
0x20: {  	s30 =	simm.s32 $0x10000;
	s25 =	sadd.s32 s3, s24;
	[dreg:$0x1b] =	wrdreg s5  }
0x21: {  	s31 =	simm.s32 $0x2;
	s9 =	sadd.s32 s2, s24;
	[dreg:$0x1c] =	wrdreg s25  }
0x22: {  	s26 =	sor.u32 $0x2800, s6;
	s7 =	sadd.s32 s0, s24;
	[dreg:$0x1d] =	wrdreg s9  }
0x23: {  	s12 =	sor.u32 $0x2C00, s6;
	s10 =	sadd.s32 s3, s26;
	[dreg:$0x1e] =	wrdreg s7  }
0x24: {  	s8 =	simm.s32 $0x7;
	s11 =	sadd.s32 s2, s26;
	[dreg:$0x1f] =	wrdreg s10  }
0x25: {  	s13 =	sadd.s32 s3, s12;
	s14 =	sadd.s32 s2, s12;
	[smem:$0x7EF] =	sst s11  }
0x26: {  	s17 =	sadd.s32 s0, s6;
	s18 =	sor.u32 $0x3000, s6;
	[smem:$0x7F1] =	sst s13  }
0x27: {  	s19 =	sor.u32 $0x3400, s6;
	s20 =	sor.u32 $0x3800, s6;
	[smem:$0x7F2] =	sst s14  }
0x28: {  	s6 =	sor.u32 $0x3C00, s6;
	s5 =	sadd.s32 s0, s26;
	[smem:$0x7F6] =	sst s17  }
0x29: {  	s21 =	sadd.s32 s3, s18;
	s22 =	sadd.s32 s3, s19;
	s23 =	sadd.s32 s3, s20  }
0x2a: {  	s3 =	sadd.s32 s3, s6;
	s24 =	sadd.s32 s2, s18;
	s25 =	sadd.s32 s2, s19  }
0x2b: {  	s26 =	sadd.s32 s2, s20;
	s15 =	sadd.s32 s2, s6;
	[smem:$0x7F0] =	sst s5  }
0x2c: {  	s16 =	sadd.s32 s0, s18;
	s17 =	sadd.s32 s0, s19;
	[smem:$0x7F7] =	sst s21  }
0x2d: {  	s18 =	sadd.s32 s0, s20;
	s19 =	sadd.s32 s0, s6;
	[smem:$0x7F8] =	sst s22  }
0x2e: {  	s20 =	smax.u32 s4, $0x1;
	s2 =	simm.s32 $0x3;
	[smem:$0x7F9] =	sst s23  }
0x2f: {  	s4 =	simm.s32 $0x4;
	s6 =	simm.s32 $0x5;
	[smem:$0x7FA] =	sst s3  }
0x30: {  	s7 =	simm.s32 $0x6;
	s9 =	simm.s32 $0x8;
	[smem:$0x7FB] =	sst s24  }
0x31: {  	s10 =	simm.s32 $0x0;
	s5 =	sadd.s32 s0, s12;
	[smem:$0x7FC] =	sst s25  }
0x32: {  	[smem:$0x7FD] =	sst s26;
	s21 =	simm.s32 $0x8000;
	s22 =	simm.s32 $0x2000  }
0x33: {  	s23 =	simm.s32 $0xA000;
	s24 =	simm.s32 $0x4000;
	s25 =	simm.s32 $0xC000  }
0x34: {  	s26 =	simm.s32 $0x6000;
	s0 =	simm.s32 $0x12000;
	[smem:$0x7F3] =	sst s5  }
0x35: {  	s3 =	simm.s32 $0x14000;
	s5 =	simm.s32 $0x16000;
	_ =	strace $0x80000047  }
.LBB2_1:
0x36: {  	s11 =	sld [smem:$0x7F4];
	_ =	sdelay $0x1  }
0x37: {  	s14 =	sld [smem:$0x7F5]  }
0x38: {  	[tilespmem:s1], [sflag:$0x1] =	stream.linear.gather [hbm4b:s11+s1], $0x2000, $0x38;
	[tilespmem:$0x18000] =	vst v63  }
0x39: {  	_ = 	snop  }
0x3a: {  	[tilespmem:s21], [sflag:$0x1] =	stream.linear.gather [hbm4b:s14+s1], $0x2000, $0x38;
	[tilespmem:$0x18000] =	vst v63  }
0x3b: {  	s12 =	rddreg [dreg:$0x4]  }
0x3c: {  	[tilespmem:s22], [sflag:$0x2] =	stream.linear.gather [hbm4b:s12+s1], $0x2000, $0x38;
	[tilespmem:$0x18000] =	vst v63  }
0x3d: {  	s13 =	rddreg [dreg:$0x5]  }
0x3e: {  	[tilespmem:s23], [sflag:$0x2] =	stream.linear.gather [hbm4b:s13+s1], $0x2000, $0x38;
	[tilespmem:$0x18000] =	vst v63  }
0x3f: {  	s14 =	rddreg [dreg:$0x6]  }
0x40: {  	[tilespmem:s24], [sflag:$0x3] =	stream.linear.gather [hbm4b:s14+s1], $0x2000, $0x38;
	[tilespmem:$0x18000] =	vst v63  }
0x41: {  	s12 =	rddreg [dreg:$0x7]  }
0x42: {  	[tilespmem:s25], [sflag:$0x3] =	stream.linear.gather [hbm4b:s12+s1], $0x2000, $0x38;
	[tilespmem:$0x18000] =	vst v63  }
0x43: {  	s13 =	rddreg [dreg:$0x8]  }
0x44: {  	[tilespmem:s26], [sflag:$0x4] =	stream.linear.gather [hbm4b:s13+s1], $0x2000, $0x38;
	[tilespmem:$0x18000] =	vst v63  }
0x45: {  	s14 =	rddreg [dreg:$0x9]  }
0x46: {  	[tilespmem:s28], [sflag:$0x4] =	stream.linear.gather [hbm4b:s14+s1], $0x2000, $0x38;
	[tilespmem:$0x18000] =	vst v63  }
0x47: {  	_ =	swait.ge [sflag:s29], $0x2000  }
0x48: {  	[sflag:s29] =	ssyncset.done $0x0  }
0x49: {  	[sflag:s29] =	ssyncadd.s32 $0xFFFFE000  }
0x4a: {  	_ =	swait.ge [sflag:s29], $0x2000  }
0x4b: {  	[sflag:s29] =	ssyncset.done $0x0  }
0x4c: {  	s12 =	simm.s32 $0x40;
	[sflag:s29] =	ssyncadd.s32 $0xFFFFE000  }
0x4d: {  	s11 =	simm.s32 $0x8040;
	v0 =	vld [tilespmem:s12+$0x30]  }
0x4e: {  	v1 =	vld [tilespmem:s11+$0x30]  }
0x4f: {  	v2 =	vld [tilespmem:s12+$0xFFFFFFD0]  }
0x50: {  	v3 =	vld [tilespmem:s12+$0xFFFFFFE0]  }
0x51: {  	v7 =	vld [tilespmem:s12+$0xFFFFFFF0]  }
0x52: {  	v8 =	vld [tilespmem:s12+$0x0]  }
0x53: {  	v9 =	vld [tilespmem:s12+$0x10]  }
0x54: {  	v11 =	vld [tilespmem:s12+$0x20]  }
0x55: {  	v12 =	vld [tilespmem:s12+$0xFFFFFFC0]  }
0x56: {  	v13 =	vld [tilespmem:s11+$0xFFFFFFC0]  }
0x57: {  	v14 =	vld [tilespmem:s11+$0xFFFFFFD0]  }
0x58: {  	v10 =	vld [tilespmem:s11+$0xFFFFFFE0];
	v0 =	vadd.f32 v0, v0;
	v5 =	vadd.f32 v2, v2  }
0x59: {  	v6 =	vld [tilespmem:s11+$0xFFFFFFF0];
	v4 =	vadd.f32 v3, v3;
	v3 =	vadd.f32 v7, v7  }
0x5a: {  	vm0 =	vge.f32 v1, $5.000000000e-01;
	v12 =	vadd.f32 v12, v12;
	v7 =	vld [tilespmem:s11+$0x0];
	v2 =	vadd.f32 v8, v8  }
0x5b: {  	s12 =	simm.s32 $0x10040;
	v1 =	vadd.f32 v9, v9;
	v8 =	vld [tilespmem:s11+$0x10];
	v0 =	vnsel vm0, $0x0, v0;
	vm0 =	vge.f32 v13, $5.000000000e-01  }
0x5c: {  	s13 =	simm.s32 $0x0;
	s14 =	simm.s32 $0xC0;
	v9 =	vld [tilespmem:s11+$0x20];
	[tilespmem:s12+$0x30] =	vst v0;
	v0 =	vadd.f32 v11, v11;
	v11 =	vnsel vm0, $0x0, v12;
	vm0 =	vge.f32 v14, $5.000000000e-01  }
.LBB2_2:
0x5d: {  	v12 =	vld [tilespmem:s14+$0x30];
	s13 =	sadd.s32 $0x80, s13;
	[tilespmem:s12+$0xFFFFFFC0] =	vst v11;
	v5 =	vnsel vm0, $0x0, v5;
	vm0 =	vge.f32 v10, $5.000000000e-01;
	s11 =	sadd.s32 $0x80, s11  }
0x5e: {  	v10 =	vld [tilespmem:s11+$0x30];
	p0 =	slt.u32 s13, $0x1F80;
	[tilespmem:s12+$0xFFFFFFD0] =	vst v5;
	v4 =	vnsel vm0, $0x0, v4;
	vm0 =	vge.f32 v6, $5.000000000e-01  }
0x5f: {  	v5 =	vld [tilespmem:s14+$0xFFFFFFD0];
	[tilespmem:s12+$0xFFFFFFE0] =	vst v4;
	v3 =	vnsel vm0, $0x0, v3;
	vm0 =	vge.f32 v7, $5.000000000e-01  }
0x60: {  	v4 =	vld [tilespmem:s14+$0xFFFFFFE0];
	[tilespmem:s12+$0xFFFFFFF0] =	vst v3;
	v2 =	vnsel vm0, $0x0, v2;
	vm0 =	vge.f32 v8, $5.000000000e-01  }
0x61: {  	v3 =	vld [tilespmem:s14+$0xFFFFFFF0];
	[tilespmem:s12+$0x0] =	vst v2;
	v1 =	vnsel vm0, $0x0, v1;
	vm0 =	vge.f32 v9, $5.000000000e-01  }
0x62: {  	v2 =	vld [tilespmem:s14+$0x0];
	v6 =	vadd.f32 v12, v12;
	[tilespmem:s12+$0x10] =	vst v1;
	v0 =	vnsel vm0, $0x0, v0  }
0x63: {  	v1 =	vld [tilespmem:s14+$0x10];
	vm0 =	vge.f32 v10, $5.000000000e-01;
	[tilespmem:s12+$0x20] =	vst v0  }
0x64: {  	s12 =	sadd.s32 $0x80, s12;
	v5 =	vadd.f32 v5, v5;
	v0 =	vld [tilespmem:s14+$0x20];
	v6 =	vnsel vm0, $0x0, v6  }
0x65: {  	v7 =	vld [tilespmem:s14+$0xFFFFFFC0];
	v4 =	vadd.f32 v4, v4;
	[tilespmem:s12+$0x30] =	vst v6  }
0x66: {  	v8 =	vld [tilespmem:s11+$0xFFFFFFC0];
	v3 =	vadd.f32 v3, v3  }
0x67: {  	v9 =	vld [tilespmem:s11+$0xFFFFFFD0];
	v2 =	vadd.f32 v2, v2  }
.Ltmp0:
0x68: {  	v10 =	vld [tilespmem:s11+$0xFFFFFFE0];
	v1 =	vadd.f32 v1, v1;
	(pc) =	sbr.rel @p0 .LBB2_2-.Ltmp0, $4  }
0x69: {  	v6 =	vld [tilespmem:s11+$0xFFFFFFF0];
	v0 =	vadd.f32 v0, v0  }
0x6a: {  	v11 =	vadd.f32 v7, v7;
	v7 =	vld [tilespmem:s11+$0x0]  }
0x6b: {  	vm0 =	vge.f32 v8, $5.000000000e-01;
	v8 =	vld [tilespmem:s11+$0x10]  }
0x6c: {  	s14 =	sadd.s32 $0x80, s14;
	v11 =	vnsel vm0, $0x0, v11;
	vm0 =	vge.f32 v9, $5.000000000e-01;
	v9 =	vld [tilespmem:s11+$0x20]  }
0x6d: {  	[tilespmem:s12+$0xFFFFFFC0] =	vst v11;
	v5 =	vnsel vm0, $0x0, v5;
	vm0 =	vge.f32 v10, $5.000000000e-01  }
0x6e: {  	[tilespmem:s12+$0xFFFFFFD0] =	vst v5;
	v4 =	vnsel vm0, $0x0, v4;
	vm0 =	vge.f32 v6, $5.000000000e-01  }
0x6f: {  	[tilespmem:s12+$0xFFFFFFE0] =	vst v4;
	v3 =	vnsel vm0, $0x0, v3;
	vm0 =	vge.f32 v7, $5.000000000e-01  }
0x70: {  	[tilespmem:s12+$0xFFFFFFF0] =	vst v3;
	v2 =	vnsel vm0, $0x0, v2;
	vm0 =	vge.f32 v8, $5.000000000e-01  }
0x71: {  	[tilespmem:s12+$0x0] =	vst v2;
	v1 =	vnsel vm0, $0x0, v1;
	vm0 =	vge.f32 v9, $5.000000000e-01  }
0x72: {  	[tilespmem:s12+$0x10] =	vst v1;
	v0 =	vnsel vm0, $0x0, v0  }
0x73: {  	[tilespmem:s12+$0x20] =	vst v0  }
0x74: {  	s11 =	sld [smem:$0x7F6];
	_ =	sdelay $0x2  }
0x75: {  	[hbm4b:s11+s1] =	stream.linear.scatter [tilespmem:s30], [sflag:$0x5], $0x2000, $0x38;
	[tilespmem:$0x18000] =	vst v63  }
0x76: {  	s12 =	rddreg [dreg:$0xa]  }
0x77: {  	[tilespmem:s1], [sflag:$0x1] =	stream.linear.gather [hbm4b:s12+s1], $0x2000, $0x38;
	[tilespmem:$0x18000] =	vst v63  }
0x78: {  	s13 =	rddreg [dreg:$0xb]  }
0x79: {  	[tilespmem:s21], [sflag:$0x1] =	stream.linear.gather [hbm4b:s13+s1], $0x2000, $0x38;
	[tilespmem:$0x18000] =	vst v63  }
0x7a: {  	_ =	swait.ge [sflag:s31], $0x2000  }
0x7b: {  	[sflag:s31] =	ssyncset.done $0x0  }
0x7c: {  	[sflag:s31] =	ssyncadd.s32 $0xFFFFE000  }
0x7d: {  	_ =	swait.ge [sflag:s31], $0x2000  }
0x7e: {  	[sflag:s31] =	ssyncset.done $0x0  }
0x7f: {  	s14 =	simm.s32 $0x2040;
	[sflag:s31] =	ssyncadd.s32 $0xFFFFE000  }
0x80: {  	s11 =	simm.s32 $0xA040;
	v0 =	vld [tilespmem:s14+$0x30]  }
0x81: {  	v1 =	vld [tilespmem:s11+$0x30]  }
0x82: {  	v2 =	vld [tilespmem:s14+$0xFFFFFFD0]  }
0x83: {  	v3 =	vld [tilespmem:s14+$0xFFFFFFE0]  }
0x84: {  	v7 =	vld [tilespmem:s14+$0xFFFFFFF0]  }
0x85: {  	v8 =	vld [tilespmem:s14+$0x0]  }
0x86: {  	v9 =	vld [tilespmem:s14+$0x10]  }
0x87: {  	v11 =	vld [tilespmem:s14+$0x20]  }
0x88: {  	v12 =	vld [tilespmem:s14+$0xFFFFFFC0]  }
0x89: {  	v13 =	vld [tilespmem:s11+$0xFFFFFFC0]  }
0x8a: {  	v14 =	vld [tilespmem:s11+$0xFFFFFFD0]  }
0x8b: {  	v10 =	vld [tilespmem:s11+$0xFFFFFFE0];
	v0 =	vadd.f32 v0, v0;
	v5 =	vadd.f32 v2, v2  }
0x8c: {  	v6 =	vld [tilespmem:s11+$0xFFFFFFF0];
	v4 =	vadd.f32 v3, v3;
	v3 =	vadd.f32 v7, v7  }
0x8d: {  	vm0 =	vge.f32 v1, $5.000000000e-01;
	v12 =	vadd.f32 v12, v12;
	v7 =	vld [tilespmem:s11+$0x0];
	v2 =	vadd.f32 v8, v8  }
0x8e: {  	s12 =	simm.s32 $0x12040;
	v1 =	vadd.f32 v9, v9;
	v8 =	vld [tilespmem:s11+$0x10];
	v0 =	vnsel vm0, $0x0, v0;
	vm0 =	vge.f32 v13, $5.000000000e-01  }
0x8f: {  	s13 =	simm.s32 $0x0;
	s14 =	simm.s32 $0x20C0;
	v9 =	vld [tilespmem:s11+$0x20];
	[tilespmem:s12+$0x30] =	vst v0;
	v0 =	vadd.f32 v11, v11;
	v11 =	vnsel vm0, $0x0, v12;
	vm0 =	vge.f32 v14, $5.000000000e-01  }
.LBB2_4:
0x90: {  	v12 =	vld [tilespmem:s14+$0x30];
	s13 =	sadd.s32 $0x80, s13;
	[tilespmem:s12+$0xFFFFFFC0] =	vst v11;
	v5 =	vnsel vm0, $0x0, v5;
	vm0 =	vge.f32 v10, $5.000000000e-01;
	s11 =	sadd.s32 $0x80, s11  }
0x91: {  	v10 =	vld [tilespmem:s11+$0x30];
	p0 =	slt.u32 s13, $0x1F80;
	[tilespmem:s12+$0xFFFFFFD0] =	vst v5;
	v4 =	vnsel vm0, $0x0, v4;
	vm0 =	vge.f32 v6, $5.000000000e-01  }
0x92: {  	v5 =	vld [tilespmem:s14+$0xFFFFFFD0];
	[tilespmem:s12+$0xFFFFFFE0] =	vst v4;
	v3 =	vnsel vm0, $0x0, v3;
	vm0 =	vge.f32 v7, $5.000000000e-01  }
0x93: {  	v4 =	vld [tilespmem:s14+$0xFFFFFFE0];
	[tilespmem:s12+$0xFFFFFFF0] =	vst v3;
	v2 =	vnsel vm0, $0x0, v2;
	vm0 =	vge.f32 v8, $5.000000000e-01  }
0x94: {  	v3 =	vld [tilespmem:s14+$0xFFFFFFF0];
	[tilespmem:s12+$0x0] =	vst v2;
	v1 =	vnsel vm0, $0x0, v1;
	vm0 =	vge.f32 v9, $5.000000000e-01  }
0x95: {  	v2 =	vld [tilespmem:s14+$0x0];
	v6 =	vadd.f32 v12, v12;
	[tilespmem:s12+$0x10] =	vst v1;
	v0 =	vnsel vm0, $0x0, v0  }
0x96: {  	v1 =	vld [tilespmem:s14+$0x10];
	vm0 =	vge.f32 v10, $5.000000000e-01;
	[tilespmem:s12+$0x20] =	vst v0  }
0x97: {  	s12 =	sadd.s32 $0x80, s12;
	v5 =	vadd.f32 v5, v5;
	v0 =	vld [tilespmem:s14+$0x20];
	v6 =	vnsel vm0, $0x0, v6  }
0x98: {  	v7 =	vld [tilespmem:s14+$0xFFFFFFC0];
	v4 =	vadd.f32 v4, v4;
	[tilespmem:s12+$0x30] =	vst v6  }
0x99: {  	v8 =	vld [tilespmem:s11+$0xFFFFFFC0];
	v3 =	vadd.f32 v3, v3  }
0x9a: {  	v9 =	vld [tilespmem:s11+$0xFFFFFFD0];
	v2 =	vadd.f32 v2, v2  }
.Ltmp1:
0x9b: {  	v10 =	vld [tilespmem:s11+$0xFFFFFFE0];
	v1 =	vadd.f32 v1, v1;
	(pc) =	sbr.rel @p0 .LBB2_4-.Ltmp1, $4  }
0x9c: {  	v6 =	vld [tilespmem:s11+$0xFFFFFFF0];
	v0 =	vadd.f32 v0, v0  }
0x9d: {  	v11 =	vadd.f32 v7, v7;
	v7 =	vld [tilespmem:s11+$0x0]  }
0x9e: {  	vm0 =	vge.f32 v8, $5.000000000e-01;
	v8 =	vld [tilespmem:s11+$0x10]  }
0x9f: {  	s14 =	sadd.s32 $0x80, s14;
	v11 =	vnsel vm0, $0x0, v11;
	vm0 =	vge.f32 v9, $5.000000000e-01;
	v9 =	vld [tilespmem:s11+$0x20]  }
0xa0: {  	[tilespmem:s12+$0xFFFFFFC0] =	vst v11;
	v5 =	vnsel vm0, $0x0, v5;
	vm0 =	vge.f32 v10, $5.000000000e-01  }
0xa1: {  	[tilespmem:s12+$0xFFFFFFD0] =	vst v5;
	v4 =	vnsel vm0, $0x0, v4;
	vm0 =	vge.f32 v6, $5.000000000e-01  }
0xa2: {  	[tilespmem:s12+$0xFFFFFFE0] =	vst v4;
	v3 =	vnsel vm0, $0x0, v3;
	vm0 =	vge.f32 v7, $5.000000000e-01  }
0xa3: {  	[tilespmem:s12+$0xFFFFFFF0] =	vst v3;
	v2 =	vnsel vm0, $0x0, v2;
	vm0 =	vge.f32 v8, $5.000000000e-01  }
0xa4: {  	[tilespmem:s12+$0x0] =	vst v2;
	v1 =	vnsel vm0, $0x0, v1;
	vm0 =	vge.f32 v9, $5.000000000e-01  }
0xa5: {  	[tilespmem:s12+$0x10] =	vst v1;
	v0 =	vnsel vm0, $0x0, v0  }
0xa6: {  	[tilespmem:s12+$0x20] =	vst v0  }
0xa7: {  	s11 =	rddreg [dreg:$0xc]  }
0xa8: {  	[hbm4b:s11+s1] =	stream.linear.scatter [tilespmem:s0], [sflag:$0x6], $0x2000, $0x38;
	[tilespmem:$0x18000] =	vst v63  }
0xa9: {  	s12 =	rddreg [dreg:$0xd]  }
0xaa: {  	[tilespmem:s22], [sflag:$0x2] =	stream.linear.gather [hbm4b:s12+s1], $0x2000, $0x38;
	[tilespmem:$0x18000] =	vst v63  }
0xab: {  	s13 =	rddreg [dreg:$0xe]  }
0xac: {  	[tilespmem:s23], [sflag:$0x2] =	stream.linear.gather [hbm4b:s13+s1], $0x2000, $0x38;
	[tilespmem:$0x18000] =	vst v63  }
0xad: {  	_ =	swait.ge [sflag:s2], $0x2000  }
0xae: {  	[sflag:s2] =	ssyncset.done $0x0  }
0xaf: {  	[sflag:s2] =	ssyncadd.s32 $0xFFFFE000  }
0xb0: {  	_ =	swait.ge [sflag:s2], $0x2000  }
0xb1: {  	[sflag:s2] =	ssyncset.done $0x0  }
0xb2: {  	s14 =	simm.s32 $0x4040;
	[sflag:s2] =	ssyncadd.s32 $0xFFFFE000  }
0xb3: {  	s11 =	simm.s32 $0xC040;
	v0 =	vld [tilespmem:s14+$0x30]  }
0xb4: {  	v1 =	vld [tilespmem:s11+$0x30]  }
0xb5: {  	v2 =	vld [tilespmem:s14+$0xFFFFFFD0]  }
0xb6: {  	v3 =	vld [tilespmem:s14+$0xFFFFFFE0]  }
0xb7: {  	v7 =	vld [tilespmem:s14+$0xFFFFFFF0]  }
0xb8: {  	v8 =	vld [tilespmem:s14+$0x0]  }
0xb9: {  	v9 =	vld [tilespmem:s14+$0x10]  }
0xba: {  	v11 =	vld [tilespmem:s14+$0x20]  }
0xbb: {  	v12 =	vld [tilespmem:s14+$0xFFFFFFC0]  }
0xbc: {  	v13 =	vld [tilespmem:s11+$0xFFFFFFC0]  }
0xbd: {  	v14 =	vld [tilespmem:s11+$0xFFFFFFD0]  }
0xbe: {  	v10 =	vld [tilespmem:s11+$0xFFFFFFE0];
	v0 =	vadd.f32 v0, v0;
	v5 =	vadd.f32 v2, v2  }
0xbf: {  	v6 =	vld [tilespmem:s11+$0xFFFFFFF0];
	v4 =	vadd.f32 v3, v3;
	v3 =	vadd.f32 v7, v7  }
0xc0: {  	vm0 =	vge.f32 v1, $5.000000000e-01;
	v12 =	vadd.f32 v12, v12;
	v7 =	vld [tilespmem:s11+$0x0];
	v2 =	vadd.f32 v8, v8  }
0xc1: {  	s12 =	simm.s32 $0x14040;
	v1 =	vadd.f32 v9, v9;
	v8 =	vld [tilespmem:s11+$0x10];
	v0 =	vnsel vm0, $0x0, v0;
	vm0 =	vge.f32 v13, $5.000000000e-01  }
0xc2: {  	s13 =	simm.s32 $0x0;
	s14 =	simm.s32 $0x40C0;
	v9 =	vld [tilespmem:s11+$0x20];
	[tilespmem:s12+$0x30] =	vst v0;
	v0 =	vadd.f32 v11, v11;
	v11 =	vnsel vm0, $0x0, v12;
	vm0 =	vge.f32 v14, $5.000000000e-01  }
.LBB2_6:
0xc3: {  	v12 =	vld [tilespmem:s14+$0x30];
	s13 =	sadd.s32 $0x80, s13;
	[tilespmem:s12+$0xFFFFFFC0] =	vst v11;
	v5 =	vnsel vm0, $0x0, v5;
	vm0 =	vge.f32 v10, $5.000000000e-01;
	s11 =	sadd.s32 $0x80, s11  }
0xc4: {  	v10 =	vld [tilespmem:s11+$0x30];
	p0 =	slt.u32 s13, $0x1F80;
	[tilespmem:s12+$0xFFFFFFD0] =	vst v5;
	v4 =	vnsel vm0, $0x0, v4;
	vm0 =	vge.f32 v6, $5.000000000e-01  }
0xc5: {  	v5 =	vld [tilespmem:s14+$0xFFFFFFD0];
	[tilespmem:s12+$0xFFFFFFE0] =	vst v4;
	v3 =	vnsel vm0, $0x0, v3;
	vm0 =	vge.f32 v7, $5.000000000e-01  }
0xc6: {  	v4 =	vld [tilespmem:s14+$0xFFFFFFE0];
	[tilespmem:s12+$0xFFFFFFF0] =	vst v3;
	v2 =	vnsel vm0, $0x0, v2;
	vm0 =	vge.f32 v8, $5.000000000e-01  }
0xc7: {  	v3 =	vld [tilespmem:s14+$0xFFFFFFF0];
	[tilespmem:s12+$0x0] =	vst v2;
	v1 =	vnsel vm0, $0x0, v1;
	vm0 =	vge.f32 v9, $5.000000000e-01  }
0xc8: {  	v2 =	vld [tilespmem:s14+$0x0];
	v6 =	vadd.f32 v12, v12;
	[tilespmem:s12+$0x10] =	vst v1;
	v0 =	vnsel vm0, $0x0, v0  }
0xc9: {  	v1 =	vld [tilespmem:s14+$0x10];
	vm0 =	vge.f32 v10, $5.000000000e-01;
	[tilespmem:s12+$0x20] =	vst v0  }
0xca: {  	s12 =	sadd.s32 $0x80, s12;
	v5 =	vadd.f32 v5, v5;
	v0 =	vld [tilespmem:s14+$0x20];
	v6 =	vnsel vm0, $0x0, v6  }
0xcb: {  	v7 =	vld [tilespmem:s14+$0xFFFFFFC0];
	v4 =	vadd.f32 v4, v4;
	[tilespmem:s12+$0x30] =	vst v6  }
0xcc: {  	v8 =	vld [tilespmem:s11+$0xFFFFFFC0];
	v3 =	vadd.f32 v3, v3  }
0xcd: {  	v9 =	vld [tilespmem:s11+$0xFFFFFFD0];
	v2 =	vadd.f32 v2, v2  }
.Ltmp2:
0xce: {  	v10 =	vld [tilespmem:s11+$0xFFFFFFE0];
	v1 =	vadd.f32 v1, v1;
	(pc) =	sbr.rel @p0 .LBB2_6-.Ltmp2, $4  }
0xcf: {  	v6 =	vld [tilespmem:s11+$0xFFFFFFF0];
	v0 =	vadd.f32 v0, v0  }
0xd0: {  	v11 =	vadd.f32 v7, v7;
	v7 =	vld [tilespmem:s11+$0x0]  }
0xd1: {  	vm0 =	vge.f32 v8, $5.000000000e-01;
	v8 =	vld [tilespmem:s11+$0x10]  }
0xd2: {  	s14 =	sadd.s32 $0x80, s14;
	v11 =	vnsel vm0, $0x0, v11;
	vm0 =	vge.f32 v9, $5.000000000e-01;
	v9 =	vld [tilespmem:s11+$0x20]  }
0xd3: {  	[tilespmem:s12+$0xFFFFFFC0] =	vst v11;
	v5 =	vnsel vm0, $0x0, v5;
	vm0 =	vge.f32 v10, $5.000000000e-01  }
0xd4: {  	[tilespmem:s12+$0xFFFFFFD0] =	vst v5;
	v4 =	vnsel vm0, $0x0, v4;
	vm0 =	vge.f32 v6, $5.000000000e-01  }
0xd5: {  	[tilespmem:s12+$0xFFFFFFE0] =	vst v4;
	v3 =	vnsel vm0, $0x0, v3;
	vm0 =	vge.f32 v7, $5.000000000e-01  }
0xd6: {  	[tilespmem:s12+$0xFFFFFFF0] =	vst v3;
	v2 =	vnsel vm0, $0x0, v2;
	vm0 =	vge.f32 v8, $5.000000000e-01  }
0xd7: {  	[tilespmem:s12+$0x0] =	vst v2;
	v1 =	vnsel vm0, $0x0, v1;
	vm0 =	vge.f32 v9, $5.000000000e-01  }
0xd8: {  	[tilespmem:s12+$0x10] =	vst v1;
	v0 =	vnsel vm0, $0x0, v0  }
0xd9: {  	[tilespmem:s12+$0x20] =	vst v0  }
0xda: {  	s11 =	rddreg [dreg:$0xf]  }
0xdb: {  	[hbm4b:s11+s1] =	stream.linear.scatter [tilespmem:s3], [sflag:$0x7], $0x2000, $0x38;
	[tilespmem:$0x18000] =	vst v63  }
0xdc: {  	s12 =	rddreg [dreg:$0x10]  }
0xdd: {  	[tilespmem:s24], [sflag:$0x3] =	stream.linear.gather [hbm4b:s12+s1], $0x2000, $0x38;
	[tilespmem:$0x18000] =	vst v63  }
0xde: {  	s13 =	rddreg [dreg:$0x11]  }
0xdf: {  	[tilespmem:s25], [sflag:$0x3] =	stream.linear.gather [hbm4b:s13+s1], $0x2000, $0x38;
	[tilespmem:$0x18000] =	vst v63  }
0xe0: {  	_ =	swait.ge [sflag:s4], $0x2000  }
0xe1: {  	[sflag:s4] =	ssyncset.done $0x0  }
0xe2: {  	[sflag:s4] =	ssyncadd.s32 $0xFFFFE000  }
0xe3: {  	_ =	swait.ge [sflag:s4], $0x2000  }
0xe4: {  	[sflag:s4] =	ssyncset.done $0x0  }
0xe5: {  	s14 =	simm.s32 $0x6040;
	[sflag:s4] =	ssyncadd.s32 $0xFFFFE000  }
0xe6: {  	s11 =	simm.s32 $0xE040;
	v0 =	vld [tilespmem:s14+$0x30]  }
0xe7: {  	v1 =	vld [tilespmem:s11+$0x30]  }
0xe8: {  	v2 =	vld [tilespmem:s14+$0xFFFFFFD0]  }
0xe9: {  	v3 =	vld [tilespmem:s14+$0xFFFFFFE0]  }
0xea: {  	v7 =	vld [tilespmem:s14+$0xFFFFFFF0]  }
0xeb: {  	v8 =	vld [tilespmem:s14+$0x0]  }
0xec: {  	v9 =	vld [tilespmem:s14+$0x10]  }
0xed: {  	v11 =	vld [tilespmem:s14+$0x20]  }
0xee: {  	v12 =	vld [tilespmem:s14+$0xFFFFFFC0]  }
0xef: {  	v13 =	vld [tilespmem:s11+$0xFFFFFFC0]  }
0xf0: {  	v14 =	vld [tilespmem:s11+$0xFFFFFFD0]  }
0xf1: {  	v10 =	vld [tilespmem:s11+$0xFFFFFFE0];
	v0 =	vadd.f32 v0, v0;
	v5 =	vadd.f32 v2, v2  }
0xf2: {  	v6 =	vld [tilespmem:s11+$0xFFFFFFF0];
	v4 =	vadd.f32 v3, v3;
	v3 =	vadd.f32 v7, v7  }
0xf3: {  	vm0 =	vge.f32 v1, $5.000000000e-01;
	v12 =	vadd.f32 v12, v12;
	v7 =	vld [tilespmem:s11+$0x0];
	v2 =	vadd.f32 v8, v8  }
0xf4: {  	s12 =	simm.s32 $0x16040;
	v1 =	vadd.f32 v9, v9;
	v8 =	vld [tilespmem:s11+$0x10];
	v0 =	vnsel vm0, $0x0, v0;
	vm0 =	vge.f32 v13, $5.000000000e-01  }
0xf5: {  	s13 =	simm.s32 $0x0;
	s14 =	simm.s32 $0x60C0;
	v9 =	vld [tilespmem:s11+$0x20];
	[tilespmem:s12+$0x30] =	vst v0;
	v0 =	vadd.f32 v11, v11;
	v11 =	vnsel vm0, $0x0, v12;
	vm0 =	vge.f32 v14, $5.000000000e-01  }
.LBB2_8:
0xf6: {  	v12 =	vld [tilespmem:s14+$0x30];
	s13 =	sadd.s32 $0x80, s13;
	[tilespmem:s12+$0xFFFFFFC0] =	vst v11;
	v5 =	vnsel vm0, $0x0, v5;
	vm0 =	vge.f32 v10, $5.000000000e-01;
	s11 =	sadd.s32 $0x80, s11  }
0xf7: {  	v10 =	vld [tilespmem:s11+$0x30];
	p0 =	slt.u32 s13, $0x1F80;
	[tilespmem:s12+$0xFFFFFFD0] =	vst v5;
	v4 =	vnsel vm0, $0x0, v4;
	vm0 =	vge.f32 v6, $5.000000000e-01  }
0xf8: {  	v5 =	vld [tilespmem:s14+$0xFFFFFFD0];
	[tilespmem:s12+$0xFFFFFFE0] =	vst v4;
	v3 =	vnsel vm0, $0x0, v3;
	vm0 =	vge.f32 v7, $5.000000000e-01  }
0xf9: {  	v4 =	vld [tilespmem:s14+$0xFFFFFFE0];
	[tilespmem:s12+$0xFFFFFFF0] =	vst v3;
	v2 =	vnsel vm0, $0x0, v2;
	vm0 =	vge.f32 v8, $5.000000000e-01  }
0xfa: {  	v3 =	vld [tilespmem:s14+$0xFFFFFFF0];
	[tilespmem:s12+$0x0] =	vst v2;
	v1 =	vnsel vm0, $0x0, v1;
	vm0 =	vge.f32 v9, $5.000000000e-01  }
0xfb: {  	v2 =	vld [tilespmem:s14+$0x0];
	v6 =	vadd.f32 v12, v12;
	[tilespmem:s12+$0x10] =	vst v1;
	v0 =	vnsel vm0, $0x0, v0  }
0xfc: {  	v1 =	vld [tilespmem:s14+$0x10];
	vm0 =	vge.f32 v10, $5.000000000e-01;
	[tilespmem:s12+$0x20] =	vst v0  }
0xfd: {  	s12 =	sadd.s32 $0x80, s12;
	v5 =	vadd.f32 v5, v5;
	v0 =	vld [tilespmem:s14+$0x20];
	v6 =	vnsel vm0, $0x0, v6  }
0xfe: {  	v7 =	vld [tilespmem:s14+$0xFFFFFFC0];
	v4 =	vadd.f32 v4, v4;
	[tilespmem:s12+$0x30] =	vst v6  }
0xff: {  	v8 =	vld [tilespmem:s11+$0xFFFFFFC0];
	v3 =	vadd.f32 v3, v3  }
0x100: {  	v9 =	vld [tilespmem:s11+$0xFFFFFFD0];
	v2 =	vadd.f32 v2, v2  }
.Ltmp3:
0x101: {  	v10 =	vld [tilespmem:s11+$0xFFFFFFE0];
	v1 =	vadd.f32 v1, v1;
	(pc) =	sbr.rel @p0 .LBB2_8-.Ltmp3, $4  }
0x102: {  	v6 =	vld [tilespmem:s11+$0xFFFFFFF0];
	v0 =	vadd.f32 v0, v0  }
0x103: {  	v11 =	vadd.f32 v7, v7;
	v7 =	vld [tilespmem:s11+$0x0]  }
0x104: {  	vm0 =	vge.f32 v8, $5.000000000e-01;
	v8 =	vld [tilespmem:s11+$0x10]  }
0x105: {  	s14 =	sadd.s32 $0x80, s14;
	v11 =	vnsel vm0, $0x0, v11;
	vm0 =	vge.f32 v9, $5.000000000e-01;
	v9 =	vld [tilespmem:s11+$0x20]  }
0x106: {  	[tilespmem:s12+$0xFFFFFFC0] =	vst v11;
	v5 =	vnsel vm0, $0x0, v5;
	vm0 =	vge.f32 v10, $5.000000000e-01  }
0x107: {  	[tilespmem:s12+$0xFFFFFFD0] =	vst v5;
	v4 =	vnsel vm0, $0x0, v4;
	vm0 =	vge.f32 v6, $5.000000000e-01  }
0x108: {  	[tilespmem:s12+$0xFFFFFFE0] =	vst v4;
	v3 =	vnsel vm0, $0x0, v3;
	vm0 =	vge.f32 v7, $5.000000000e-01  }
0x109: {  	[tilespmem:s12+$0xFFFFFFF0] =	vst v3;
	v2 =	vnsel vm0, $0x0, v2;
	vm0 =	vge.f32 v8, $5.000000000e-01  }
0x10a: {  	[tilespmem:s12+$0x0] =	vst v2;
	v1 =	vnsel vm0, $0x0, v1;
	vm0 =	vge.f32 v9, $5.000000000e-01  }
0x10b: {  	[tilespmem:s12+$0x10] =	vst v1;
	v0 =	vnsel vm0, $0x0, v0  }
0x10c: {  	[tilespmem:s12+$0x20] =	vst v0  }
0x10d: {  	s11 =	rddreg [dreg:$0x12]  }
0x10e: {  	[hbm4b:s11+s1] =	stream.linear.scatter [tilespmem:s5], [sflag:$0x8], $0x2000, $0x38;
	[tilespmem:$0x18000] =	vst v63  }
0x10f: {  	s12 =	rddreg [dreg:$0x16]  }
0x110: {  	[tilespmem:s26], [sflag:$0x4] =	stream.linear.gather [hbm4b:s12+s1], $0x2000, $0x38;
	[tilespmem:$0x18000] =	vst v63  }
0x111: {  	s13 =	rddreg [dreg:$0x17]  }
0x112: {  	[tilespmem:s28], [sflag:$0x4] =	stream.linear.gather [hbm4b:s13+s1], $0x2000, $0x38;
	[tilespmem:$0x18000] =	vst v63  }
0x113: {  	_ =	swait.ge [sflag:s29], $0x2000  }
0x114: {  	[sflag:s29] =	ssyncset.done $0x0  }
0x115: {  	[sflag:s29] =	ssyncadd.s32 $0xFFFFE000  }
0x116: {  	_ =	swait.ge [sflag:s29], $0x2000  }
0x117: {  	[sflag:s29] =	ssyncset.done $0x0  }
0x118: {  	[sflag:s29] =	ssyncadd.s32 $0xFFFFE000  }
0x119: {  	_ =	swait.ge [sflag:s6], $0x2000  }
0x11a: {  	[sflag:s6] =	ssyncset.done $0x0  }
0x11b: {  	s14 =	simm.s32 $0x40;
	[sflag:s6] =	ssyncadd.s32 $0xFFFFE000  }
0x11c: {  	s11 =	simm.s32 $0x8040;
	v0 =	vld [tilespmem:s14+$0x30]  }
0x11d: {  	v1 =	vld [tilespmem:s11+$0x30]  }
0x11e: {  	v2 =	vld [tilespmem:s14+$0xFFFFFFD0]  }
0x11f: {  	v3 =	vld [tilespmem:s14+$0xFFFFFFE0]  }
0x120: {  	v7 =	vld [tilespmem:s14+$0xFFFFFFF0]  }
0x121: {  	v8 =	vld [tilespmem:s14+$0x0]  }
0x122: {  	v9 =	vld [tilespmem:s14+$0x10]  }
0x123: {  	v11 =	vld [tilespmem:s14+$0x20]  }
0x124: {  	v12 =	vld [tilespmem:s14+$0xFFFFFFC0]  }
0x125: {  	v13 =	vld [tilespmem:s11+$0xFFFFFFC0]  }
0x126: {  	v14 =	vld [tilespmem:s11+$0xFFFFFFD0]  }
0x127: {  	v10 =	vld [tilespmem:s11+$0xFFFFFFE0];
	v0 =	vadd.f32 v0, v0;
	v5 =	vadd.f32 v2, v2  }
0x128: {  	v6 =	vld [tilespmem:s11+$0xFFFFFFF0];
	v4 =	vadd.f32 v3, v3;
	v3 =	vadd.f32 v7, v7  }
0x129: {  	vm0 =	vge.f32 v1, $5.000000000e-01;
	v12 =	vadd.f32 v12, v12;
	v7 =	vld [tilespmem:s11+$0x0];
	v2 =	vadd.f32 v8, v8  }
0x12a: {  	s12 =	simm.s32 $0x10040;
	v1 =	vadd.f32 v9, v9;
	v8 =	vld [tilespmem:s11+$0x10];
	v0 =	vnsel vm0, $0x0, v0;
	vm0 =	vge.f32 v13, $5.000000000e-01  }
0x12b: {  	s13 =	simm.s32 $0x0;
	s14 =	simm.s32 $0xC0;
	v9 =	vld [tilespmem:s11+$0x20];
	[tilespmem:s12+$0x30] =	vst v0;
	v0 =	vadd.f32 v11, v11;
	v11 =	vnsel vm0, $0x0, v12;
	vm0 =	vge.f32 v14, $5.000000000e-01  }
.LBB2_10:
0x12c: {  	v12 =	vld [tilespmem:s14+$0x30];
	s13 =	sadd.s32 $0x80, s13;
	[tilespmem:s12+$0xFFFFFFC0] =	vst v11;
	v5 =	vnsel vm0, $0x0, v5;
	vm0 =	vge.f32 v10, $5.000000000e-01;
	s11 =	sadd.s32 $0x80, s11  }
0x12d: {  	v10 =	vld [tilespmem:s11+$0x30];
	p0 =	slt.u32 s13, $0x1F80;
	[tilespmem:s12+$0xFFFFFFD0] =	vst v5;
	v4 =	vnsel vm0, $0x0, v4;
	vm0 =	vge.f32 v6, $5.000000000e-01  }
0x12e: {  	v5 =	vld [tilespmem:s14+$0xFFFFFFD0];
	[tilespmem:s12+$0xFFFFFFE0] =	vst v4;
	v3 =	vnsel vm0, $0x0, v3;
	vm0 =	vge.f32 v7, $5.000000000e-01  }
0x12f: {  	v4 =	vld [tilespmem:s14+$0xFFFFFFE0];
	[tilespmem:s12+$0xFFFFFFF0] =	vst v3;
	v2 =	vnsel vm0, $0x0, v2;
	vm0 =	vge.f32 v8, $5.000000000e-01  }
0x130: {  	v3 =	vld [tilespmem:s14+$0xFFFFFFF0];
	[tilespmem:s12+$0x0] =	vst v2;
	v1 =	vnsel vm0, $0x0, v1;
	vm0 =	vge.f32 v9, $5.000000000e-01  }
0x131: {  	v2 =	vld [tilespmem:s14+$0x0];
	v6 =	vadd.f32 v12, v12;
	[tilespmem:s12+$0x10] =	vst v1;
	v0 =	vnsel vm0, $0x0, v0  }
0x132: {  	v1 =	vld [tilespmem:s14+$0x10];
	vm0 =	vge.f32 v10, $5.000000000e-01;
	[tilespmem:s12+$0x20] =	vst v0  }
0x133: {  	s12 =	sadd.s32 $0x80, s12;
	v5 =	vadd.f32 v5, v5;
	v0 =	vld [tilespmem:s14+$0x20];
	v6 =	vnsel vm0, $0x0, v6  }
0x134: {  	v7 =	vld [tilespmem:s14+$0xFFFFFFC0];
	v4 =	vadd.f32 v4, v4;
	[tilespmem:s12+$0x30] =	vst v6  }
0x135: {  	v8 =	vld [tilespmem:s11+$0xFFFFFFC0];
	v3 =	vadd.f32 v3, v3  }
0x136: {  	v9 =	vld [tilespmem:s11+$0xFFFFFFD0];
	v2 =	vadd.f32 v2, v2  }
.Ltmp4:
0x137: {  	v10 =	vld [tilespmem:s11+$0xFFFFFFE0];
	v1 =	vadd.f32 v1, v1;
	(pc) =	sbr.rel @p0 .LBB2_10-.Ltmp4, $4  }
0x138: {  	v6 =	vld [tilespmem:s11+$0xFFFFFFF0];
	v0 =	vadd.f32 v0, v0  }
0x139: {  	v11 =	vadd.f32 v7, v7;
	v7 =	vld [tilespmem:s11+$0x0]  }
0x13a: {  	vm0 =	vge.f32 v8, $5.000000000e-01;
	v8 =	vld [tilespmem:s11+$0x10]  }
0x13b: {  	s14 =	sadd.s32 $0x80, s14;
	v11 =	vnsel vm0, $0x0, v11;
	vm0 =	vge.f32 v9, $5.000000000e-01;
	v9 =	vld [tilespmem:s11+$0x20]  }
0x13c: {  	[tilespmem:s12+$0xFFFFFFC0] =	vst v11;
	v5 =	vnsel vm0, $0x0, v5;
	vm0 =	vge.f32 v10, $5.000000000e-01  }
0x13d: {  	[tilespmem:s12+$0xFFFFFFD0] =	vst v5;
	v4 =	vnsel vm0, $0x0, v4;
	vm0 =	vge.f32 v6, $5.000000000e-01  }
0x13e: {  	[tilespmem:s12+$0xFFFFFFE0] =	vst v4;
	v3 =	vnsel vm0, $0x0, v3;
	vm0 =	vge.f32 v7, $5.000000000e-01  }
0x13f: {  	[tilespmem:s12+$0xFFFFFFF0] =	vst v3;
	v2 =	vnsel vm0, $0x0, v2;
	vm0 =	vge.f32 v8, $5.000000000e-01  }
0x140: {  	[tilespmem:s12+$0x0] =	vst v2;
	v1 =	vnsel vm0, $0x0, v1;
	vm0 =	vge.f32 v9, $5.000000000e-01  }
0x141: {  	[tilespmem:s12+$0x10] =	vst v1;
	v0 =	vnsel vm0, $0x0, v0  }
0x142: {  	[tilespmem:s12+$0x20] =	vst v0  }
0x143: {  	s11 =	rddreg [dreg:$0x13]  }
0x144: {  	[hbm4b:s11+s1] =	stream.linear.scatter [tilespmem:s30], [sflag:$0x5], $0x2000, $0x38;
	[tilespmem:$0x18000] =	vst v63  }
0x145: {  	s12 =	rddreg [dreg:$0x19]  }
0x146: {  	[tilespmem:s1], [sflag:$0x1] =	stream.linear.gather [hbm4b:s12+s1], $0x2000, $0x38;
	[tilespmem:$0x18000] =	vst v63  }
0x147: {  	s13 =	rddreg [dreg:$0x1a]  }
0x148: {  	[tilespmem:s21], [sflag:$0x1] =	stream.linear.gather [hbm4b:s13+s1], $0x2000, $0x38;
	[tilespmem:$0x18000] =	vst v63  }
0x149: {  	_ =	swait.ge [sflag:s31], $0x2000  }
0x14a: {  	[sflag:s31] =	ssyncset.done $0x0  }
0x14b: {  	[sflag:s31] =	ssyncadd.s32 $0xFFFFE000  }
0x14c: {  	_ =	swait.ge [sflag:s31], $0x2000  }
0x14d: {  	[sflag:s31] =	ssyncset.done $0x0  }
0x14e: {  	[sflag:s31] =	ssyncadd.s32 $0xFFFFE000  }
0x14f: {  	_ =	swait.ge [sflag:s7], $0x2000  }
0x150: {  	[sflag:s7] =	ssyncset.done $0x0  }
0x151: {  	s14 =	simm.s32 $0x2040;
	[sflag:s7] =	ssyncadd.s32 $0xFFFFE000  }
0x152: {  	s11 =	simm.s32 $0xA040;
	v0 =	vld [tilespmem:s14+$0x30]  }
0x153: {  	v1 =	vld [tilespmem:s11+$0x30]  }
0x154: {  	v2 =	vld [tilespmem:s14+$0xFFFFFFD0]  }
0x155: {  	v3 =	vld [tilespmem:s14+$0xFFFFFFE0]  }
0x156: {  	v7 =	vld [tilespmem:s14+$0xFFFFFFF0]  }
0x157: {  	v8 =	vld [tilespmem:s14+$0x0]  }
0x158: {  	v9 =	vld [tilespmem:s14+$0x10]  }
0x159: {  	v11 =	vld [tilespmem:s14+$0x20]  }
0x15a: {  	v12 =	vld [tilespmem:s14+$0xFFFFFFC0]  }
0x15b: {  	v13 =	vld [tilespmem:s11+$0xFFFFFFC0]  }
0x15c: {  	v14 =	vld [tilespmem:s11+$0xFFFFFFD0]  }
0x15d: {  	v10 =	vld [tilespmem:s11+$0xFFFFFFE0];
	v0 =	vadd.f32 v0, v0;
	v5 =	vadd.f32 v2, v2  }
0x15e: {  	v6 =	vld [tilespmem:s11+$0xFFFFFFF0];
	v4 =	vadd.f32 v3, v3;
	v3 =	vadd.f32 v7, v7  }
0x15f: {  	vm0 =	vge.f32 v1, $5.000000000e-01;
	v12 =	vadd.f32 v12, v12;
	v7 =	vld [tilespmem:s11+$0x0];
	v2 =	vadd.f32 v8, v8  }
0x160: {  	s12 =	simm.s32 $0x12040;
	v1 =	vadd.f32 v9, v9;
	v8 =	vld [tilespmem:s11+$0x10];
	v0 =	vnsel vm0, $0x0, v0;
	vm0 =	vge.f32 v13, $5.000000000e-01  }
0x161: {  	s13 =	simm.s32 $0x0;
	s14 =	simm.s32 $0x20C0;
	v9 =	vld [tilespmem:s11+$0x20];
	[tilespmem:s12+$0x30] =	vst v0;
	v0 =	vadd.f32 v11, v11;
	v11 =	vnsel vm0, $0x0, v12;
	vm0 =	vge.f32 v14, $5.000000000e-01  }
.LBB2_12:
0x162: {  	v12 =	vld [tilespmem:s14+$0x30];
	s13 =	sadd.s32 $0x80, s13;
	[tilespmem:s12+$0xFFFFFFC0] =	vst v11;
	v5 =	vnsel vm0, $0x0, v5;
	vm0 =	vge.f32 v10, $5.000000000e-01;
	s11 =	sadd.s32 $0x80, s11  }
0x163: {  	v10 =	vld [tilespmem:s11+$0x30];
	p0 =	slt.u32 s13, $0x1F80;
	[tilespmem:s12+$0xFFFFFFD0] =	vst v5;
	v4 =	vnsel vm0, $0x0, v4;
	vm0 =	vge.f32 v6, $5.000000000e-01  }
0x164: {  	v5 =	vld [tilespmem:s14+$0xFFFFFFD0];
	[tilespmem:s12+$0xFFFFFFE0] =	vst v4;
	v3 =	vnsel vm0, $0x0, v3;
	vm0 =	vge.f32 v7, $5.000000000e-01  }
0x165: {  	v4 =	vld [tilespmem:s14+$0xFFFFFFE0];
	[tilespmem:s12+$0xFFFFFFF0] =	vst v3;
	v2 =	vnsel vm0, $0x0, v2;
	vm0 =	vge.f32 v8, $5.000000000e-01  }
0x166: {  	v3 =	vld [tilespmem:s14+$0xFFFFFFF0];
	[tilespmem:s12+$0x0] =	vst v2;
	v1 =	vnsel vm0, $0x0, v1;
	vm0 =	vge.f32 v9, $5.000000000e-01  }
0x167: {  	v2 =	vld [tilespmem:s14+$0x0];
	v6 =	vadd.f32 v12, v12;
	[tilespmem:s12+$0x10] =	vst v1;
	v0 =	vnsel vm0, $0x0, v0  }
0x168: {  	v1 =	vld [tilespmem:s14+$0x10];
	vm0 =	vge.f32 v10, $5.000000000e-01;
	[tilespmem:s12+$0x20] =	vst v0  }
0x169: {  	s12 =	sadd.s32 $0x80, s12;
	v5 =	vadd.f32 v5, v5;
	v0 =	vld [tilespmem:s14+$0x20];
	v6 =	vnsel vm0, $0x0, v6  }
0x16a: {  	v7 =	vld [tilespmem:s14+$0xFFFFFFC0];
	v4 =	vadd.f32 v4, v4;
	[tilespmem:s12+$0x30] =	vst v6  }
0x16b: {  	v8 =	vld [tilespmem:s11+$0xFFFFFFC0];
	v3 =	vadd.f32 v3, v3  }
0x16c: {  	v9 =	vld [tilespmem:s11+$0xFFFFFFD0];
	v2 =	vadd.f32 v2, v2  }
.Ltmp5:
0x16d: {  	v10 =	vld [tilespmem:s11+$0xFFFFFFE0];
	v1 =	vadd.f32 v1, v1;
	(pc) =	sbr.rel @p0 .LBB2_12-.Ltmp5, $4  }
0x16e: {  	v6 =	vld [tilespmem:s11+$0xFFFFFFF0];
	v0 =	vadd.f32 v0, v0  }
0x16f: {  	v11 =	vadd.f32 v7, v7;
	v7 =	vld [tilespmem:s11+$0x0]  }
0x170: {  	vm0 =	vge.f32 v8, $5.000000000e-01;
	v8 =	vld [tilespmem:s11+$0x10]  }
0x171: {  	s14 =	sadd.s32 $0x80, s14;
	v11 =	vnsel vm0, $0x0, v11;
	vm0 =	vge.f32 v9, $5.000000000e-01;
	v9 =	vld [tilespmem:s11+$0x20]  }
0x172: {  	[tilespmem:s12+$0xFFFFFFC0] =	vst v11;
	v5 =	vnsel vm0, $0x0, v5;
	vm0 =	vge.f32 v10, $5.000000000e-01  }
0x173: {  	[tilespmem:s12+$0xFFFFFFD0] =	vst v5;
	v4 =	vnsel vm0, $0x0, v4;
	vm0 =	vge.f32 v6, $5.000000000e-01  }
0x174: {  	[tilespmem:s12+$0xFFFFFFE0] =	vst v4;
	v3 =	vnsel vm0, $0x0, v3;
	vm0 =	vge.f32 v7, $5.000000000e-01  }
0x175: {  	[tilespmem:s12+$0xFFFFFFF0] =	vst v3;
	v2 =	vnsel vm0, $0x0, v2;
	vm0 =	vge.f32 v8, $5.000000000e-01  }
0x176: {  	[tilespmem:s12+$0x0] =	vst v2;
	v1 =	vnsel vm0, $0x0, v1;
	vm0 =	vge.f32 v9, $5.000000000e-01  }
0x177: {  	[tilespmem:s12+$0x10] =	vst v1;
	v0 =	vnsel vm0, $0x0, v0  }
0x178: {  	[tilespmem:s12+$0x20] =	vst v0  }
0x179: {  	s11 =	rddreg [dreg:$0x14]  }
0x17a: {  	[hbm4b:s11+s1] =	stream.linear.scatter [tilespmem:s0], [sflag:$0x6], $0x2000, $0x38;
	[tilespmem:$0x18000] =	vst v63  }
0x17b: {  	s12 =	rddreg [dreg:$0x1c]  }
0x17c: {  	[tilespmem:s22], [sflag:$0x2] =	stream.linear.gather [hbm4b:s12+s1], $0x2000, $0x38;
	[tilespmem:$0x18000] =	vst v63  }
0x17d: {  	s13 =	rddreg [dreg:$0x1d]  }
0x17e: {  	[tilespmem:s23], [sflag:$0x2] =	stream.linear.gather [hbm4b:s13+s1], $0x2000, $0x38;
	[tilespmem:$0x18000] =	vst v63  }
0x17f: {  	_ =	swait.ge [sflag:s2], $0x2000  }
0x180: {  	[sflag:s2] =	ssyncset.done $0x0  }
0x181: {  	[sflag:s2] =	ssyncadd.s32 $0xFFFFE000  }
0x182: {  	_ =	swait.ge [sflag:s2], $0x2000  }
0x183: {  	[sflag:s2] =	ssyncset.done $0x0  }
0x184: {  	[sflag:s2] =	ssyncadd.s32 $0xFFFFE000  }
0x185: {  	_ =	swait.ge [sflag:s8], $0x2000  }
0x186: {  	[sflag:s8] =	ssyncset.done $0x0  }
0x187: {  	s14 =	simm.s32 $0x4040;
	[sflag:s8] =	ssyncadd.s32 $0xFFFFE000  }
0x188: {  	s11 =	simm.s32 $0xC040;
	v0 =	vld [tilespmem:s14+$0x30]  }
0x189: {  	v1 =	vld [tilespmem:s11+$0x30]  }
0x18a: {  	v2 =	vld [tilespmem:s14+$0xFFFFFFD0]  }
0x18b: {  	v3 =	vld [tilespmem:s14+$0xFFFFFFE0]  }
0x18c: {  	v7 =	vld [tilespmem:s14+$0xFFFFFFF0]  }
0x18d: {  	v8 =	vld [tilespmem:s14+$0x0]  }
0x18e: {  	v9 =	vld [tilespmem:s14+$0x10]  }
0x18f: {  	v11 =	vld [tilespmem:s14+$0x20]  }
0x190: {  	v12 =	vld [tilespmem:s14+$0xFFFFFFC0]  }
0x191: {  	v13 =	vld [tilespmem:s11+$0xFFFFFFC0]  }
0x192: {  	v14 =	vld [tilespmem:s11+$0xFFFFFFD0]  }
0x193: {  	v10 =	vld [tilespmem:s11+$0xFFFFFFE0];
	v0 =	vadd.f32 v0, v0;
	v5 =	vadd.f32 v2, v2  }
0x194: {  	v6 =	vld [tilespmem:s11+$0xFFFFFFF0];
	v4 =	vadd.f32 v3, v3;
	v3 =	vadd.f32 v7, v7  }
0x195: {  	vm0 =	vge.f32 v1, $5.000000000e-01;
	v12 =	vadd.f32 v12, v12;
	v7 =	vld [tilespmem:s11+$0x0];
	v2 =	vadd.f32 v8, v8  }
0x196: {  	s12 =	simm.s32 $0x14040;
	v1 =	vadd.f32 v9, v9;
	v8 =	vld [tilespmem:s11+$0x10];
	v0 =	vnsel vm0, $0x0, v0;
	vm0 =	vge.f32 v13, $5.000000000e-01  }
0x197: {  	s13 =	simm.s32 $0x0;
	s14 =	simm.s32 $0x40C0;
	v9 =	vld [tilespmem:s11+$0x20];
	[tilespmem:s12+$0x30] =	vst v0;
	v0 =	vadd.f32 v11, v11;
	v11 =	vnsel vm0, $0x0, v12;
	vm0 =	vge.f32 v14, $5.000000000e-01  }
.LBB2_14:
0x198: {  	v12 =	vld [tilespmem:s14+$0x30];
	s13 =	sadd.s32 $0x80, s13;
	[tilespmem:s12+$0xFFFFFFC0] =	vst v11;
	v5 =	vnsel vm0, $0x0, v5;
	vm0 =	vge.f32 v10, $5.000000000e-01;
	s11 =	sadd.s32 $0x80, s11  }
0x199: {  	v10 =	vld [tilespmem:s11+$0x30];
	p0 =	slt.u32 s13, $0x1F80;
	[tilespmem:s12+$0xFFFFFFD0] =	vst v5;
	v4 =	vnsel vm0, $0x0, v4;
	vm0 =	vge.f32 v6, $5.000000000e-01  }
0x19a: {  	v5 =	vld [tilespmem:s14+$0xFFFFFFD0];
	[tilespmem:s12+$0xFFFFFFE0] =	vst v4;
	v3 =	vnsel vm0, $0x0, v3;
	vm0 =	vge.f32 v7, $5.000000000e-01  }
0x19b: {  	v4 =	vld [tilespmem:s14+$0xFFFFFFE0];
	[tilespmem:s12+$0xFFFFFFF0] =	vst v3;
	v2 =	vnsel vm0, $0x0, v2;
	vm0 =	vge.f32 v8, $5.000000000e-01  }
0x19c: {  	v3 =	vld [tilespmem:s14+$0xFFFFFFF0];
	[tilespmem:s12+$0x0] =	vst v2;
	v1 =	vnsel vm0, $0x0, v1;
	vm0 =	vge.f32 v9, $5.000000000e-01  }
0x19d: {  	v2 =	vld [tilespmem:s14+$0x0];
	v6 =	vadd.f32 v12, v12;
	[tilespmem:s12+$0x10] =	vst v1;
	v0 =	vnsel vm0, $0x0, v0  }
0x19e: {  	v1 =	vld [tilespmem:s14+$0x10];
	vm0 =	vge.f32 v10, $5.000000000e-01;
	[tilespmem:s12+$0x20] =	vst v0  }
0x19f: {  	s12 =	sadd.s32 $0x80, s12;
	v5 =	vadd.f32 v5, v5;
	v0 =	vld [tilespmem:s14+$0x20];
	v6 =	vnsel vm0, $0x0, v6  }
0x1a0: {  	v7 =	vld [tilespmem:s14+$0xFFFFFFC0];
	v4 =	vadd.f32 v4, v4;
	[tilespmem:s12+$0x30] =	vst v6  }
0x1a1: {  	v8 =	vld [tilespmem:s11+$0xFFFFFFC0];
	v3 =	vadd.f32 v3, v3  }
0x1a2: {  	v9 =	vld [tilespmem:s11+$0xFFFFFFD0];
	v2 =	vadd.f32 v2, v2  }
.Ltmp6:
0x1a3: {  	v10 =	vld [tilespmem:s11+$0xFFFFFFE0];
	v1 =	vadd.f32 v1, v1;
	(pc) =	sbr.rel @p0 .LBB2_14-.Ltmp6, $4  }
0x1a4: {  	v6 =	vld [tilespmem:s11+$0xFFFFFFF0];
	v0 =	vadd.f32 v0, v0  }
0x1a5: {  	v11 =	vadd.f32 v7, v7;
	v7 =	vld [tilespmem:s11+$0x0]  }
0x1a6: {  	vm0 =	vge.f32 v8, $5.000000000e-01;
	v8 =	vld [tilespmem:s11+$0x10]  }
0x1a7: {  	s14 =	sadd.s32 $0x80, s14;
	v11 =	vnsel vm0, $0x0, v11;
	vm0 =	vge.f32 v9, $5.000000000e-01;
	v9 =	vld [tilespmem:s11+$0x20]  }
0x1a8: {  	[tilespmem:s12+$0xFFFFFFC0] =	vst v11;
	v5 =	vnsel vm0, $0x0, v5;
	vm0 =	vge.f32 v10, $5.000000000e-01  }
0x1a9: {  	[tilespmem:s12+$0xFFFFFFD0] =	vst v5;
	v4 =	vnsel vm0, $0x0, v4;
	vm0 =	vge.f32 v6, $5.000000000e-01  }
0x1aa: {  	[tilespmem:s12+$0xFFFFFFE0] =	vst v4;
	v3 =	vnsel vm0, $0x0, v3;
	vm0 =	vge.f32 v7, $5.000000000e-01  }
0x1ab: {  	[tilespmem:s12+$0xFFFFFFF0] =	vst v3;
	v2 =	vnsel vm0, $0x0, v2;
	vm0 =	vge.f32 v8, $5.000000000e-01  }
0x1ac: {  	[tilespmem:s12+$0x0] =	vst v2;
	v1 =	vnsel vm0, $0x0, v1;
	vm0 =	vge.f32 v9, $5.000000000e-01  }
0x1ad: {  	[tilespmem:s12+$0x10] =	vst v1;
	v0 =	vnsel vm0, $0x0, v0  }
0x1ae: {  	[tilespmem:s12+$0x20] =	vst v0  }
0x1af: {  	s11 =	rddreg [dreg:$0x15]  }
0x1b0: {  	s12 =	rddreg [dreg:$0x1f]  }
0x1b1: {  	[hbm4b:s11+s1] =	stream.linear.scatter [tilespmem:s3], [sflag:$0x7], $0x2000, $0x38;
	[tilespmem:$0x18000] =	vst v63  }
0x1b2: {  	s13 =	sld [smem:$0x7EF]  }
0x1b3: {  	[tilespmem:s24], [sflag:$0x3] =	stream.linear.gather [hbm4b:s12+s1], $0x2000, $0x38;
	[tilespmem:$0x18000] =	vst v63  }
0x1b4: {  	_ = 	snop  }
0x1b5: {  	[tilespmem:s25], [sflag:$0x3] =	stream.linear.gather [hbm4b:s13+s1], $0x2000, $0x38;
	[tilespmem:$0x18000] =	vst v63  }
0x1b6: {  	_ =	swait.ge [sflag:s4], $0x2000  }
0x1b7: {  	[sflag:s4] =	ssyncset.done $0x0  }
0x1b8: {  	[sflag:s4] =	ssyncadd.s32 $0xFFFFE000  }
0x1b9: {  	_ =	swait.ge [sflag:s4], $0x2000  }
0x1ba: {  	[sflag:s4] =	ssyncset.done $0x0  }
0x1bb: {  	[sflag:s4] =	ssyncadd.s32 $0xFFFFE000  }
0x1bc: {  	_ =	swait.ge [sflag:s9], $0x2000  }
0x1bd: {  	[sflag:s9] =	ssyncset.done $0x0  }
0x1be: {  	s14 =	simm.s32 $0x6040;
	[sflag:s9] =	ssyncadd.s32 $0xFFFFE000  }
0x1bf: {  	s11 =	simm.s32 $0xE040;
	v0 =	vld [tilespmem:s14+$0x30]  }
0x1c0: {  	v1 =	vld [tilespmem:s11+$0x30]  }
0x1c1: {  	v2 =	vld [tilespmem:s14+$0xFFFFFFD0]  }
0x1c2: {  	v3 =	vld [tilespmem:s14+$0xFFFFFFE0]  }
0x1c3: {  	v7 =	vld [tilespmem:s14+$0xFFFFFFF0]  }
0x1c4: {  	v8 =	vld [tilespmem:s14+$0x0]  }
0x1c5: {  	v9 =	vld [tilespmem:s14+$0x10]  }
0x1c6: {  	v11 =	vld [tilespmem:s14+$0x20]  }
0x1c7: {  	v12 =	vld [tilespmem:s14+$0xFFFFFFC0]  }
0x1c8: {  	v13 =	vld [tilespmem:s11+$0xFFFFFFC0]  }
0x1c9: {  	v14 =	vld [tilespmem:s11+$0xFFFFFFD0]  }
0x1ca: {  	v10 =	vld [tilespmem:s11+$0xFFFFFFE0];
	v0 =	vadd.f32 v0, v0;
	v5 =	vadd.f32 v2, v2  }
0x1cb: {  	v6 =	vld [tilespmem:s11+$0xFFFFFFF0];
	v4 =	vadd.f32 v3, v3;
	v3 =	vadd.f32 v7, v7  }
0x1cc: {  	vm0 =	vge.f32 v1, $5.000000000e-01;
	v12 =	vadd.f32 v12, v12;
	v7 =	vld [tilespmem:s11+$0x0];
	v2 =	vadd.f32 v8, v8  }
0x1cd: {  	s12 =	simm.s32 $0x16040;
	v1 =	vadd.f32 v9, v9;
	v8 =	vld [tilespmem:s11+$0x10];
	v0 =	vnsel vm0, $0x0, v0;
	vm0 =	vge.f32 v13, $5.000000000e-01  }
0x1ce: {  	s13 =	simm.s32 $0x0;
	s14 =	simm.s32 $0x60C0;
	v9 =	vld [tilespmem:s11+$0x20];
	[tilespmem:s12+$0x30] =	vst v0;
	v0 =	vadd.f32 v11, v11;
	v11 =	vnsel vm0, $0x0, v12;
	vm0 =	vge.f32 v14, $5.000000000e-01  }
.LBB2_16:
0x1cf: {  	v12 =	vld [tilespmem:s14+$0x30];
	s13 =	sadd.s32 $0x80, s13;
	[tilespmem:s12+$0xFFFFFFC0] =	vst v11;
	v5 =	vnsel vm0, $0x0, v5;
	vm0 =	vge.f32 v10, $5.000000000e-01;
	s11 =	sadd.s32 $0x80, s11  }
0x1d0: {  	v10 =	vld [tilespmem:s11+$0x30];
	p0 =	slt.u32 s13, $0x1F80;
	[tilespmem:s12+$0xFFFFFFD0] =	vst v5;
	v4 =	vnsel vm0, $0x0, v4;
	vm0 =	vge.f32 v6, $5.000000000e-01  }
0x1d1: {  	v5 =	vld [tilespmem:s14+$0xFFFFFFD0];
	[tilespmem:s12+$0xFFFFFFE0] =	vst v4;
	v3 =	vnsel vm0, $0x0, v3;
	vm0 =	vge.f32 v7, $5.000000000e-01  }
0x1d2: {  	v4 =	vld [tilespmem:s14+$0xFFFFFFE0];
	[tilespmem:s12+$0xFFFFFFF0] =	vst v3;
	v2 =	vnsel vm0, $0x0, v2;
	vm0 =	vge.f32 v8, $5.000000000e-01  }
0x1d3: {  	v3 =	vld [tilespmem:s14+$0xFFFFFFF0];
	[tilespmem:s12+$0x0] =	vst v2;
	v1 =	vnsel vm0, $0x0, v1;
	vm0 =	vge.f32 v9, $5.000000000e-01  }
0x1d4: {  	v2 =	vld [tilespmem:s14+$0x0];
	v6 =	vadd.f32 v12, v12;
	[tilespmem:s12+$0x10] =	vst v1;
	v0 =	vnsel vm0, $0x0, v0  }
0x1d5: {  	v1 =	vld [tilespmem:s14+$0x10];
	vm0 =	vge.f32 v10, $5.000000000e-01;
	[tilespmem:s12+$0x20] =	vst v0  }
0x1d6: {  	s12 =	sadd.s32 $0x80, s12;
	v5 =	vadd.f32 v5, v5;
	v0 =	vld [tilespmem:s14+$0x20];
	v6 =	vnsel vm0, $0x0, v6  }
0x1d7: {  	v7 =	vld [tilespmem:s14+$0xFFFFFFC0];
	v4 =	vadd.f32 v4, v4;
	[tilespmem:s12+$0x30] =	vst v6  }
0x1d8: {  	v8 =	vld [tilespmem:s11+$0xFFFFFFC0];
	v3 =	vadd.f32 v3, v3  }
0x1d9: {  	v9 =	vld [tilespmem:s11+$0xFFFFFFD0];
	v2 =	vadd.f32 v2, v2  }
.Ltmp7:
0x1da: {  	v10 =	vld [tilespmem:s11+$0xFFFFFFE0];
	v1 =	vadd.f32 v1, v1;
	(pc) =	sbr.rel @p0 .LBB2_16-.Ltmp7, $4  }
0x1db: {  	v6 =	vld [tilespmem:s11+$0xFFFFFFF0];
	v0 =	vadd.f32 v0, v0  }
0x1dc: {  	v11 =	vadd.f32 v7, v7;
	v7 =	vld [tilespmem:s11+$0x0]  }
0x1dd: {  	vm0 =	vge.f32 v8, $5.000000000e-01;
	v8 =	vld [tilespmem:s11+$0x10]  }
0x1de: {  	s14 =	sadd.s32 $0x80, s14;
	v11 =	vnsel vm0, $0x0, v11;
	vm0 =	vge.f32 v9, $5.000000000e-01;
	v9 =	vld [tilespmem:s11+$0x20]  }
0x1df: {  	[tilespmem:s12+$0xFFFFFFC0] =	vst v11;
	v5 =	vnsel vm0, $0x0, v5;
	vm0 =	vge.f32 v10, $5.000000000e-01  }
0x1e0: {  	[tilespmem:s12+$0xFFFFFFD0] =	vst v5;
	v4 =	vnsel vm0, $0x0, v4;
	vm0 =	vge.f32 v6, $5.000000000e-01  }
0x1e1: {  	[tilespmem:s12+$0xFFFFFFE0] =	vst v4;
	v3 =	vnsel vm0, $0x0, v3;
	vm0 =	vge.f32 v7, $5.000000000e-01  }
0x1e2: {  	[tilespmem:s12+$0xFFFFFFF0] =	vst v3;
	v2 =	vnsel vm0, $0x0, v2;
	vm0 =	vge.f32 v8, $5.000000000e-01  }
0x1e3: {  	[tilespmem:s12+$0x0] =	vst v2;
	v1 =	vnsel vm0, $0x0, v1;
	vm0 =	vge.f32 v9, $5.000000000e-01  }
0x1e4: {  	[tilespmem:s12+$0x10] =	vst v1;
	v0 =	vnsel vm0, $0x0, v0  }
0x1e5: {  	[tilespmem:s12+$0x20] =	vst v0  }
0x1e6: {  	s11 =	rddreg [dreg:$0x18]  }
0x1e7: {  	s12 =	sld [smem:$0x7F1]  }
0x1e8: {  	[hbm4b:s11+s1] =	stream.linear.scatter [tilespmem:s5], [sflag:$0x8], $0x2000, $0x38;
	[tilespmem:$0x18000] =	vst v63  }
0x1e9: {  	s13 =	sld [smem:$0x7F2]  }
0x1ea: {  	[tilespmem:s26], [sflag:$0x4] =	stream.linear.gather [hbm4b:s12+s1], $0x2000, $0x38;
	[tilespmem:$0x18000] =	vst v63  }
0x1eb: {  	_ = 	snop  }
0x1ec: {  	[tilespmem:s28], [sflag:$0x4] =	stream.linear.gather [hbm4b:s13+s1], $0x2000, $0x38;
	[tilespmem:$0x18000] =	vst v63  }
0x1ed: {  	_ =	swait.ge [sflag:s29], $0x2000  }
0x1ee: {  	[sflag:s29] =	ssyncset.done $0x0  }
0x1ef: {  	[sflag:s29] =	ssyncadd.s32 $0xFFFFE000  }
0x1f0: {  	_ =	swait.ge [sflag:s29], $0x2000  }
0x1f1: {  	[sflag:s29] =	ssyncset.done $0x0  }
0x1f2: {  	[sflag:s29] =	ssyncadd.s32 $0xFFFFE000  }
0x1f3: {  	_ =	swait.ge [sflag:s6], $0x2000  }
0x1f4: {  	[sflag:s6] =	ssyncset.done $0x0  }
0x1f5: {  	s14 =	simm.s32 $0x40;
	[sflag:s6] =	ssyncadd.s32 $0xFFFFE000  }
0x1f6: {  	s11 =	simm.s32 $0x8040;
	v0 =	vld [tilespmem:s14+$0x30]  }
0x1f7: {  	v1 =	vld [tilespmem:s11+$0x30]  }
0x1f8: {  	v2 =	vld [tilespmem:s14+$0xFFFFFFD0]  }
0x1f9: {  	v3 =	vld [tilespmem:s14+$0xFFFFFFE0]  }
0x1fa: {  	v7 =	vld [tilespmem:s14+$0xFFFFFFF0]  }
0x1fb: {  	v8 =	vld [tilespmem:s14+$0x0]  }
0x1fc: {  	v9 =	vld [tilespmem:s14+$0x10]  }
0x1fd: {  	v11 =	vld [tilespmem:s14+$0x20]  }
0x1fe: {  	v12 =	vld [tilespmem:s14+$0xFFFFFFC0]  }
0x1ff: {  	v13 =	vld [tilespmem:s11+$0xFFFFFFC0]  }
0x200: {  	v14 =	vld [tilespmem:s11+$0xFFFFFFD0]  }
0x201: {  	v10 =	vld [tilespmem:s11+$0xFFFFFFE0];
	v0 =	vadd.f32 v0, v0;
	v5 =	vadd.f32 v2, v2  }
0x202: {  	v6 =	vld [tilespmem:s11+$0xFFFFFFF0];
	v4 =	vadd.f32 v3, v3;
	v3 =	vadd.f32 v7, v7  }
0x203: {  	vm0 =	vge.f32 v1, $5.000000000e-01;
	v12 =	vadd.f32 v12, v12;
	v7 =	vld [tilespmem:s11+$0x0];
	v2 =	vadd.f32 v8, v8  }
0x204: {  	s12 =	simm.s32 $0x10040;
	v1 =	vadd.f32 v9, v9;
	v8 =	vld [tilespmem:s11+$0x10];
	v0 =	vnsel vm0, $0x0, v0;
	vm0 =	vge.f32 v13, $5.000000000e-01  }
0x205: {  	s13 =	simm.s32 $0x0;
	s14 =	simm.s32 $0xC0;
	v9 =	vld [tilespmem:s11+$0x20];
	[tilespmem:s12+$0x30] =	vst v0;
	v0 =	vadd.f32 v11, v11;
	v11 =	vnsel vm0, $0x0, v12;
	vm0 =	vge.f32 v14, $5.000000000e-01  }
.LBB2_18:
0x206: {  	v12 =	vld [tilespmem:s14+$0x30];
	s13 =	sadd.s32 $0x80, s13;
	[tilespmem:s12+$0xFFFFFFC0] =	vst v11;
	v5 =	vnsel vm0, $0x0, v5;
	vm0 =	vge.f32 v10, $5.000000000e-01;
	s11 =	sadd.s32 $0x80, s11  }
0x207: {  	v10 =	vld [tilespmem:s11+$0x30];
	p0 =	slt.u32 s13, $0x1F80;
	[tilespmem:s12+$0xFFFFFFD0] =	vst v5;
	v4 =	vnsel vm0, $0x0, v4;
	vm0 =	vge.f32 v6, $5.000000000e-01  }
0x208: {  	v5 =	vld [tilespmem:s14+$0xFFFFFFD0];
	[tilespmem:s12+$0xFFFFFFE0] =	vst v4;
	v3 =	vnsel vm0, $0x0, v3;
	vm0 =	vge.f32 v7, $5.000000000e-01  }
0x209: {  	v4 =	vld [tilespmem:s14+$0xFFFFFFE0];
	[tilespmem:s12+$0xFFFFFFF0] =	vst v3;
	v2 =	vnsel vm0, $0x0, v2;
	vm0 =	vge.f32 v8, $5.000000000e-01  }
0x20a: {  	v3 =	vld [tilespmem:s14+$0xFFFFFFF0];
	[tilespmem:s12+$0x0] =	vst v2;
	v1 =	vnsel vm0, $0x0, v1;
	vm0 =	vge.f32 v9, $5.000000000e-01  }
0x20b: {  	v2 =	vld [tilespmem:s14+$0x0];
	v6 =	vadd.f32 v12, v12;
	[tilespmem:s12+$0x10] =	vst v1;
	v0 =	vnsel vm0, $0x0, v0  }
0x20c: {  	v1 =	vld [tilespmem:s14+$0x10];
	vm0 =	vge.f32 v10, $5.000000000e-01;
	[tilespmem:s12+$0x20] =	vst v0  }
0x20d: {  	s12 =	sadd.s32 $0x80, s12;
	v5 =	vadd.f32 v5, v5;
	v0 =	vld [tilespmem:s14+$0x20];
	v6 =	vnsel vm0, $0x0, v6  }
0x20e: {  	v7 =	vld [tilespmem:s14+$0xFFFFFFC0];
	v4 =	vadd.f32 v4, v4;
	[tilespmem:s12+$0x30] =	vst v6  }
0x20f: {  	v8 =	vld [tilespmem:s11+$0xFFFFFFC0];
	v3 =	vadd.f32 v3, v3  }
0x210: {  	v9 =	vld [tilespmem:s11+$0xFFFFFFD0];
	v2 =	vadd.f32 v2, v2  }
.Ltmp8:
0x211: {  	v10 =	vld [tilespmem:s11+$0xFFFFFFE0];
	v1 =	vadd.f32 v1, v1;
	(pc) =	sbr.rel @p0 .LBB2_18-.Ltmp8, $4  }
0x212: {  	v6 =	vld [tilespmem:s11+$0xFFFFFFF0];
	v0 =	vadd.f32 v0, v0  }
0x213: {  	v11 =	vadd.f32 v7, v7;
	v7 =	vld [tilespmem:s11+$0x0]  }
0x214: {  	vm0 =	vge.f32 v8, $5.000000000e-01;
	v8 =	vld [tilespmem:s11+$0x10]  }
0x215: {  	s14 =	sadd.s32 $0x80, s14;
	v11 =	vnsel vm0, $0x0, v11;
	vm0 =	vge.f32 v9, $5.000000000e-01;
	v9 =	vld [tilespmem:s11+$0x20]  }
0x216: {  	[tilespmem:s12+$0xFFFFFFC0] =	vst v11;
	v5 =	vnsel vm0, $0x0, v5;
	vm0 =	vge.f32 v10, $5.000000000e-01  }
0x217: {  	[tilespmem:s12+$0xFFFFFFD0] =	vst v5;
	v4 =	vnsel vm0, $0x0, v4;
	vm0 =	vge.f32 v6, $5.000000000e-01  }
0x218: {  	[tilespmem:s12+$0xFFFFFFE0] =	vst v4;
	v3 =	vnsel vm0, $0x0, v3;
	vm0 =	vge.f32 v7, $5.000000000e-01  }
0x219: {  	[tilespmem:s12+$0xFFFFFFF0] =	vst v3;
	v2 =	vnsel vm0, $0x0, v2;
	vm0 =	vge.f32 v8, $5.000000000e-01  }
0x21a: {  	[tilespmem:s12+$0x0] =	vst v2;
	v1 =	vnsel vm0, $0x0, v1;
	vm0 =	vge.f32 v9, $5.000000000e-01  }
0x21b: {  	[tilespmem:s12+$0x10] =	vst v1;
	v0 =	vnsel vm0, $0x0, v0  }
0x21c: {  	[tilespmem:s12+$0x20] =	vst v0  }
0x21d: {  	s11 =	rddreg [dreg:$0x1b]  }
0x21e: {  	s12 =	sld [smem:$0x7F7]  }
0x21f: {  	[hbm4b:s11+s1] =	stream.linear.scatter [tilespmem:s30], [sflag:$0x5], $0x2000, $0x38;
	[tilespmem:$0x18000] =	vst v63  }
0x220: {  	s13 =	sld [smem:$0x7FB]  }
0x221: {  	[tilespmem:s1], [sflag:$0x1] =	stream.linear.gather [hbm4b:s12+s1], $0x2000, $0x38;
	[tilespmem:$0x18000] =	vst v63  }
0x222: {  	_ = 	snop  }
0x223: {  	[tilespmem:s21], [sflag:$0x1] =	stream.linear.gather [hbm4b:s13+s1], $0x2000, $0x38;
	[tilespmem:$0x18000] =	vst v63  }
0x224: {  	_ =	swait.ge [sflag:s31], $0x2000  }
0x225: {  	[sflag:s31] =	ssyncset.done $0x0  }
0x226: {  	[sflag:s31] =	ssyncadd.s32 $0xFFFFE000  }
0x227: {  	_ =	swait.ge [sflag:s31], $0x2000  }
0x228: {  	[sflag:s31] =	ssyncset.done $0x0  }
0x229: {  	[sflag:s31] =	ssyncadd.s32 $0xFFFFE000  }
0x22a: {  	_ =	swait.ge [sflag:s7], $0x2000  }
0x22b: {  	[sflag:s7] =	ssyncset.done $0x0  }
0x22c: {  	s14 =	simm.s32 $0x2040;
	[sflag:s7] =	ssyncadd.s32 $0xFFFFE000  }
0x22d: {  	s11 =	simm.s32 $0xA040;
	v0 =	vld [tilespmem:s14+$0x30]  }
0x22e: {  	v1 =	vld [tilespmem:s11+$0x30]  }
0x22f: {  	v2 =	vld [tilespmem:s14+$0xFFFFFFD0]  }
0x230: {  	v3 =	vld [tilespmem:s14+$0xFFFFFFE0]  }
0x231: {  	v7 =	vld [tilespmem:s14+$0xFFFFFFF0]  }
0x232: {  	v8 =	vld [tilespmem:s14+$0x0]  }
0x233: {  	v9 =	vld [tilespmem:s14+$0x10]  }
0x234: {  	v11 =	vld [tilespmem:s14+$0x20]  }
0x235: {  	v12 =	vld [tilespmem:s14+$0xFFFFFFC0]  }
0x236: {  	v13 =	vld [tilespmem:s11+$0xFFFFFFC0]  }
0x237: {  	v14 =	vld [tilespmem:s11+$0xFFFFFFD0]  }
0x238: {  	v10 =	vld [tilespmem:s11+$0xFFFFFFE0];
	v0 =	vadd.f32 v0, v0;
	v5 =	vadd.f32 v2, v2  }
0x239: {  	v6 =	vld [tilespmem:s11+$0xFFFFFFF0];
	v4 =	vadd.f32 v3, v3;
	v3 =	vadd.f32 v7, v7  }
0x23a: {  	vm0 =	vge.f32 v1, $5.000000000e-01;
	v12 =	vadd.f32 v12, v12;
	v7 =	vld [tilespmem:s11+$0x0];
	v2 =	vadd.f32 v8, v8  }
0x23b: {  	s12 =	simm.s32 $0x12040;
	v1 =	vadd.f32 v9, v9;
	v8 =	vld [tilespmem:s11+$0x10];
	v0 =	vnsel vm0, $0x0, v0;
	vm0 =	vge.f32 v13, $5.000000000e-01  }
0x23c: {  	s13 =	simm.s32 $0x0;
	s14 =	simm.s32 $0x20C0;
	v9 =	vld [tilespmem:s11+$0x20];
	[tilespmem:s12+$0x30] =	vst v0;
	v0 =	vadd.f32 v11, v11;
	v11 =	vnsel vm0, $0x0, v12;
	vm0 =	vge.f32 v14, $5.000000000e-01  }
.LBB2_20:
0x23d: {  	v12 =	vld [tilespmem:s14+$0x30];
	s13 =	sadd.s32 $0x80, s13;
	[tilespmem:s12+$0xFFFFFFC0] =	vst v11;
	v5 =	vnsel vm0, $0x0, v5;
	vm0 =	vge.f32 v10, $5.000000000e-01;
	s11 =	sadd.s32 $0x80, s11  }
0x23e: {  	v10 =	vld [tilespmem:s11+$0x30];
	p0 =	slt.u32 s13, $0x1F80;
	[tilespmem:s12+$0xFFFFFFD0] =	vst v5;
	v4 =	vnsel vm0, $0x0, v4;
	vm0 =	vge.f32 v6, $5.000000000e-01  }
0x23f: {  	v5 =	vld [tilespmem:s14+$0xFFFFFFD0];
	[tilespmem:s12+$0xFFFFFFE0] =	vst v4;
	v3 =	vnsel vm0, $0x0, v3;
	vm0 =	vge.f32 v7, $5.000000000e-01  }
0x240: {  	v4 =	vld [tilespmem:s14+$0xFFFFFFE0];
	[tilespmem:s12+$0xFFFFFFF0] =	vst v3;
	v2 =	vnsel vm0, $0x0, v2;
	vm0 =	vge.f32 v8, $5.000000000e-01  }
0x241: {  	v3 =	vld [tilespmem:s14+$0xFFFFFFF0];
	[tilespmem:s12+$0x0] =	vst v2;
	v1 =	vnsel vm0, $0x0, v1;
	vm0 =	vge.f32 v9, $5.000000000e-01  }
0x242: {  	v2 =	vld [tilespmem:s14+$0x0];
	v6 =	vadd.f32 v12, v12;
	[tilespmem:s12+$0x10] =	vst v1;
	v0 =	vnsel vm0, $0x0, v0  }
0x243: {  	v1 =	vld [tilespmem:s14+$0x10];
	vm0 =	vge.f32 v10, $5.000000000e-01;
	[tilespmem:s12+$0x20] =	vst v0  }
0x244: {  	s12 =	sadd.s32 $0x80, s12;
	v5 =	vadd.f32 v5, v5;
	v0 =	vld [tilespmem:s14+$0x20];
	v6 =	vnsel vm0, $0x0, v6  }
0x245: {  	v7 =	vld [tilespmem:s14+$0xFFFFFFC0];
	v4 =	vadd.f32 v4, v4;
	[tilespmem:s12+$0x30] =	vst v6  }
0x246: {  	v8 =	vld [tilespmem:s11+$0xFFFFFFC0];
	v3 =	vadd.f32 v3, v3  }
0x247: {  	v9 =	vld [tilespmem:s11+$0xFFFFFFD0];
	v2 =	vadd.f32 v2, v2  }
.Ltmp9:
0x248: {  	v10 =	vld [tilespmem:s11+$0xFFFFFFE0];
	v1 =	vadd.f32 v1, v1;
	(pc) =	sbr.rel @p0 .LBB2_20-.Ltmp9, $4  }
0x249: {  	v6 =	vld [tilespmem:s11+$0xFFFFFFF0];
	v0 =	vadd.f32 v0, v0  }
0x24a: {  	v11 =	vadd.f32 v7, v7;
	v7 =	vld [tilespmem:s11+$0x0]  }
0x24b: {  	vm0 =	vge.f32 v8, $5.000000000e-01;
	v8 =	vld [tilespmem:s11+$0x10]  }
0x24c: {  	s14 =	sadd.s32 $0x80, s14;
	v11 =	vnsel vm0, $0x0, v11;
	vm0 =	vge.f32 v9, $5.000000000e-01;
	v9 =	vld [tilespmem:s11+$0x20]  }
0x24d: {  	[tilespmem:s12+$0xFFFFFFC0] =	vst v11;
	v5 =	vnsel vm0, $0x0, v5;
	vm0 =	vge.f32 v10, $5.000000000e-01  }
0x24e: {  	[tilespmem:s12+$0xFFFFFFD0] =	vst v5;
	v4 =	vnsel vm0, $0x0, v4;
	vm0 =	vge.f32 v6, $5.000000000e-01  }
0x24f: {  	[tilespmem:s12+$0xFFFFFFE0] =	vst v4;
	v3 =	vnsel vm0, $0x0, v3;
	vm0 =	vge.f32 v7, $5.000000000e-01  }
0x250: {  	[tilespmem:s12+$0xFFFFFFF0] =	vst v3;
	v2 =	vnsel vm0, $0x0, v2;
	vm0 =	vge.f32 v8, $5.000000000e-01  }
0x251: {  	[tilespmem:s12+$0x0] =	vst v2;
	v1 =	vnsel vm0, $0x0, v1;
	vm0 =	vge.f32 v9, $5.000000000e-01  }
0x252: {  	[tilespmem:s12+$0x10] =	vst v1;
	v0 =	vnsel vm0, $0x0, v0  }
0x253: {  	[tilespmem:s12+$0x20] =	vst v0  }
0x254: {  	s11 =	rddreg [dreg:$0x1e]  }
0x255: {  	s12 =	sld [smem:$0x7F8]  }
0x256: {  	[hbm4b:s11+s1] =	stream.linear.scatter [tilespmem:s0], [sflag:$0x6], $0x2000, $0x38;
	[tilespmem:$0x18000] =	vst v63  }
0x257: {  	s13 =	sld [smem:$0x7FC]  }
0x258: {  	[tilespmem:s22], [sflag:$0x2] =	stream.linear.gather [hbm4b:s12+s1], $0x2000, $0x38;
	[tilespmem:$0x18000] =	vst v63  }
0x259: {  	_ = 	snop  }
0x25a: {  	[tilespmem:s23], [sflag:$0x2] =	stream.linear.gather [hbm4b:s13+s1], $0x2000, $0x38;
	[tilespmem:$0x18000] =	vst v63  }
0x25b: {  	_ =	swait.ge [sflag:s2], $0x2000  }
0x25c: {  	[sflag:s2] =	ssyncset.done $0x0  }
0x25d: {  	[sflag:s2] =	ssyncadd.s32 $0xFFFFE000  }
0x25e: {  	_ =	swait.ge [sflag:s2], $0x2000  }
0x25f: {  	[sflag:s2] =	ssyncset.done $0x0  }
0x260: {  	[sflag:s2] =	ssyncadd.s32 $0xFFFFE000  }
0x261: {  	_ =	swait.ge [sflag:s8], $0x2000  }
0x262: {  	[sflag:s8] =	ssyncset.done $0x0  }
0x263: {  	s14 =	simm.s32 $0x4040;
	[sflag:s8] =	ssyncadd.s32 $0xFFFFE000  }
0x264: {  	s11 =	simm.s32 $0xC040;
	v0 =	vld [tilespmem:s14+$0x30]  }
0x265: {  	v1 =	vld [tilespmem:s11+$0x30]  }
0x266: {  	v2 =	vld [tilespmem:s14+$0xFFFFFFD0]  }
0x267: {  	v3 =	vld [tilespmem:s14+$0xFFFFFFE0]  }
0x268: {  	v7 =	vld [tilespmem:s14+$0xFFFFFFF0]  }
0x269: {  	v8 =	vld [tilespmem:s14+$0x0]  }
0x26a: {  	v9 =	vld [tilespmem:s14+$0x10]  }
0x26b: {  	v11 =	vld [tilespmem:s14+$0x20]  }
0x26c: {  	v12 =	vld [tilespmem:s14+$0xFFFFFFC0]  }
0x26d: {  	v13 =	vld [tilespmem:s11+$0xFFFFFFC0]  }
0x26e: {  	v14 =	vld [tilespmem:s11+$0xFFFFFFD0]  }
0x26f: {  	v10 =	vld [tilespmem:s11+$0xFFFFFFE0];
	v0 =	vadd.f32 v0, v0;
	v5 =	vadd.f32 v2, v2  }
0x270: {  	v6 =	vld [tilespmem:s11+$0xFFFFFFF0];
	v4 =	vadd.f32 v3, v3;
	v3 =	vadd.f32 v7, v7  }
0x271: {  	vm0 =	vge.f32 v1, $5.000000000e-01;
	v12 =	vadd.f32 v12, v12;
	v7 =	vld [tilespmem:s11+$0x0];
	v2 =	vadd.f32 v8, v8  }
0x272: {  	s12 =	simm.s32 $0x14040;
	v1 =	vadd.f32 v9, v9;
	v8 =	vld [tilespmem:s11+$0x10];
	v0 =	vnsel vm0, $0x0, v0;
	vm0 =	vge.f32 v13, $5.000000000e-01  }
0x273: {  	s13 =	simm.s32 $0x0;
	s14 =	simm.s32 $0x40C0;
	v9 =	vld [tilespmem:s11+$0x20];
	[tilespmem:s12+$0x30] =	vst v0;
	v0 =	vadd.f32 v11, v11;
	v11 =	vnsel vm0, $0x0, v12;
	vm0 =	vge.f32 v14, $5.000000000e-01  }
.LBB2_22:
0x274: {  	v12 =	vld [tilespmem:s14+$0x30];
	s13 =	sadd.s32 $0x80, s13;
	[tilespmem:s12+$0xFFFFFFC0] =	vst v11;
	v5 =	vnsel vm0, $0x0, v5;
	vm0 =	vge.f32 v10, $5.000000000e-01;
	s11 =	sadd.s32 $0x80, s11  }
0x275: {  	v10 =	vld [tilespmem:s11+$0x30];
	p0 =	slt.u32 s13, $0x1F80;
	[tilespmem:s12+$0xFFFFFFD0] =	vst v5;
	v4 =	vnsel vm0, $0x0, v4;
	vm0 =	vge.f32 v6, $5.000000000e-01  }
0x276: {  	v5 =	vld [tilespmem:s14+$0xFFFFFFD0];
	[tilespmem:s12+$0xFFFFFFE0] =	vst v4;
	v3 =	vnsel vm0, $0x0, v3;
	vm0 =	vge.f32 v7, $5.000000000e-01  }
0x277: {  	v4 =	vld [tilespmem:s14+$0xFFFFFFE0];
	[tilespmem:s12+$0xFFFFFFF0] =	vst v3;
	v2 =	vnsel vm0, $0x0, v2;
	vm0 =	vge.f32 v8, $5.000000000e-01  }
0x278: {  	v3 =	vld [tilespmem:s14+$0xFFFFFFF0];
	[tilespmem:s12+$0x0] =	vst v2;
	v1 =	vnsel vm0, $0x0, v1;
	vm0 =	vge.f32 v9, $5.000000000e-01  }
0x279: {  	v2 =	vld [tilespmem:s14+$0x0];
	v6 =	vadd.f32 v12, v12;
	[tilespmem:s12+$0x10] =	vst v1;
	v0 =	vnsel vm0, $0x0, v0  }
0x27a: {  	v1 =	vld [tilespmem:s14+$0x10];
	vm0 =	vge.f32 v10, $5.000000000e-01;
	[tilespmem:s12+$0x20] =	vst v0  }
0x27b: {  	s12 =	sadd.s32 $0x80, s12;
	v5 =	vadd.f32 v5, v5;
	v0 =	vld [tilespmem:s14+$0x20];
	v6 =	vnsel vm0, $0x0, v6  }
0x27c: {  	v7 =	vld [tilespmem:s14+$0xFFFFFFC0];
	v4 =	vadd.f32 v4, v4;
	[tilespmem:s12+$0x30] =	vst v6  }
0x27d: {  	v8 =	vld [tilespmem:s11+$0xFFFFFFC0];
	v3 =	vadd.f32 v3, v3  }
0x27e: {  	v9 =	vld [tilespmem:s11+$0xFFFFFFD0];
	v2 =	vadd.f32 v2, v2  }
.Ltmp10:
0x27f: {  	v10 =	vld [tilespmem:s11+$0xFFFFFFE0];
	v1 =	vadd.f32 v1, v1;
	(pc) =	sbr.rel @p0 .LBB2_22-.Ltmp10, $4  }
0x280: {  	v6 =	vld [tilespmem:s11+$0xFFFFFFF0];
	v0 =	vadd.f32 v0, v0  }
0x281: {  	v11 =	vadd.f32 v7, v7;
	v7 =	vld [tilespmem:s11+$0x0]  }
0x282: {  	vm0 =	vge.f32 v8, $5.000000000e-01;
	v8 =	vld [tilespmem:s11+$0x10]  }
0x283: {  	s14 =	sadd.s32 $0x80, s14;
	v11 =	vnsel vm0, $0x0, v11;
	vm0 =	vge.f32 v9, $5.000000000e-01;
	v9 =	vld [tilespmem:s11+$0x20]  }
0x284: {  	[tilespmem:s12+$0xFFFFFFC0] =	vst v11;
	v5 =	vnsel vm0, $0x0, v5;
	vm0 =	vge.f32 v10, $5.000000000e-01  }
0x285: {  	[tilespmem:s12+$0xFFFFFFD0] =	vst v5;
	v4 =	vnsel vm0, $0x0, v4;
	vm0 =	vge.f32 v6, $5.000000000e-01  }
0x286: {  	[tilespmem:s12+$0xFFFFFFE0] =	vst v4;
	v3 =	vnsel vm0, $0x0, v3;
	vm0 =	vge.f32 v7, $5.000000000e-01  }
0x287: {  	[tilespmem:s12+$0xFFFFFFF0] =	vst v3;
	v2 =	vnsel vm0, $0x0, v2;
	vm0 =	vge.f32 v8, $5.000000000e-01  }
0x288: {  	[tilespmem:s12+$0x0] =	vst v2;
	v1 =	vnsel vm0, $0x0, v1;
	vm0 =	vge.f32 v9, $5.000000000e-01  }
0x289: {  	[tilespmem:s12+$0x10] =	vst v1;
	v0 =	vnsel vm0, $0x0, v0  }
0x28a: {  	[tilespmem:s12+$0x20] =	vst v0  }
0x28b: {  	s11 =	sld [smem:$0x7F0];
	_ =	sdelay $0x1  }
0x28c: {  	s12 =	sld [smem:$0x7F9]  }
0x28d: {  	[hbm4b:s11+s1] =	stream.linear.scatter [tilespmem:s3], [sflag:$0x7], $0x2000, $0x38;
	[tilespmem:$0x18000] =	vst v63  }
0x28e: {  	s13 =	sld [smem:$0x7FD]  }
0x28f: {  	[tilespmem:s24], [sflag:$0x3] =	stream.linear.gather [hbm4b:s12+s1], $0x2000, $0x38;
	[tilespmem:$0x18000] =	vst v63  }
0x290: {  	_ = 	snop  }
0x291: {  	[tilespmem:s25], [sflag:$0x3] =	stream.linear.gather [hbm4b:s13+s1], $0x2000, $0x38;
	[tilespmem:$0x18000] =	vst v63  }
0x292: {  	_ =	swait.ge [sflag:s4], $0x2000  }
0x293: {  	[sflag:s4] =	ssyncset.done $0x0  }
0x294: {  	[sflag:s4] =	ssyncadd.s32 $0xFFFFE000  }
0x295: {  	_ =	swait.ge [sflag:s4], $0x2000  }
0x296: {  	[sflag:s4] =	ssyncset.done $0x0  }
0x297: {  	[sflag:s4] =	ssyncadd.s32 $0xFFFFE000  }
0x298: {  	_ =	swait.ge [sflag:s9], $0x2000  }
0x299: {  	[sflag:s9] =	ssyncset.done $0x0  }
0x29a: {  	s14 =	simm.s32 $0x6040;
	[sflag:s9] =	ssyncadd.s32 $0xFFFFE000  }
0x29b: {  	s11 =	simm.s32 $0xE040;
	v0 =	vld [tilespmem:s14+$0x30]  }
0x29c: {  	v1 =	vld [tilespmem:s11+$0x30]  }
0x29d: {  	v2 =	vld [tilespmem:s14+$0xFFFFFFD0]  }
0x29e: {  	v3 =	vld [tilespmem:s14+$0xFFFFFFE0]  }
0x29f: {  	v7 =	vld [tilespmem:s14+$0xFFFFFFF0]  }
0x2a0: {  	v8 =	vld [tilespmem:s14+$0x0]  }
0x2a1: {  	v9 =	vld [tilespmem:s14+$0x10]  }
0x2a2: {  	v11 =	vld [tilespmem:s14+$0x20]  }
0x2a3: {  	v12 =	vld [tilespmem:s14+$0xFFFFFFC0]  }
0x2a4: {  	v13 =	vld [tilespmem:s11+$0xFFFFFFC0]  }
0x2a5: {  	v14 =	vld [tilespmem:s11+$0xFFFFFFD0]  }
0x2a6: {  	v10 =	vld [tilespmem:s11+$0xFFFFFFE0];
	v0 =	vadd.f32 v0, v0;
	v5 =	vadd.f32 v2, v2  }
0x2a7: {  	v6 =	vld [tilespmem:s11+$0xFFFFFFF0];
	v4 =	vadd.f32 v3, v3;
	v3 =	vadd.f32 v7, v7  }
0x2a8: {  	vm0 =	vge.f32 v1, $5.000000000e-01;
	v12 =	vadd.f32 v12, v12;
	v7 =	vld [tilespmem:s11+$0x0];
	v2 =	vadd.f32 v8, v8  }
0x2a9: {  	s12 =	simm.s32 $0x16040;
	v1 =	vadd.f32 v9, v9;
	v8 =	vld [tilespmem:s11+$0x10];
	v0 =	vnsel vm0, $0x0, v0;
	vm0 =	vge.f32 v13, $5.000000000e-01  }
0x2aa: {  	s13 =	simm.s32 $0x0;
	s14 =	simm.s32 $0x60C0;
	v9 =	vld [tilespmem:s11+$0x20];
	[tilespmem:s12+$0x30] =	vst v0;
	v0 =	vadd.f32 v11, v11;
	v11 =	vnsel vm0, $0x0, v12;
	vm0 =	vge.f32 v14, $5.000000000e-01  }
.LBB2_24:
0x2ab: {  	v12 =	vld [tilespmem:s14+$0x30];
	s13 =	sadd.s32 $0x80, s13;
	[tilespmem:s12+$0xFFFFFFC0] =	vst v11;
	v5 =	vnsel vm0, $0x0, v5;
	vm0 =	vge.f32 v10, $5.000000000e-01;
	s11 =	sadd.s32 $0x80, s11  }
0x2ac: {  	v10 =	vld [tilespmem:s11+$0x30];
	p0 =	slt.u32 s13, $0x1F80;
	[tilespmem:s12+$0xFFFFFFD0] =	vst v5;
	v4 =	vnsel vm0, $0x0, v4;
	vm0 =	vge.f32 v6, $5.000000000e-01  }
0x2ad: {  	v5 =	vld [tilespmem:s14+$0xFFFFFFD0];
	[tilespmem:s12+$0xFFFFFFE0] =	vst v4;
	v3 =	vnsel vm0, $0x0, v3;
	vm0 =	vge.f32 v7, $5.000000000e-01  }
0x2ae: {  	v4 =	vld [tilespmem:s14+$0xFFFFFFE0];
	[tilespmem:s12+$0xFFFFFFF0] =	vst v3;
	v2 =	vnsel vm0, $0x0, v2;
	vm0 =	vge.f32 v8, $5.000000000e-01  }
0x2af: {  	v3 =	vld [tilespmem:s14+$0xFFFFFFF0];
	[tilespmem:s12+$0x0] =	vst v2;
	v1 =	vnsel vm0, $0x0, v1;
	vm0 =	vge.f32 v9, $5.000000000e-01  }
0x2b0: {  	v2 =	vld [tilespmem:s14+$0x0];
	v6 =	vadd.f32 v12, v12;
	[tilespmem:s12+$0x10] =	vst v1;
	v0 =	vnsel vm0, $0x0, v0  }
0x2b1: {  	v1 =	vld [tilespmem:s14+$0x10];
	vm0 =	vge.f32 v10, $5.000000000e-01;
	[tilespmem:s12+$0x20] =	vst v0  }
0x2b2: {  	s12 =	sadd.s32 $0x80, s12;
	v5 =	vadd.f32 v5, v5;
	v0 =	vld [tilespmem:s14+$0x20];
	v6 =	vnsel vm0, $0x0, v6  }
0x2b3: {  	v7 =	vld [tilespmem:s14+$0xFFFFFFC0];
	v4 =	vadd.f32 v4, v4;
	[tilespmem:s12+$0x30] =	vst v6  }
0x2b4: {  	v8 =	vld [tilespmem:s11+$0xFFFFFFC0];
	v3 =	vadd.f32 v3, v3  }
0x2b5: {  	v9 =	vld [tilespmem:s11+$0xFFFFFFD0];
	v2 =	vadd.f32 v2, v2  }
.Ltmp11:
0x2b6: {  	v10 =	vld [tilespmem:s11+$0xFFFFFFE0];
	v1 =	vadd.f32 v1, v1;
	(pc) =	sbr.rel @p0 .LBB2_24-.Ltmp11, $4  }
0x2b7: {  	v6 =	vld [tilespmem:s11+$0xFFFFFFF0];
	v0 =	vadd.f32 v0, v0  }
0x2b8: {  	v11 =	vadd.f32 v7, v7;
	v7 =	vld [tilespmem:s11+$0x0]  }
0x2b9: {  	vm0 =	vge.f32 v8, $5.000000000e-01;
	v8 =	vld [tilespmem:s11+$0x10]  }
0x2ba: {  	s14 =	sadd.s32 $0x80, s14;
	v11 =	vnsel vm0, $0x0, v11;
	vm0 =	vge.f32 v9, $5.000000000e-01;
	v9 =	vld [tilespmem:s11+$0x20]  }
0x2bb: {  	[tilespmem:s12+$0xFFFFFFC0] =	vst v11;
	v5 =	vnsel vm0, $0x0, v5;
	vm0 =	vge.f32 v10, $5.000000000e-01  }
0x2bc: {  	[tilespmem:s12+$0xFFFFFFD0] =	vst v5;
	v4 =	vnsel vm0, $0x0, v4;
	vm0 =	vge.f32 v6, $5.000000000e-01  }
0x2bd: {  	[tilespmem:s12+$0xFFFFFFE0] =	vst v4;
	v3 =	vnsel vm0, $0x0, v3;
	vm0 =	vge.f32 v7, $5.000000000e-01  }
0x2be: {  	[tilespmem:s12+$0xFFFFFFF0] =	vst v3;
	v2 =	vnsel vm0, $0x0, v2;
	vm0 =	vge.f32 v8, $5.000000000e-01  }
0x2bf: {  	[tilespmem:s12+$0x0] =	vst v2;
	v1 =	vnsel vm0, $0x0, v1;
	vm0 =	vge.f32 v9, $5.000000000e-01  }
0x2c0: {  	[tilespmem:s12+$0x10] =	vst v1;
	v0 =	vnsel vm0, $0x0, v0  }
0x2c1: {  	[tilespmem:s12+$0x20] =	vst v0  }
0x2c2: {  	s11 =	sld [smem:$0x7F3];
	_ =	sdelay $0x1  }
0x2c3: {  	s13 =	sld [smem:$0x7FA]  }
0x2c4: {  	[hbm4b:s11+s1] =	stream.linear.scatter [tilespmem:s5], [sflag:$0x8], $0x2000, $0x38;
	[tilespmem:$0x18000] =	vst v63  }
0x2c5: {  	_ = 	snop  }
0x2c6: {  	[tilespmem:s26], [sflag:$0x4] =	stream.linear.gather [hbm4b:s13+s1], $0x2000, $0x38;
	[tilespmem:$0x18000] =	vst v63  }
0x2c7: {  	_ = 	snop  }
0x2c8: {  	[tilespmem:s28], [sflag:$0x4] =	stream.linear.gather [hbm4b:s15+s1], $0x2000, $0x38;
	[tilespmem:$0x18000] =	vst v63  }
0x2c9: {  	_ =	swait.ge [sflag:s29], $0x2000  }
0x2ca: {  	[sflag:s29] =	ssyncset.done $0x0  }
0x2cb: {  	[sflag:s29] =	ssyncadd.s32 $0xFFFFE000  }
0x2cc: {  	_ =	swait.ge [sflag:s29], $0x2000  }
0x2cd: {  	[sflag:s29] =	ssyncset.done $0x0  }
0x2ce: {  	[sflag:s29] =	ssyncadd.s32 $0xFFFFE000  }
0x2cf: {  	_ =	swait.ge [sflag:s6], $0x2000  }
0x2d0: {  	[sflag:s6] =	ssyncset.done $0x0  }
0x2d1: {  	s14 =	simm.s32 $0x40;
	[sflag:s6] =	ssyncadd.s32 $0xFFFFE000  }
0x2d2: {  	s11 =	simm.s32 $0x8040;
	v0 =	vld [tilespmem:s14+$0x30]  }
0x2d3: {  	v1 =	vld [tilespmem:s11+$0x30]  }
0x2d4: {  	v2 =	vld [tilespmem:s14+$0xFFFFFFD0]  }
0x2d5: {  	v3 =	vld [tilespmem:s14+$0xFFFFFFE0]  }
0x2d6: {  	v7 =	vld [tilespmem:s14+$0xFFFFFFF0]  }
0x2d7: {  	v8 =	vld [tilespmem:s14+$0x0]  }
0x2d8: {  	v9 =	vld [tilespmem:s14+$0x10]  }
0x2d9: {  	v11 =	vld [tilespmem:s14+$0x20]  }
0x2da: {  	v12 =	vld [tilespmem:s14+$0xFFFFFFC0]  }
0x2db: {  	v13 =	vld [tilespmem:s11+$0xFFFFFFC0]  }
0x2dc: {  	v14 =	vld [tilespmem:s11+$0xFFFFFFD0]  }
0x2dd: {  	v10 =	vld [tilespmem:s11+$0xFFFFFFE0];
	v0 =	vadd.f32 v0, v0;
	v5 =	vadd.f32 v2, v2  }
0x2de: {  	v6 =	vld [tilespmem:s11+$0xFFFFFFF0];
	v4 =	vadd.f32 v3, v3;
	v3 =	vadd.f32 v7, v7  }
0x2df: {  	vm0 =	vge.f32 v1, $5.000000000e-01;
	v12 =	vadd.f32 v12, v12;
	v7 =	vld [tilespmem:s11+$0x0];
	v2 =	vadd.f32 v8, v8  }
0x2e0: {  	s12 =	simm.s32 $0x10040;
	v1 =	vadd.f32 v9, v9;
	v8 =	vld [tilespmem:s11+$0x10];
	v0 =	vnsel vm0, $0x0, v0;
	vm0 =	vge.f32 v13, $5.000000000e-01  }
0x2e1: {  	s13 =	simm.s32 $0x0;
	s14 =	simm.s32 $0xC0;
	v9 =	vld [tilespmem:s11+$0x20];
	[tilespmem:s12+$0x30] =	vst v0;
	v0 =	vadd.f32 v11, v11;
	v11 =	vnsel vm0, $0x0, v12;
	vm0 =	vge.f32 v14, $5.000000000e-01  }
.LBB2_26:
0x2e2: {  	v12 =	vld [tilespmem:s14+$0x30];
	s13 =	sadd.s32 $0x80, s13;
	[tilespmem:s12+$0xFFFFFFC0] =	vst v11;
	v5 =	vnsel vm0, $0x0, v5;
	vm0 =	vge.f32 v10, $5.000000000e-01;
	s11 =	sadd.s32 $0x80, s11  }
0x2e3: {  	v10 =	vld [tilespmem:s11+$0x30];
	p0 =	slt.u32 s13, $0x1F80;
	[tilespmem:s12+$0xFFFFFFD0] =	vst v5;
	v4 =	vnsel vm0, $0x0, v4;
	vm0 =	vge.f32 v6, $5.000000000e-01  }
0x2e4: {  	v5 =	vld [tilespmem:s14+$0xFFFFFFD0];
	[tilespmem:s12+$0xFFFFFFE0] =	vst v4;
	v3 =	vnsel vm0, $0x0, v3;
	vm0 =	vge.f32 v7, $5.000000000e-01  }
0x2e5: {  	v4 =	vld [tilespmem:s14+$0xFFFFFFE0];
	[tilespmem:s12+$0xFFFFFFF0] =	vst v3;
	v2 =	vnsel vm0, $0x0, v2;
	vm0 =	vge.f32 v8, $5.000000000e-01  }
0x2e6: {  	v3 =	vld [tilespmem:s14+$0xFFFFFFF0];
	[tilespmem:s12+$0x0] =	vst v2;
	v1 =	vnsel vm0, $0x0, v1;
	vm0 =	vge.f32 v9, $5.000000000e-01  }
0x2e7: {  	v2 =	vld [tilespmem:s14+$0x0];
	v6 =	vadd.f32 v12, v12;
	[tilespmem:s12+$0x10] =	vst v1;
	v0 =	vnsel vm0, $0x0, v0  }
0x2e8: {  	v1 =	vld [tilespmem:s14+$0x10];
	vm0 =	vge.f32 v10, $5.000000000e-01;
	[tilespmem:s12+$0x20] =	vst v0  }
0x2e9: {  	s12 =	sadd.s32 $0x80, s12;
	v5 =	vadd.f32 v5, v5;
	v0 =	vld [tilespmem:s14+$0x20];
	v6 =	vnsel vm0, $0x0, v6  }
0x2ea: {  	v7 =	vld [tilespmem:s14+$0xFFFFFFC0];
	v4 =	vadd.f32 v4, v4;
	[tilespmem:s12+$0x30] =	vst v6  }
0x2eb: {  	v8 =	vld [tilespmem:s11+$0xFFFFFFC0];
	v3 =	vadd.f32 v3, v3  }
0x2ec: {  	v9 =	vld [tilespmem:s11+$0xFFFFFFD0];
	v2 =	vadd.f32 v2, v2  }
.Ltmp12:
0x2ed: {  	v10 =	vld [tilespmem:s11+$0xFFFFFFE0];
	v1 =	vadd.f32 v1, v1;
	(pc) =	sbr.rel @p0 .LBB2_26-.Ltmp12, $4  }
0x2ee: {  	v6 =	vld [tilespmem:s11+$0xFFFFFFF0];
	v0 =	vadd.f32 v0, v0  }
0x2ef: {  	v11 =	vadd.f32 v7, v7;
	v7 =	vld [tilespmem:s11+$0x0]  }
0x2f0: {  	vm0 =	vge.f32 v8, $5.000000000e-01;
	v8 =	vld [tilespmem:s11+$0x10]  }
0x2f1: {  	s14 =	sadd.s32 $0x80, s14;
	v11 =	vnsel vm0, $0x0, v11;
	vm0 =	vge.f32 v9, $5.000000000e-01;
	v9 =	vld [tilespmem:s11+$0x20]  }
0x2f2: {  	[tilespmem:s12+$0xFFFFFFC0] =	vst v11;
	v5 =	vnsel vm0, $0x0, v5;
	vm0 =	vge.f32 v10, $5.000000000e-01  }
0x2f3: {  	[tilespmem:s12+$0xFFFFFFD0] =	vst v5;
	v4 =	vnsel vm0, $0x0, v4;
	vm0 =	vge.f32 v6, $5.000000000e-01  }
0x2f4: {  	[tilespmem:s12+$0xFFFFFFE0] =	vst v4;
	v3 =	vnsel vm0, $0x0, v3;
	vm0 =	vge.f32 v7, $5.000000000e-01  }
0x2f5: {  	[tilespmem:s12+$0xFFFFFFF0] =	vst v3;
	v2 =	vnsel vm0, $0x0, v2;
	vm0 =	vge.f32 v8, $5.000000000e-01  }
0x2f6: {  	[tilespmem:s12+$0x0] =	vst v2;
	v1 =	vnsel vm0, $0x0, v1;
	vm0 =	vge.f32 v9, $5.000000000e-01  }
0x2f7: {  	[tilespmem:s12+$0x10] =	vst v1;
	v0 =	vnsel vm0, $0x0, v0  }
0x2f8: {  	[tilespmem:s12+$0x20] =	vst v0  }
0x2f9: {  	[hbm4b:s16+s1] =	stream.linear.scatter [tilespmem:s30], [sflag:$0x5], $0x2000, $0x38;
	[tilespmem:$0x18000] =	vst v63  }
0x2fa: {  	_ =	swait.ge [sflag:s31], $0x2000  }
0x2fb: {  	[sflag:s31] =	ssyncset.done $0x0  }
0x2fc: {  	[sflag:s31] =	ssyncadd.s32 $0xFFFFE000  }
0x2fd: {  	_ =	swait.ge [sflag:s31], $0x2000  }
0x2fe: {  	[sflag:s31] =	ssyncset.done $0x0  }
0x2ff: {  	[sflag:s31] =	ssyncadd.s32 $0xFFFFE000  }
0x300: {  	_ =	swait.ge [sflag:s7], $0x2000  }
0x301: {  	[sflag:s7] =	ssyncset.done $0x0  }
0x302: {  	s14 =	simm.s32 $0x2040;
	[sflag:s7] =	ssyncadd.s32 $0xFFFFE000  }
0x303: {  	s11 =	simm.s32 $0xA040;
	v0 =	vld [tilespmem:s14+$0x30]  }
0x304: {  	v1 =	vld [tilespmem:s11+$0x30]  }
0x305: {  	v2 =	vld [tilespmem:s14+$0xFFFFFFD0]  }
0x306: {  	v3 =	vld [tilespmem:s14+$0xFFFFFFE0]  }
0x307: {  	v7 =	vld [tilespmem:s14+$0xFFFFFFF0]  }
0x308: {  	v8 =	vld [tilespmem:s14+$0x0]  }
0x309: {  	v9 =	vld [tilespmem:s14+$0x10]  }
0x30a: {  	v11 =	vld [tilespmem:s14+$0x20]  }
0x30b: {  	v12 =	vld [tilespmem:s14+$0xFFFFFFC0]  }
0x30c: {  	v13 =	vld [tilespmem:s11+$0xFFFFFFC0]  }
0x30d: {  	v14 =	vld [tilespmem:s11+$0xFFFFFFD0]  }
0x30e: {  	v10 =	vld [tilespmem:s11+$0xFFFFFFE0];
	v0 =	vadd.f32 v0, v0;
	v5 =	vadd.f32 v2, v2  }
0x30f: {  	v6 =	vld [tilespmem:s11+$0xFFFFFFF0];
	v4 =	vadd.f32 v3, v3;
	v3 =	vadd.f32 v7, v7  }
0x310: {  	vm0 =	vge.f32 v1, $5.000000000e-01;
	v12 =	vadd.f32 v12, v12;
	v7 =	vld [tilespmem:s11+$0x0];
	v2 =	vadd.f32 v8, v8  }
0x311: {  	s12 =	simm.s32 $0x12040;
	v1 =	vadd.f32 v9, v9;
	v8 =	vld [tilespmem:s11+$0x10];
	v0 =	vnsel vm0, $0x0, v0;
	vm0 =	vge.f32 v13, $5.000000000e-01  }
0x312: {  	s13 =	simm.s32 $0x0;
	s14 =	simm.s32 $0x20C0;
	v9 =	vld [tilespmem:s11+$0x20];
	[tilespmem:s12+$0x30] =	vst v0;
	v0 =	vadd.f32 v11, v11;
	v11 =	vnsel vm0, $0x0, v12;
	vm0 =	vge.f32 v14, $5.000000000e-01  }
.LBB2_28:
0x313: {  	v12 =	vld [tilespmem:s14+$0x30];
	s13 =	sadd.s32 $0x80, s13;
	[tilespmem:s12+$0xFFFFFFC0] =	vst v11;
	v5 =	vnsel vm0, $0x0, v5;
	vm0 =	vge.f32 v10, $5.000000000e-01;
	s11 =	sadd.s32 $0x80, s11  }
0x314: {  	v10 =	vld [tilespmem:s11+$0x30];
	p0 =	slt.u32 s13, $0x1F80;
	[tilespmem:s12+$0xFFFFFFD0] =	vst v5;
	v4 =	vnsel vm0, $0x0, v4;
	vm0 =	vge.f32 v6, $5.000000000e-01  }
0x315: {  	v5 =	vld [tilespmem:s14+$0xFFFFFFD0];
	[tilespmem:s12+$0xFFFFFFE0] =	vst v4;
	v3 =	vnsel vm0, $0x0, v3;
	vm0 =	vge.f32 v7, $5.000000000e-01  }
0x316: {  	v4 =	vld [tilespmem:s14+$0xFFFFFFE0];
	[tilespmem:s12+$0xFFFFFFF0] =	vst v3;
	v2 =	vnsel vm0, $0x0, v2;
	vm0 =	vge.f32 v8, $5.000000000e-01  }
0x317: {  	v3 =	vld [tilespmem:s14+$0xFFFFFFF0];
	[tilespmem:s12+$0x0] =	vst v2;
	v1 =	vnsel vm0, $0x0, v1;
	vm0 =	vge.f32 v9, $5.000000000e-01  }
0x318: {  	v2 =	vld [tilespmem:s14+$0x0];
	v6 =	vadd.f32 v12, v12;
	[tilespmem:s12+$0x10] =	vst v1;
	v0 =	vnsel vm0, $0x0, v0  }
0x319: {  	v1 =	vld [tilespmem:s14+$0x10];
	vm0 =	vge.f32 v10, $5.000000000e-01;
	[tilespmem:s12+$0x20] =	vst v0  }
0x31a: {  	s12 =	sadd.s32 $0x80, s12;
	v5 =	vadd.f32 v5, v5;
	v0 =	vld [tilespmem:s14+$0x20];
	v6 =	vnsel vm0, $0x0, v6  }
0x31b: {  	v7 =	vld [tilespmem:s14+$0xFFFFFFC0];
	v4 =	vadd.f32 v4, v4;
	[tilespmem:s12+$0x30] =	vst v6  }
0x31c: {  	v8 =	vld [tilespmem:s11+$0xFFFFFFC0];
	v3 =	vadd.f32 v3, v3  }
0x31d: {  	v9 =	vld [tilespmem:s11+$0xFFFFFFD0];
	v2 =	vadd.f32 v2, v2  }
.Ltmp13:
0x31e: {  	v10 =	vld [tilespmem:s11+$0xFFFFFFE0];
	v1 =	vadd.f32 v1, v1;
	(pc) =	sbr.rel @p0 .LBB2_28-.Ltmp13, $4  }
0x31f: {  	v6 =	vld [tilespmem:s11+$0xFFFFFFF0];
	v0 =	vadd.f32 v0, v0  }
0x320: {  	v11 =	vadd.f32 v7, v7;
	v7 =	vld [tilespmem:s11+$0x0]  }
0x321: {  	vm0 =	vge.f32 v8, $5.000000000e-01;
	v8 =	vld [tilespmem:s11+$0x10]  }
0x322: {  	s14 =	sadd.s32 $0x80, s14;
	v11 =	vnsel vm0, $0x0, v11;
	vm0 =	vge.f32 v9, $5.000000000e-01;
	v9 =	vld [tilespmem:s11+$0x20]  }
0x323: {  	[tilespmem:s12+$0xFFFFFFC0] =	vst v11;
	v5 =	vnsel vm0, $0x0, v5;
	vm0 =	vge.f32 v10, $5.000000000e-01  }
0x324: {  	[tilespmem:s12+$0xFFFFFFD0] =	vst v5;
	v4 =	vnsel vm0, $0x0, v4;
	vm0 =	vge.f32 v6, $5.000000000e-01  }
0x325: {  	[tilespmem:s12+$0xFFFFFFE0] =	vst v4;
	v3 =	vnsel vm0, $0x0, v3;
	vm0 =	vge.f32 v7, $5.000000000e-01  }
0x326: {  	[tilespmem:s12+$0xFFFFFFF0] =	vst v3;
	v2 =	vnsel vm0, $0x0, v2;
	vm0 =	vge.f32 v8, $5.000000000e-01  }
0x327: {  	[tilespmem:s12+$0x0] =	vst v2;
	v1 =	vnsel vm0, $0x0, v1;
	vm0 =	vge.f32 v9, $5.000000000e-01  }
0x328: {  	[tilespmem:s12+$0x10] =	vst v1;
	v0 =	vnsel vm0, $0x0, v0  }
0x329: {  	[tilespmem:s12+$0x20] =	vst v0  }
0x32a: {  	[hbm4b:s17+s1] =	stream.linear.scatter [tilespmem:s0], [sflag:$0x6], $0x2000, $0x38;
	[tilespmem:$0x18000] =	vst v63  }
0x32b: {  	_ =	swait.ge [sflag:s2], $0x2000  }
0x32c: {  	[sflag:s2] =	ssyncset.done $0x0  }
0x32d: {  	[sflag:s2] =	ssyncadd.s32 $0xFFFFE000  }
0x32e: {  	_ =	swait.ge [sflag:s2], $0x2000  }
0x32f: {  	[sflag:s2] =	ssyncset.done $0x0  }
0x330: {  	[sflag:s2] =	ssyncadd.s32 $0xFFFFE000  }
0x331: {  	_ =	swait.ge [sflag:s8], $0x2000  }
0x332: {  	[sflag:s8] =	ssyncset.done $0x0  }
0x333: {  	s14 =	simm.s32 $0x4040;
	[sflag:s8] =	ssyncadd.s32 $0xFFFFE000  }
0x334: {  	s11 =	simm.s32 $0xC040;
	v0 =	vld [tilespmem:s14+$0x30]  }
0x335: {  	v1 =	vld [tilespmem:s11+$0x30]  }
0x336: {  	v2 =	vld [tilespmem:s14+$0xFFFFFFD0]  }
0x337: {  	v3 =	vld [tilespmem:s14+$0xFFFFFFE0]  }
0x338: {  	v7 =	vld [tilespmem:s14+$0xFFFFFFF0]  }
0x339: {  	v8 =	vld [tilespmem:s14+$0x0]  }
0x33a: {  	v9 =	vld [tilespmem:s14+$0x10]  }
0x33b: {  	v11 =	vld [tilespmem:s14+$0x20]  }
0x33c: {  	v12 =	vld [tilespmem:s14+$0xFFFFFFC0]  }
0x33d: {  	v13 =	vld [tilespmem:s11+$0xFFFFFFC0]  }
0x33e: {  	v14 =	vld [tilespmem:s11+$0xFFFFFFD0]  }
0x33f: {  	v10 =	vld [tilespmem:s11+$0xFFFFFFE0];
	v0 =	vadd.f32 v0, v0;
	v5 =	vadd.f32 v2, v2  }
0x340: {  	v6 =	vld [tilespmem:s11+$0xFFFFFFF0];
	v4 =	vadd.f32 v3, v3;
	v3 =	vadd.f32 v7, v7  }
0x341: {  	vm0 =	vge.f32 v1, $5.000000000e-01;
	v12 =	vadd.f32 v12, v12;
	v7 =	vld [tilespmem:s11+$0x0];
	v2 =	vadd.f32 v8, v8  }
0x342: {  	s12 =	simm.s32 $0x14040;
	v1 =	vadd.f32 v9, v9;
	v8 =	vld [tilespmem:s11+$0x10];
	v0 =	vnsel vm0, $0x0, v0;
	vm0 =	vge.f32 v13, $5.000000000e-01  }
0x343: {  	s13 =	simm.s32 $0x0;
	s14 =	simm.s32 $0x40C0;
	v9 =	vld [tilespmem:s11+$0x20];
	[tilespmem:s12+$0x30] =	vst v0;
	v0 =	vadd.f32 v11, v11;
	v11 =	vnsel vm0, $0x0, v12;
	vm0 =	vge.f32 v14, $5.000000000e-01  }
.LBB2_30:
0x344: {  	v12 =	vld [tilespmem:s14+$0x30];
	s13 =	sadd.s32 $0x80, s13;
	[tilespmem:s12+$0xFFFFFFC0] =	vst v11;
	v5 =	vnsel vm0, $0x0, v5;
	vm0 =	vge.f32 v10, $5.000000000e-01;
	s11 =	sadd.s32 $0x80, s11  }
0x345: {  	v10 =	vld [tilespmem:s11+$0x30];
	p0 =	slt.u32 s13, $0x1F80;
	[tilespmem:s12+$0xFFFFFFD0] =	vst v5;
	v4 =	vnsel vm0, $0x0, v4;
	vm0 =	vge.f32 v6, $5.000000000e-01  }
0x346: {  	v5 =	vld [tilespmem:s14+$0xFFFFFFD0];
	[tilespmem:s12+$0xFFFFFFE0] =	vst v4;
	v3 =	vnsel vm0, $0x0, v3;
	vm0 =	vge.f32 v7, $5.000000000e-01  }
0x347: {  	v4 =	vld [tilespmem:s14+$0xFFFFFFE0];
	[tilespmem:s12+$0xFFFFFFF0] =	vst v3;
	v2 =	vnsel vm0, $0x0, v2;
	vm0 =	vge.f32 v8, $5.000000000e-01  }
0x348: {  	v3 =	vld [tilespmem:s14+$0xFFFFFFF0];
	[tilespmem:s12+$0x0] =	vst v2;
	v1 =	vnsel vm0, $0x0, v1;
	vm0 =	vge.f32 v9, $5.000000000e-01  }
0x349: {  	v2 =	vld [tilespmem:s14+$0x0];
	v6 =	vadd.f32 v12, v12;
	[tilespmem:s12+$0x10] =	vst v1;
	v0 =	vnsel vm0, $0x0, v0  }
0x34a: {  	v1 =	vld [tilespmem:s14+$0x10];
	vm0 =	vge.f32 v10, $5.000000000e-01;
	[tilespmem:s12+$0x20] =	vst v0  }
0x34b: {  	s12 =	sadd.s32 $0x80, s12;
	v5 =	vadd.f32 v5, v5;
	v0 =	vld [tilespmem:s14+$0x20];
	v6 =	vnsel vm0, $0x0, v6  }
0x34c: {  	v7 =	vld [tilespmem:s14+$0xFFFFFFC0];
	v4 =	vadd.f32 v4, v4;
	[tilespmem:s12+$0x30] =	vst v6  }
0x34d: {  	v8 =	vld [tilespmem:s11+$0xFFFFFFC0];
	v3 =	vadd.f32 v3, v3  }
0x34e: {  	v9 =	vld [tilespmem:s11+$0xFFFFFFD0];
	v2 =	vadd.f32 v2, v2  }
.Ltmp14:
0x34f: {  	v10 =	vld [tilespmem:s11+$0xFFFFFFE0];
	v1 =	vadd.f32 v1, v1;
	(pc) =	sbr.rel @p0 .LBB2_30-.Ltmp14, $4  }
0x350: {  	v6 =	vld [tilespmem:s11+$0xFFFFFFF0];
	v0 =	vadd.f32 v0, v0  }
0x351: {  	v11 =	vadd.f32 v7, v7;
	v7 =	vld [tilespmem:s11+$0x0]  }
0x352: {  	vm0 =	vge.f32 v8, $5.000000000e-01;
	v8 =	vld [tilespmem:s11+$0x10]  }
0x353: {  	s14 =	sadd.s32 $0x80, s14;
	v11 =	vnsel vm0, $0x0, v11;
	vm0 =	vge.f32 v9, $5.000000000e-01;
	v9 =	vld [tilespmem:s11+$0x20]  }
0x354: {  	[tilespmem:s12+$0xFFFFFFC0] =	vst v11;
	v5 =	vnsel vm0, $0x0, v5;
	vm0 =	vge.f32 v10, $5.000000000e-01  }
0x355: {  	[tilespmem:s12+$0xFFFFFFD0] =	vst v5;
	v4 =	vnsel vm0, $0x0, v4;
	vm0 =	vge.f32 v6, $5.000000000e-01  }
0x356: {  	[tilespmem:s12+$0xFFFFFFE0] =	vst v4;
	v3 =	vnsel vm0, $0x0, v3;
	vm0 =	vge.f32 v7, $5.000000000e-01  }
0x357: {  	[tilespmem:s12+$0xFFFFFFF0] =	vst v3;
	v2 =	vnsel vm0, $0x0, v2;
	vm0 =	vge.f32 v8, $5.000000000e-01  }
0x358: {  	[tilespmem:s12+$0x0] =	vst v2;
	v1 =	vnsel vm0, $0x0, v1;
	vm0 =	vge.f32 v9, $5.000000000e-01  }
0x359: {  	[tilespmem:s12+$0x10] =	vst v1;
	v0 =	vnsel vm0, $0x0, v0  }
0x35a: {  	[tilespmem:s12+$0x20] =	vst v0  }
0x35b: {  	[hbm4b:s18+s1] =	stream.linear.scatter [tilespmem:s3], [sflag:$0x7], $0x2000, $0x38;
	[tilespmem:$0x18000] =	vst v63  }
0x35c: {  	_ =	swait.ge [sflag:s4], $0x2000  }
0x35d: {  	[sflag:s4] =	ssyncset.done $0x0  }
0x35e: {  	[sflag:s4] =	ssyncadd.s32 $0xFFFFE000  }
0x35f: {  	_ =	swait.ge [sflag:s4], $0x2000  }
0x360: {  	[sflag:s4] =	ssyncset.done $0x0  }
0x361: {  	[sflag:s4] =	ssyncadd.s32 $0xFFFFE000  }
0x362: {  	_ =	swait.ge [sflag:s9], $0x2000  }
0x363: {  	[sflag:s9] =	ssyncset.done $0x0  }
0x364: {  	s14 =	simm.s32 $0x6040;
	[sflag:s9] =	ssyncadd.s32 $0xFFFFE000  }
0x365: {  	s11 =	simm.s32 $0xE040;
	v0 =	vld [tilespmem:s14+$0x30]  }
0x366: {  	v1 =	vld [tilespmem:s11+$0x30]  }
0x367: {  	v2 =	vld [tilespmem:s14+$0xFFFFFFD0]  }
0x368: {  	v3 =	vld [tilespmem:s14+$0xFFFFFFE0]  }
0x369: {  	v7 =	vld [tilespmem:s14+$0xFFFFFFF0]  }
0x36a: {  	v8 =	vld [tilespmem:s14+$0x0]  }
0x36b: {  	v9 =	vld [tilespmem:s14+$0x10]  }
0x36c: {  	v11 =	vld [tilespmem:s14+$0x20]  }
0x36d: {  	v12 =	vld [tilespmem:s14+$0xFFFFFFC0]  }
0x36e: {  	v13 =	vld [tilespmem:s11+$0xFFFFFFC0]  }
0x36f: {  	v14 =	vld [tilespmem:s11+$0xFFFFFFD0]  }
0x370: {  	v10 =	vld [tilespmem:s11+$0xFFFFFFE0];
	v0 =	vadd.f32 v0, v0;
	v5 =	vadd.f32 v2, v2  }
0x371: {  	v6 =	vld [tilespmem:s11+$0xFFFFFFF0];
	v4 =	vadd.f32 v3, v3;
	v3 =	vadd.f32 v7, v7  }
0x372: {  	vm0 =	vge.f32 v1, $5.000000000e-01;
	v12 =	vadd.f32 v12, v12;
	v7 =	vld [tilespmem:s11+$0x0];
	v2 =	vadd.f32 v8, v8  }
0x373: {  	s12 =	simm.s32 $0x16040;
	v1 =	vadd.f32 v9, v9;
	v8 =	vld [tilespmem:s11+$0x10];
	v0 =	vnsel vm0, $0x0, v0;
	vm0 =	vge.f32 v13, $5.000000000e-01  }
0x374: {  	s13 =	simm.s32 $0x0;
	s14 =	simm.s32 $0x60C0;
	v9 =	vld [tilespmem:s11+$0x20];
	[tilespmem:s12+$0x30] =	vst v0;
	v0 =	vadd.f32 v11, v11;
	v11 =	vnsel vm0, $0x0, v12;
	vm0 =	vge.f32 v14, $5.000000000e-01  }
.LBB2_32:
0x375: {  	v12 =	vld [tilespmem:s14+$0x30];
	s13 =	sadd.s32 $0x80, s13;
	[tilespmem:s12+$0xFFFFFFC0] =	vst v11;
	v5 =	vnsel vm0, $0x0, v5;
	vm0 =	vge.f32 v10, $5.000000000e-01;
	s11 =	sadd.s32 $0x80, s11  }
0x376: {  	v10 =	vld [tilespmem:s11+$0x30];
	p0 =	slt.u32 s13, $0x1F80;
	[tilespmem:s12+$0xFFFFFFD0] =	vst v5;
	v4 =	vnsel vm0, $0x0, v4;
	vm0 =	vge.f32 v6, $5.000000000e-01  }
0x377: {  	v5 =	vld [tilespmem:s14+$0xFFFFFFD0];
	[tilespmem:s12+$0xFFFFFFE0] =	vst v4;
	v3 =	vnsel vm0, $0x0, v3;
	vm0 =	vge.f32 v7, $5.000000000e-01  }
0x378: {  	v4 =	vld [tilespmem:s14+$0xFFFFFFE0];
	[tilespmem:s12+$0xFFFFFFF0] =	vst v3;
	v2 =	vnsel vm0, $0x0, v2;
	vm0 =	vge.f32 v8, $5.000000000e-01  }
0x379: {  	v3 =	vld [tilespmem:s14+$0xFFFFFFF0];
	[tilespmem:s12+$0x0] =	vst v2;
	v1 =	vnsel vm0, $0x0, v1;
	vm0 =	vge.f32 v9, $5.000000000e-01  }
0x37a: {  	v2 =	vld [tilespmem:s14+$0x0];
	v6 =	vadd.f32 v12, v12;
	[tilespmem:s12+$0x10] =	vst v1;
	v0 =	vnsel vm0, $0x0, v0  }
0x37b: {  	v1 =	vld [tilespmem:s14+$0x10];
	vm0 =	vge.f32 v10, $5.000000000e-01;
	[tilespmem:s12+$0x20] =	vst v0  }
0x37c: {  	s12 =	sadd.s32 $0x80, s12;
	v5 =	vadd.f32 v5, v5;
	v0 =	vld [tilespmem:s14+$0x20];
	v6 =	vnsel vm0, $0x0, v6  }
0x37d: {  	v7 =	vld [tilespmem:s14+$0xFFFFFFC0];
	v4 =	vadd.f32 v4, v4;
	[tilespmem:s12+$0x30] =	vst v6  }
0x37e: {  	v8 =	vld [tilespmem:s11+$0xFFFFFFC0];
	v3 =	vadd.f32 v3, v3  }
0x37f: {  	v9 =	vld [tilespmem:s11+$0xFFFFFFD0];
	v2 =	vadd.f32 v2, v2  }
.Ltmp15:
0x380: {  	v10 =	vld [tilespmem:s11+$0xFFFFFFE0];
	v1 =	vadd.f32 v1, v1;
	(pc) =	sbr.rel @p0 .LBB2_32-.Ltmp15, $4  }
0x381: {  	v6 =	vld [tilespmem:s11+$0xFFFFFFF0];
	v0 =	vadd.f32 v0, v0  }
0x382: {  	v11 =	vadd.f32 v7, v7;
	v7 =	vld [tilespmem:s11+$0x0]  }
0x383: {  	vm0 =	vge.f32 v8, $5.000000000e-01;
	v8 =	vld [tilespmem:s11+$0x10]  }
0x384: {  	s14 =	sadd.s32 $0x80, s14;
	v11 =	vnsel vm0, $0x0, v11;
	vm0 =	vge.f32 v9, $5.000000000e-01;
	v9 =	vld [tilespmem:s11+$0x20]  }
0x385: {  	[tilespmem:s12+$0xFFFFFFC0] =	vst v11;
	v5 =	vnsel vm0, $0x0, v5;
	vm11 =	vge.f32 v10, $5.000000000e-01  }
0x386: {  	[tilespmem:s12+$0xFFFFFFD0] =	vst v5;
	v4 =	vnsel vm11, $0x0, v4;
	vm12 =	vge.f32 v6, $5.000000000e-01  }
0x387: {  	[tilespmem:s12+$0xFFFFFFE0] =	vst v4;
	v3 =	vnsel vm12, $0x0, v3;
	vm13 =	vge.f32 v7, $5.000000000e-01  }
0x388: {  	[tilespmem:s12+$0xFFFFFFF0] =	vst v3;
	v2 =	vnsel vm13, $0x0, v2;
	vm14 =	vge.f32 v8, $5.000000000e-01  }
0x389: {  	[tilespmem:s12+$0x0] =	vst v2;
	v1 =	vnsel vm14, $0x0, v1;
	vm15 =	vge.f32 v9, $5.000000000e-01  }
0x38a: {  	[tilespmem:s12+$0x10] =	vst v1;
	v0 =	vnsel vm15, $0x0, v0  }
0x38b: {  	[tilespmem:s12+$0x20] =	vst v0  }
0x38c: {  	[hbm4b:s19+s1] =	stream.linear.scatter [tilespmem:s5], [sflag:$0x8], $0x2000, $0x38;
	[tilespmem:$0x18000] =	vst v63  }
0x38d: {  	_ =	swait.ge [sflag:s6], $0x2000  }
0x38e: {  	[sflag:s6] =	ssyncset.done $0x0  }
0x38f: {  	[sflag:s6] =	ssyncadd.s32 $0xFFFFE000  }
0x390: {  	_ =	swait.ge [sflag:s7], $0x2000  }
0x391: {  	[sflag:s7] =	ssyncset.done $0x0  }
0x392: {  	s10 =	sadd.s32 $0x1, s10;
	[sflag:s7] =	ssyncadd.s32 $0xFFFFE000  }
0x393: {  	p0 =	sne.s32 s10, s20;
	_ =	swait.ge [sflag:s8], $0x2000  }
.Ltmp16:
0x394: {  	[sflag:s8] =	ssyncset.done $0x0;
	(pc) =	sbr.rel @p0 .LBB2_1-.Ltmp16, $4  }
0x395: {  	[sflag:s8] =	ssyncadd.s32 $0xFFFFE000  }
0x396: {  	_ =	swait.ge [sflag:s9], $0x2000  }
0x397: {  	[sflag:s9] =	ssyncset.done $0x0  }
0x398: {  	[sflag:s9] =	ssyncadd.s32 $0xFFFFE000  }
0x399: {  	_ =	sfence.sel $0x180000  }
0x39a: {  	[bflag:$0x0] =	sbarrier.arrive $0xFFFF  }
0x39b: {  	_ =	strace $0x90000047  }
0x39c: {  	s0 =	stileid.u32;
	[bflag:$0x2] =	sbarrier.arrive $0xFFFF  }
0x39d: {  	p0 =	sne.s32 s0, $0x0;
	s0 =	rddreg [dreg:$0x3]  }
0x39e: {  	s0 =	sadd.s32 @!p0 $0x100000, s0  }
0x39f: {  	[sflag:s0] =	ssyncadd.tile.s32 @!p0 $0x1;
	_ =	shalt  }
.Lfunc_end2:
_tile_overlayer_lowered:
.L_overlay_start_2:
0x3a0: {  	(tag) =	ssettag $0x2  }
0x3a1: {  	s0 =	rddreg [dreg:$0x0];
	s2 =	stileid.u32  }
0x3a2: {  	s1 =	rddreg [dreg:$0x1];
	p0 =	sne.s32 s2, $0x0  }
0x3a3: {  	s3 =	rddreg [dreg:$0x2];
	[bflag:$0x3] =	sbarrier.arrive $0xFFFF;
	s2 =	simm.s32 @!p0 $0x1C09  }
0x3a4: {  	[timem:s3], [sflag:s2] =	dma.local @!p0 [hbm:s0], s1  }
0x3a5: {  	s0 =	simm.s32 @!p0 $0x9  }
0x3a6: {  	_ =	swait.ge @!p0 [sflag:s0], s1  }
0x3a7: {  	s1 =	ssub.s32 @!p0 $0x0, s1;
	[sflag:s0] =	ssyncset.done @!p0 $0x0  }
0x3a8: {  	[sflag:s0] =	ssyncadd.s32 @!p0 s1  }
0x3a9: {  	[bflag:$0x3] =	sbarrier.arrive $0xFFFF  }
0x3aa: {  	_ =	shalt  }

</sc_bundles>
